<compile_context>
chip_gen: v7x
topology: tpu7x:2x2x1
jax: 0.10.2.dev20260603
libtpu: 0.0.44.dev20260713+nightly
codegen_flags: <defaults>
</compile_context>

<pallas_src>
import functools

import jax
import jax.numpy as jnp
from jax import lax
from jax.experimental import pallas as pl
from jax.experimental.pallas import tpu as pltpu
from jax.experimental.pallas import tpu_sc as plsc

N = 10000
E = 320000
D = 128
B = 64
H = 128
SIGMA_DATA = 0.5

GE = 144
NW = 32
EPW = E // NW
CH = 80
NCH = EPW // CH
RPT = N // 16
ZCH = 25
EB = 2000
L = 16


NB = 2000
NNB = N // NB


def _precompute_body(x_ref, pos_ref, sig_ref, wsrc_ref, wdst_ref, wns_ref,
                     wnd_ref, p_ref, q_ref):
    sig = sig_ref[...]
    c_in = 1.0 / jnp.sqrt(SIGMA_DATA ** 2 + sig * sig)
    c_noise = jnp.log(sig) / 4.0
    xc = c_in * x_ref[...]
    posc = c_in * pos_ref[...]
    zpad = jnp.zeros((NB, GE - 131), jnp.float32)
    p = jnp.dot(xc, wsrc_ref[...], preferred_element_type=jnp.float32)
    p = p + c_noise * wns_ref[...]
    q = jnp.dot(xc, wdst_ref[...], preferred_element_type=jnp.float32)
    q = q + c_noise * wnd_ref[...]
    p_ref[...] = jnp.concatenate([p, posc, zpad], axis=1)
    q_ref[...] = jnp.concatenate(
        [q, jnp.zeros((NB, 4), jnp.float32), posc,
         jnp.zeros((NB, GE - 135), jnp.float32)], axis=1)


def _precompute(x, pos, sig2, wsrc, wdst, wns, wnd):
    nspec = lambda w: pl.BlockSpec((NB, w), lambda i: (i, 0))
    wspec = lambda a, b: pl.BlockSpec((a, b), lambda i: (0, 0))
    return pl.pallas_call(
        _precompute_body,
        grid=(NNB,),
        in_specs=[nspec(D), nspec(3), nspec(1), wspec(D, H), wspec(D, H),
                  wspec(1, H), wspec(1, H)],
        out_specs=(nspec(GE), nspec(GE)),
        out_shape=(jax.ShapeDtypeStruct((N, GE), jnp.float32),
                   jax.ShapeDtypeStruct((N, GE), jnp.float32)),
    )(x, pos, sig2, wsrc, wdst, wns, wnd)


def _gather_body(p_hbm, q_hbm, src3_hbm, dst3_hbm, g_hbm,
                 sall, dall, ba0, ba1, bb0, bb1, bc0, bc1,
                 sa0, sa1, sb0, sb1, sw0, sw1):
    wid = lax.axis_index("s") * 2 + lax.axis_index("c")
    base = wid * EPW
    pltpu.sync_copy(src3_hbm.at[wid], sall)
    pltpu.sync_copy(dst3_hbm.at[wid], dall)
    ba = (ba0, ba1)
    bb = (bb0, bb1)
    bc = (bc0, bc1)
    sa = (sa0, sa1)
    sb = (sb0, sb1)
    sw = (sw0, sw1)

    def start(j, s):
        pltpu.async_copy(p_hbm.at[sall.at[j]], ba[s], sa[s])
        pltpu.async_copy(q_hbm.at[dall.at[j]], bb[s], sb[s])

    start(0, 0)
    start(1, 1)

    def half(i, j, s):
        pltpu.make_async_copy(p_hbm.at[sall.at[j]], ba[s], sa[s]).wait()
        pltpu.make_async_copy(q_hbm.at[dall.at[j]], bb[s], sb[s]).wait()

        @pl.when(i > 0)
        def _():
            pltpu.make_async_copy(
                bc[s], g_hbm.at[pl.ds(base + (j - 2) * CH, CH)], sw[s]).wait()

        def row(r, c2):
            for g in range(GE // L):
                sl = pl.ds(g * L, L)
                bc[s][r, sl] = ba[s][r, sl] + bb[s][r, sl]
            return c2

        lax.fori_loop(0, CH, row, 0, unroll=2)

        @pl.when(j + 2 < NCH)
        def _():
            start(j + 2, s)

        pltpu.async_copy(bc[s], g_hbm.at[pl.ds(base + j * CH, CH)], sw[s])

    def pair(i, c):
        half(i, 2 * i, 0)
        half(i, 2 * i + 1, 1)
        return c

    lax.fori_loop(0, NCH // 2, pair, 0)
    half(NCH // 2, NCH - 1, 0)
    pltpu.make_async_copy(
        bc[1], g_hbm.at[pl.ds(base + (NCH - 2) * CH, CH)], sw[1]).wait()
    pltpu.make_async_copy(
        bc[0], g_hbm.at[pl.ds(base + (NCH - 1) * CH, CH)], sw[0]).wait()


_gather = functools.partial(
    pl.kernel,
    out_type=jax.ShapeDtypeStruct((E, GE), jnp.float32),
    mesh=plsc.VectorSubcoreMesh(core_axis_name="c", subcore_axis_name="s"),
    compiler_params=pltpu.CompilerParams(use_tc_tiling_on_sc=False),
    scratch_types=[
        pltpu.VMEM((NCH, CH), jnp.int32),
        pltpu.VMEM((NCH, CH), jnp.int32),
        pltpu.VMEM((CH, GE), jnp.float32),
        pltpu.VMEM((CH, GE), jnp.float32),
        pltpu.VMEM((CH, GE), jnp.float32),
        pltpu.VMEM((CH, GE), jnp.float32),
        pltpu.VMEM((CH, GE), jnp.float32),
        pltpu.VMEM((CH, GE), jnp.float32),
        pltpu.SemaphoreType.DMA,
        pltpu.SemaphoreType.DMA,
        pltpu.SemaphoreType.DMA,
        pltpu.SemaphoreType.DMA,
        pltpu.SemaphoreType.DMA,
        pltpu.SemaphoreType.DMA,
    ],
)(_gather_body)


def _edge_mlp_body(w2_ref, wx_ref, w259_ref, g_ref, out_ref):
    g = g_ref[...]
    rel = g[:, 128:131] - g[:, 132:135]
    d2 = jnp.sum(rel * rel, axis=1, keepdims=True)
    m0 = g[:, :128] + d2 * w259_ref[...]
    m1 = jax.nn.silu(m0)
    m2 = jax.nn.silu(jnp.dot(m1, w2_ref[...], preferred_element_type=jnp.float32))
    coef = jnp.tanh(jnp.dot(m2, wx_ref[...], preferred_element_type=jnp.float32))
    out_ref[...] = jnp.concatenate(
        [m2, rel * coef, jnp.ones((EB, 1), jnp.float32),
         jnp.zeros((EB, GE - 132), jnp.float32)], axis=1)


def _edge_mlp(w2, wx, w259, gmat):
    return pl.pallas_call(
        _edge_mlp_body,
        grid=(E // EB,),
        in_specs=[
            pl.BlockSpec((H, H), lambda i: (0, 0)),
            pl.BlockSpec((H, 1), lambda i: (0, 0)),
            pl.BlockSpec((1, H), lambda i: (0, 0)),
            pl.BlockSpec((EB, GE), lambda i: (i, 0)),
        ],
        out_specs=pl.BlockSpec((EB, GE), lambda i: (i, 0)),
        out_shape=jax.ShapeDtypeStruct((E, GE), jnp.float32),
    )(w2, wx, w259, gmat)


def _scatter_body(m_hbm, dst3_hbm, o_hbm, dall, mb0, mb1, zbuf, acc, sm0, sm1):
    cid = lax.axis_index("c")
    sid = lax.axis_index("s")
    wid = cid * 16 + sid
    base = wid * EPW
    mb = (mb0, mb1)
    sm = (sm0, sm1)

    def zrow(r, c):
        for g in range(GE // L):
            zbuf[r, pl.ds(g * L, L)] = jnp.zeros((L,), jnp.float32)
        return c

    lax.fori_loop(0, ZCH, zrow, 0)

    def zchunk(k, c):
        pltpu.sync_copy(zbuf, acc.at[pl.ds(sid * RPT + k * ZCH, ZCH)])
        return c

    lax.fori_loop(0, RPT // ZCH, zchunk, 0)
    pltpu.sync_copy(dst3_hbm.at[wid], dall)
    plsc.subcore_barrier()

    def startm(j, s):
        pltpu.async_copy(m_hbm.at[pl.ds(base + j * CH, CH)], mb[s], sm[s])

    startm(0, 0)
    startm(1, 1)

    def half(j, s):
        pltpu.make_async_copy(
            m_hbm.at[pl.ds(base + j * CH, CH)], mb[s], sm[s]).wait()
        pltpu.sync_copy(mb[s], acc.at[dall.at[j]], add=True)

        @pl.when(j + 2 < NCH)
        def _():
            startm(j + 2, s)

    def pair(i, c):
        half(2 * i, 0)
        half(2 * i + 1, 1)
        return c

    lax.fori_loop(0, NCH // 2, pair, 0)
    half(NCH - 1, 0)
    plsc.subcore_barrier()

    def ochunk(k, c):
        r0 = sid * RPT + k * ZCH
        pltpu.sync_copy(acc.at[pl.ds(r0, ZCH)], o_hbm.at[cid, pl.ds(r0, ZCH)])
        return c

    lax.fori_loop(0, RPT // ZCH, ochunk, 0)


_scatter = functools.partial(
    pl.kernel,
    out_type=jax.ShapeDtypeStruct((2, N, GE), jnp.float32),
    mesh=plsc.VectorSubcoreMesh(core_axis_name="c", subcore_axis_name="s"),
    compiler_params=pltpu.CompilerParams(use_tc_tiling_on_sc=False),
    scratch_types=[
        pltpu.VMEM((NCH, CH), jnp.int32),
        pltpu.VMEM((CH, GE), jnp.float32),
        pltpu.VMEM((CH, GE), jnp.float32),
        pltpu.VMEM((ZCH, GE), jnp.float32),
        pltpu.VMEM_SHARED((N, GE), jnp.float32),
        pltpu.SemaphoreType.DMA,
        pltpu.SemaphoreType.DMA,
    ],
)(_scatter_body)


def _node_q(part_ref):
    p0 = part_ref[0]
    p1 = part_ref[1]
    upd = p0[:, 128:131] + p1[:, 128:131]
    cnt = p0[:, 131:132] + p1[:, 131:132]
    cntg = jnp.where(cnt == 0.0, 1.0, cnt)
    return upd / cntg


def _graph_mean_body(bat_ref, part_ref, mc_ref):
    q = _node_q(part_ref)
    onehot = (bat_ref[...] == lax.broadcasted_iota(jnp.int32, (1, B), 1)
              ).astype(jnp.float32)
    rhs = jnp.concatenate([q, jnp.ones((NB, 1), jnp.float32)], axis=1)
    contrib = lax.dot_general(onehot, rhs, (((0,), (0,)), ((), ())),
                              preferred_element_type=jnp.float32)

    @pl.when(pl.program_id(0) == 0)
    def _():
        mc_ref[...] = jnp.zeros_like(mc_ref)

    mc_ref[...] += contrib


def _graph_mean(bat2, partials):
    return pl.pallas_call(
        _graph_mean_body,
        grid=(NNB,),
        in_specs=[
            pl.BlockSpec((NB, 1), lambda i: (i, 0)),
            pl.BlockSpec((2, NB, GE), lambda i: (0, i, 0)),
        ],
        out_specs=pl.BlockSpec((B, 4), lambda i: (0, 0)),
        out_shape=jax.ShapeDtypeStruct((B, 4), jnp.float32),
    )(bat2, partials)


def _finalize_body(x_ref, pos_ref, sig_ref, bat_ref, part_ref, mc_ref,
                   whx_ref, whn_ref, wha_ref, dx_ref, dpos_ref):
    sig = sig_ref[...]
    s2 = sig * sig
    c_skip = SIGMA_DATA ** 2 / (s2 + SIGMA_DATA ** 2)
    c_out = sig * SIGMA_DATA / jnp.sqrt(s2 + SIGMA_DATA ** 2)
    c_in = 1.0 / jnp.sqrt(SIGMA_DATA ** 2 + s2)
    c_noise = jnp.log(sig) / 4.0

    p0 = part_ref[0]
    p1 = part_ref[1]
    agg = p0[:, :128] + p1[:, :128]

    xc = c_in * x_ref[...]
    dx = jnp.dot(xc, whx_ref[...], preferred_element_type=jnp.float32)
    dx = dx + c_noise * whn_ref[...]
    dx = dx + jnp.dot(agg, wha_ref[...], preferred_element_type=jnp.float32)
    f_x = xc - dx

    q = _node_q(part_ref)
    mc = mc_ref[...]
    means = mc[:, :3] / jnp.where(mc[:, 3:] == 0.0, 1.0, mc[:, 3:])
    onehot = (bat_ref[...] == lax.broadcasted_iota(jnp.int32, (1, B), 1)
              ).astype(jnp.float32)
    centered = q - jnp.dot(onehot, means, preferred_element_type=jnp.float32)

    pos_in = c_in * pos_ref[...]
    f_pos = pos_in + centered
    dx_ref[...] = c_skip * x_ref[...] + c_out * f_x
    dpos_ref[...] = c_skip * pos_ref[...] + c_out * f_pos


def _finalize(x, pos, sig2, bat2, partials, mc, whx, whn, wha):
    nspec = lambda w: pl.BlockSpec((NB, w), lambda i: (i, 0))
    wspec = lambda a, b: pl.BlockSpec((a, b), lambda i: (0, 0))
    return pl.pallas_call(
        _finalize_body,
        grid=(NNB,),
        in_specs=[
            nspec(D), nspec(3), nspec(1), nspec(1),
            pl.BlockSpec((2, NB, GE), lambda i: (0, i, 0)),
            wspec(B, 4), wspec(D, H), wspec(1, H), wspec(D, H),
        ],
        out_specs=(nspec(D), nspec(3)),
        out_shape=(jax.ShapeDtypeStruct((N, D), jnp.float32),
                   jax.ShapeDtypeStruct((N, 3), jnp.float32)),
    )(x, pos, sig2, bat2, partials, mc, whx, whn, wha)


def kernel(x, pos, edge_index, batch, sigma, We1, We2, Wh, Wx):
    sig2 = sigma.reshape(N, 1)
    bat2 = batch.reshape(N, 1)
    src3 = edge_index[0].reshape(NW, NCH, CH)
    dst3 = edge_index[1].reshape(NW, NCH, CH)
    wsrc = We1[0:128]
    wns = We1[128:129]
    wdst = We1[129:257]
    wnd = We1[257:258]
    w259 = We1[258:259]
    whx = Wh[0:128]
    whn = Wh[128:129]
    wha = Wh[129:257]

    p_ext, q_ext = _precompute(x, pos, sig2, wsrc, wdst, wns, wnd)
    gmat = _gather(p_ext, q_ext, src3, dst3)
    mmat = _edge_mlp(We2, Wx, w259, gmat)
    partials = _scatter(mmat, dst3)
    mc = _graph_mean(bat2, partials)
    return _finalize(x, pos, sig2, bat2, partials, mc, whx, whn, wha)

# --- scband reference (transcript-rebuilt; emitter-appended) ---
"""Pipeline reference for scband-edmprecond-9259949490222 (READ-ONLY COPY).

The authoritative reference and input builder live on the scoring server;
editing this copy changes nothing except your own understanding.
"""

import jax, jax.numpy as jnp
import numpy as np

N = 10000
E = 320000
D = 128
B = 64
H = 128
SIGMA_DATA = 0.5


def setup_inputs(seed: int = 0) -> dict:
    key = jax.random.key(seed)
    ks = jax.random.split(key, 10)
    x = jax.random.normal(ks[0], (N, D), dtype=jnp.float32)
    pos = jax.random.normal(ks[1], (N, 3), dtype=jnp.float32)
    edge_index = jax.random.randint(ks[2], (2, E), 0, N, dtype=jnp.int32)
    batch = jnp.sort(jax.random.randint(ks[3], (N,), 0, B, dtype=jnp.int32))
    sigma = jax.random.uniform(ks[4], (N,), minval=0.02, maxval=1.0, dtype=jnp.float32)
    We1 = jax.random.normal(ks[5], (2 * (D + 1) + 1, H), dtype=jnp.float32) * 0.05
    We2 = jax.random.normal(ks[6], (H, H), dtype=jnp.float32) * 0.05
    Wh = jax.random.normal(ks[7], (D + 1 + H, D), dtype=jnp.float32) * 0.05
    Wx = jax.random.normal(ks[8], (H, 1), dtype=jnp.float32) * 0.05
    return {"x": x, "pos": pos, "edge_index": edge_index, "batch": batch,
            "sigma": sigma, "We1": We1, "We2": We2, "Wh": Wh, "Wx": Wx}


def _scatter_mean(src, index, num_segments):
    s = jax.ops.segment_sum(src, index, num_segments=num_segments)
    c = jax.ops.segment_sum(jnp.ones_like(src), index, num_segments=num_segments)
    c = jnp.where(c == 0, 1.0, c)
    return s / c


def _subtract_mean(p, batch):
    means = _scatter_mean(p, batch, B)
    return p - means[batch]


def _egnn(x_in, pos_in, edge_index, We1, We2, Wh, Wx):
    src = edge_index[0]
    dst = edge_index[1]
    rel = pos_in[src] - pos_in[dst]
    d2 = jnp.sum(rel * rel, axis=-1, keepdims=True)
    m = jnp.concatenate([x_in[src], x_in[dst], d2], axis=-1)
    m = jax.nn.silu(m @ We1)
    m = jax.nn.silu(m @ We2)
    agg = jax.ops.segment_sum(m, dst, num_segments=N)
    dx = jnp.concatenate([x_in, agg], axis=-1) @ Wh
    coef = jnp.tanh(m @ Wx)
    upd = jax.ops.segment_sum(rel * coef, dst, num_segments=N)
    cnt = jax.ops.segment_sum(jnp.ones((E, 1), dtype=rel.dtype), dst, num_segments=N)
    cnt = jnp.where(cnt == 0, 1.0, cnt)
    F_pos = pos_in + upd / cnt
    return dx, F_pos


def reference(x, pos, edge_index, batch, sigma, We1, We2, Wh, Wx):
    sigma = sigma.reshape(-1, 1)
    c_skip = SIGMA_DATA ** 2 / (sigma ** 2 + SIGMA_DATA ** 2)
    c_out = sigma * SIGMA_DATA / jnp.sqrt(sigma ** 2 + SIGMA_DATA ** 2)
    c_in = 1.0 / jnp.sqrt(SIGMA_DATA ** 2 + sigma ** 2)
    c_noise = jnp.log(sigma) / 4.0
    x_in = jnp.concatenate([c_in * x, jnp.broadcast_to(c_noise, (x.shape[0], 1))], axis=-1)
    pos_in = c_in * pos
    dx, F_pos_m = _egnn(x_in, pos_in, edge_index, We1, We2, Wh, Wx)
    F_x = x_in[..., :-1] - dx
    F_pos = pos_in + _subtract_mean(F_pos_m - pos_in, batch)
    D_x = c_skip * x + c_out * F_x.astype(jnp.float32)
    D_pos = c_skip * pos + c_out * F_pos.astype(jnp.float32)
    return (D_x, D_pos)

if __name__ == "__main__":
    import jax
    _d = setup_inputs()
    print(jax.jit(kernel)(*tuple(_d.values())))

</pallas_src>

<mosaic_0001>
#map = affine_map<(d0, d1) -> (0, 0)>
#map1 = affine_map<(d0, d1) -> (0, 0, 0)>
module attributes {stable_mosaic.version = 14 : i64} {
  func.func @_scatter_body(%arg0: i32, %arg1: i32, %arg2: memref<320000x144xf32, #tpu.memory_space<hbm>>, %arg3: memref<32x125x80xi32, #tpu.memory_space<hbm>>, %arg4: memref<2x10000x144xf32, #tpu.memory_space<hbm>>, %arg5: memref<125x80xi32, #tpu.memory_space<vmem>>, %arg6: memref<80x144xf32, #tpu.memory_space<vmem>>, %arg7: memref<80x144xf32, #tpu.memory_space<vmem>>, %arg8: memref<25x144xf32, #tpu.memory_space<vmem>>, %arg9: memref<10000x144xf32, #tpu.memory_space<vmem_shared>>, %arg10: memref<!tpu.dma_semaphore, #tpu.memory_space<semaphore_mem>>, %arg11: memref<!tpu.dma_semaphore, #tpu.memory_space<semaphore_mem>>) attributes {dimension_semantics = [#tpu.dimension_semantics<core_parallel>, #tpu.dimension_semantics<subcore_parallel>], iteration_bounds = array<i64: 2, 16>, scalar_prefetch = 0 : i64, scratch_operands = 7 : i64, tpu.core_type = #tpu.core_type<sc_vector_subcore>, window_params = [{transform_indices = #map}, {transform_indices = #map1}, {transform_indices = #map1}]} {
    %mul3A = arith.constant 16 : i32
    %mul3A_0 = arith.muli %arg0, %mul3A : i32
    %add3A = arith.addi %mul3A_0, %arg1 : i32
    %mul3A_1 = arith.constant 10000 : i32
    %mul3A_2 = arith.muli %add3A, %mul3A_1 : i32
    %scan3A = arith.constant 0 : i32
    %scan3A_3 = arith.constant 0 : i32
    %scan3A_4 = arith.constant 25 : i32
    %scan3A_5 = arith.addi %scan3A_3, %scan3A_4 : i32
    %scan3A_6 = arith.constant 1 : i32
    scf.for %scan3A_43 = %scan3A_3 to %scan3A_5 step %scan3A_6  : i32 {
      %broadcast_in_dim3A = arith.constant 0.000000e+00 : f32
      %broadcast_in_dim3A_44 = vector.broadcast %broadcast_in_dim3A : f32 to vector<16xf32>
      %swap3A = arith.index_cast %scan3A_43 : i32 to index
      %swap3A_45 = arith.constant 0 : index
      %swap3A_46 = tpu.vector_load %arg8[%swap3A, %swap3A_45] {strides = array<i32>} : memref<25x144xf32, #tpu.memory_space<vmem>>, vector<1x16xf32>,
      %swap3A_47 = vector.shape_cast %swap3A_46 : vector<1x16xf32> to vector<16xf32>
      %swap3A_48 = vector.shape_cast %broadcast_in_dim3A_44 : vector<16xf32> to vector<1x16xf32>
      tpu.vector_store %arg8[%swap3A, %swap3A_45], %swap3A_48 {strides = array<i32>} : memref<25x144xf32, #tpu.memory_space<vmem>>, vector<1x16xf32>,
      %broadcast_in_dim3A_49 = arith.constant 0.000000e+00 : f32
      %broadcast_in_dim3A_50 = vector.broadcast %broadcast_in_dim3A_49 : f32 to vector<16xf32>
      %swap3A_51 = arith.index_cast %scan3A_43 : i32 to index
      %swap3A_52 = arith.constant 16 : index
      %swap3A_53 = tpu.vector_load %arg8[%swap3A_51, %swap3A_52] {strides = array<i32>} : memref<25x144xf32, #tpu.memory_space<vmem>>, vector<1x16xf32>,
      %swap3A_54 = vector.shape_cast %swap3A_53 : vector<1x16xf32> to vector<16xf32>
      %swap3A_55 = vector.shape_cast %broadcast_in_dim3A_50 : vector<16xf32> to vector<1x16xf32>
      tpu.vector_store %arg8[%swap3A_51, %swap3A_52], %swap3A_55 {strides = array<i32>} : memref<25x144xf32, #tpu.memory_space<vmem>>, vector<1x16xf32>,
      %broadcast_in_dim3A_56 = arith.constant 0.000000e+00 : f32
      %broadcast_in_dim3A_57 = vector.broadcast %broadcast_in_dim3A_56 : f32 to vector<16xf32>
      %swap3A_58 = arith.index_cast %scan3A_43 : i32 to index
      %swap3A_59 = arith.constant 32 : index
      %swap3A_60 = tpu.vector_load %arg8[%swap3A_58, %swap3A_59] {strides = array<i32>} : memref<25x144xf32, #tpu.memory_space<vmem>>, vector<1x16xf32>,
      %swap3A_61 = vector.shape_cast %swap3A_60 : vector<1x16xf32> to vector<16xf32>
      %swap3A_62 = vector.shape_cast %broadcast_in_dim3A_57 : vector<16xf32> to vector<1x16xf32>
      tpu.vector_store %arg8[%swap3A_58, %swap3A_59], %swap3A_62 {strides = array<i32>} : memref<25x144xf32, #tpu.memory_space<vmem>>, vector<1x16xf32>,
      %broadcast_in_dim3A_63 = arith.constant 0.000000e+00 : f32
      %broadcast_in_dim3A_64 = vector.broadcast %broadcast_in_dim3A_63 : f32 to vector<16xf32>
      %swap3A_65 = arith.index_cast %scan3A_43 : i32 to index
      %swap3A_66 = arith.constant 48 : index
      %swap3A_67 = tpu.vector_load %arg8[%swap3A_65, %swap3A_66] {strides = array<i32>} : memref<25x144xf32, #tpu.memory_space<vmem>>, vector<1x16xf32>,
      %swap3A_68 = vector.shape_cast %swap3A_67 : vector<1x16xf32> to vector<16xf32>
      %swap3A_69 = vector.shape_cast %broadcast_in_dim3A_64 : vector<16xf32> to vector<1x16xf32>
      tpu.vector_store %arg8[%swap3A_65, %swap3A_66], %swap3A_69 {strides = array<i32>} : memref<25x144xf32, #tpu.memory_space<vmem>>, vector<1x16xf32>,
      %broadcast_in_dim3A_70 = arith.constant 0.000000e+00 : f32
      %broadcast_in_dim3A_71 = vector.broadcast %broadcast_in_dim3A_70 : f32 to vector<16xf32>
      %swap3A_72 = arith.index_cast %scan3A_43 : i32 to index
      %swap3A_73 = arith.constant 64 : index
      %swap3A_74 = tpu.vector_load %arg8[%swap3A_72, %swap3A_73] {strides = array<i32>} : memref<25x144xf32, #tpu.memory_space<vmem>>, vector<1x16xf32>,
      %swap3A_75 = vector.shape_cast %swap3A_74 : vector<1x16xf32> to vector<16xf32>
      %swap3A_76 = vector.shape_cast %broadcast_in_dim3A_71 : vector<16xf32> to vector<1x16xf32>
      tpu.vector_store %arg8[%swap3A_72, %swap3A_73], %swap3A_76 {strides = array<i32>} : memref<25x144xf32, #tpu.memory_space<vmem>>, vector<1x16xf32>,
      %broadcast_in_dim3A_77 = arith.constant 0.000000e+00 : f32
      %broadcast_in_dim3A_78 = vector.broadcast %broadcast_in_dim3A_77 : f32 to vector<16xf32>
      %swap3A_79 = arith.index_cast %scan3A_43 : i32 to index
      %swap3A_80 = arith.constant 80 : index
      %swap3A_81 = tpu.vector_load %arg8[%swap3A_79, %swap3A_80] {strides = array<i32>} : memref<25x144xf32, #tpu.memory_space<vmem>>, vector<1x16xf32>,
      %swap3A_82 = vector.shape_cast %swap3A_81 : vector<1x16xf32> to vector<16xf32>
      %swap3A_83 = vector.shape_cast %broadcast_in_dim3A_78 : vector<16xf32> to vector<1x16xf32>
      tpu.vector_store %arg8[%swap3A_79, %swap3A_80], %swap3A_83 {strides = array<i32>} : memref<25x144xf32, #tpu.memory_space<vmem>>, vector<1x16xf32>,
      %broadcast_in_dim3A_84 = arith.constant 0.000000e+00 : f32
      %broadcast_in_dim3A_85 = vector.broadcast %broadcast_in_dim3A_84 : f32 to vector<16xf32>
      %swap3A_86 = arith.index_cast %scan3A_43 : i32 to index
      %swap3A_87 = arith.constant 96 : index
      %swap3A_88 = tpu.vector_load %arg8[%swap3A_86, %swap3A_87] {strides = array<i32>} : memref<25x144xf32, #tpu.memory_space<vmem>>, vector<1x16xf32>,
      %swap3A_89 = vector.shape_cast %swap3A_88 : vector<1x16xf32> to vector<16xf32>
      %swap3A_90 = vector.shape_cast %broadcast_in_dim3A_85 : vector<16xf32> to vector<1x16xf32>
      tpu.vector_store %arg8[%swap3A_86, %swap3A_87], %swap3A_90 {strides = array<i32>} : memref<25x144xf32, #tpu.memory_space<vmem>>, vector<1x16xf32>,
      %broadcast_in_dim3A_91 = arith.constant 0.000000e+00 : f32
      %broadcast_in_dim3A_92 = vector.broadcast %broadcast_in_dim3A_91 : f32 to vector<16xf32>
      %swap3A_93 = arith.index_cast %scan3A_43 : i32 to index
      %swap3A_94 = arith.constant 112 : index
      %swap3A_95 = tpu.vector_load %arg8[%swap3A_93, %swap3A_94] {strides = array<i32>} : memref<25x144xf32, #tpu.memory_space<vmem>>, vector<1x16xf32>,
      %swap3A_96 = vector.shape_cast %swap3A_95 : vector<1x16xf32> to vector<16xf32>
      %swap3A_97 = vector.shape_cast %broadcast_in_dim3A_92 : vector<16xf32> to vector<1x16xf32>
      tpu.vector_store %arg8[%swap3A_93, %swap3A_94], %swap3A_97 {strides = array<i32>} : memref<25x144xf32, #tpu.memory_space<vmem>>, vector<1x16xf32>,
      %broadcast_in_dim3A_98 = arith.constant 0.000000e+00 : f32
      %broadcast_in_dim3A_99 = vector.broadcast %broadcast_in_dim3A_98 : f32 to vector<16xf32>
      %swap3A_100 = arith.index_cast %scan3A_43 : i32 to index
      %swap3A_101 = arith.constant 128 : index
      %swap3A_102 = tpu.vector_load %arg8[%swap3A_100, %swap3A_101] {strides = array<i32>} : memref<25x144xf32, #tpu.memory_space<vmem>>, vector<1x16xf32>,
      %swap3A_103 = vector.shape_cast %swap3A_102 : vector<1x16xf32> to vector<16xf32>
      %swap3A_104 = vector.shape_cast %broadcast_in_dim3A_99 : vector<16xf32> to vector<1x16xf32>
      tpu.vector_store %arg8[%swap3A_100, %swap3A_101], %swap3A_104 {strides = array<i32>} : memref<25x144xf32, #tpu.memory_space<vmem>>, vector<1x16xf32>,
    }
    %scan3A_7 = arith.constant 25 : i32
    %scan3A_8 = arith.constant 0 : i32
    %scan3A_9 = arith.constant 0 : i32
    %scan3A_10 = arith.constant 25 : i32
    %scan3A_11 = arith.addi %scan3A_9, %scan3A_10 : i32
    %scan3A_12 = arith.constant 1 : i32
    scf.for %scan3A_43 = %scan3A_9 to %scan3A_11 step %scan3A_12  : i32 {
      %mul3A_44 = arith.constant 625 : i32
      %mul3A_45 = arith.muli %arg1, %mul3A_44 : i32
      %mul3A_46 = arith.constant 25 : i32
      %mul3A_47 = arith.muli %scan3A_43, %mul3A_46 : i32
      %add3A_48 = arith.addi %mul3A_45, %mul3A_47 : i32
      "tpu.region"() ({
        %run_scoped3A_49 = tpu.sem_alloc : memref<!tpu.dma_semaphore, #tpu.memory_space<semaphore_mem>>
        %dma_start3A_50 = arith.constant 0 : i32
        %dma_start3A_51 = tpu.memref_slice %arg9[%add3A_48, %dma_start3A_50] : memref<10000x144xf32, #tpu.memory_space<vmem_shared>> -> memref<25x144xf32, #tpu.memory_space<vmem_shared>>
        %dma_start3A_52 = arith.constant 0 : i32
        %dma_start3A_53 = tpu.memref_slice %arg9[%add3A_48, %dma_start3A_52] : memref<10000x144xf32, #tpu.memory_space<vmem_shared>> -> memref<25x144xf32, #tpu.memory_space<vmem_shared>>
        tpu.enqueue_dma source(%arg8 : memref<25x144xf32, #tpu.memory_space<vmem>>) target(%dma_start3A_53 : memref<25x144xf32, #tpu.memory_space<vmem_shared>>) target_semaphore(%run_scoped3A_49 : memref<!tpu.dma_semaphore, #tpu.memory_space<semaphore_mem>>)
        %dma_wait3A_54 = arith.constant 0 : i32
        %dma_wait3A_55 = tpu.memref_slice %arg9[%add3A_48, %dma_wait3A_54] : memref<10000x144xf32, #tpu.memory_space<vmem_shared>> -> memref<25x144xf32, #tpu.memory_space<vmem_shared>>
        %dma_wait3A_56 = arith.constant 0 : i32
        %dma_wait3A_57 = tpu.memref_slice %arg9[%add3A_48, %dma_wait3A_56] : memref<10000x144xf32, #tpu.memory_space<vmem_shared>> -> memref<25x144xf32, #tpu.memory_space<vmem_shared>>
        tpu.wait_dma2 semaphore(%run_scoped3A_49 : memref<!tpu.dma_semaphore, #tpu.memory_space<semaphore_mem>>) src(%arg8 : memref<25x144xf32, #tpu.memory_space<vmem>>) dst(%dma_wait3A_57 : memref<25x144xf32, #tpu.memory_space<vmem_shared>>)
        tpu.yield
      }) : () -> ()
    }
    %scan3A_13 = arith.constant 25 : i32
    "tpu.region"() ({
      %run_scoped3A_43 = tpu.sem_alloc : memref<!tpu.dma_semaphore, #tpu.memory_space<semaphore_mem>>
      %dma_start3A_44 = arith.constant 0 : i32
      %dma_start3A_45 = arith.constant 0 : i32
      %dma_start3A_46 = tpu.memref_slice %arg3[%add3A, %dma_start3A_44, %dma_start3A_45] : memref<32x125x80xi32, #tpu.memory_space<hbm>> -> memref<1x125x80xi32, #tpu.memory_space<hbm>>
      %dma_start3A_47 = tpu.memref_squeeze %dma_start3A_46 : memref<1x125x80xi32, #tpu.memory_space<hbm>> -> memref<125x80xi32, #tpu.memory_space<hbm>>
      %dma_start3A_48 = arith.constant 0 : i32
      %dma_start3A_49 = arith.constant 0 : i32
      %dma_start3A_50 = tpu.memref_slice %arg3[%add3A, %dma_start3A_48, %dma_start3A_49] : memref<32x125x80xi32, #tpu.memory_space<hbm>> -> memref<1x125x80xi32, #tpu.memory_space<hbm>>
      %dma_start3A_51 = tpu.memref_squeeze %dma_start3A_50 : memref<1x125x80xi32, #tpu.memory_space<hbm>> -> memref<125x80xi32, #tpu.memory_space<hbm>>
      tpu.enqueue_dma source(%dma_start3A_51 : memref<125x80xi32, #tpu.memory_space<hbm>>) target(%arg5 : memref<125x80xi32, #tpu.memory_space<vmem>>) target_semaphore(%run_scoped3A_43 : memref<!tpu.dma_semaphore, #tpu.memory_space<semaphore_mem>>)
      %dma_wait3A_52 = arith.constant 0 : i32
      %dma_wait3A_53 = arith.constant 0 : i32
      %dma_wait3A_54 = tpu.memref_slice %arg3[%add3A, %dma_wait3A_52, %dma_wait3A_53] : memref<32x125x80xi32, #tpu.memory_space<hbm>> -> memref<1x125x80xi32, #tpu.memory_space<hbm>>
      %dma_wait3A_55 = tpu.memref_squeeze %dma_wait3A_54 : memref<1x125x80xi32, #tpu.memory_space<hbm>> -> memref<125x80xi32, #tpu.memory_space<hbm>>
      %dma_wait3A_56 = arith.constant 0 : i32
      %dma_wait3A_57 = arith.constant 0 : i32
      %dma_wait3A_58 = tpu.memref_slice %arg3[%add3A, %dma_wait3A_56, %dma_wait3A_57] : memref<32x125x80xi32, #tpu.memory_space<hbm>> -> memref<1x125x80xi32, #tpu.memory_space<hbm>>
      %dma_wait3A_59 = tpu.memref_squeeze %dma_wait3A_58 : memref<1x125x80xi32, #tpu.memory_space<hbm>> -> memref<125x80xi32, #tpu.memory_space<hbm>>
      tpu.wait_dma2 semaphore(%run_scoped3A_43 : memref<!tpu.dma_semaphore, #tpu.memory_space<semaphore_mem>>) src(%dma_wait3A_59 : memref<125x80xi32, #tpu.memory_space<hbm>>) dst(%arg5 : memref<125x80xi32, #tpu.memory_space<vmem>>)
      tpu.yield
    }) : () -> ()
    %barrier3A = arith.constant 0 : index
    tpu.barrier barrier_id(%barrier3A)
    %add3A_14 = arith.constant 0 : i32
    %add3A_15 = arith.addi %mul3A_2, %add3A_14 : i32
    %dma_start3A = arith.constant 0 : i32
    %dma_start3A_16 = tpu.memref_slice %arg2[%add3A_15, %dma_start3A] : memref<320000x144xf32, #tpu.memory_space<hbm>> -> memref<80x144xf32, #tpu.memory_space<hbm>>
    %dma_start3A_17 = arith.constant 0 : i32
    %dma_start3A_18 = tpu.memref_slice %arg2[%add3A_15, %dma_start3A_17] : memref<320000x144xf32, #tpu.memory_space<hbm>> -> memref<80x144xf32, #tpu.memory_space<hbm>>
    tpu.enqueue_dma source(%dma_start3A_18 : memref<80x144xf32, #tpu.memory_space<hbm>>) target(%arg6 : memref<80x144xf32, #tpu.memory_space<vmem>>) target_semaphore(%arg10 : memref<!tpu.dma_semaphore, #tpu.memory_space<semaphore_mem>>)
    %add3A_19 = arith.constant 80 : i32
    %add3A_20 = arith.addi %mul3A_2, %add3A_19 : i32
    %dma_start3A_21 = arith.constant 0 : i32
    %dma_start3A_22 = tpu.memref_slice %arg2[%add3A_20, %dma_start3A_21] : memref<320000x144xf32, #tpu.memory_space<hbm>> -> memref<80x144xf32, #tpu.memory_space<hbm>>
    %dma_start3A_23 = arith.constant 0 : i32
    %dma_start3A_24 = tpu.memref_slice %arg2[%add3A_20, %dma_start3A_23] : memref<320000x144xf32, #tpu.memory_space<hbm>> -> memref<80x144xf32, #tpu.memory_space<hbm>>
    tpu.enqueue_dma source(%dma_start3A_24 : memref<80x144xf32, #tpu.memory_space<hbm>>) target(%arg7 : memref<80x144xf32, #tpu.memory_space<vmem>>) target_semaphore(%arg11 : memref<!tpu.dma_semaphore, #tpu.memory_space<semaphore_mem>>)
    %scan3A_25 = arith.constant 0 : i32
    %scan3A_26 = arith.constant 0 : i32
    %scan3A_27 = arith.constant 62 : i32
    %scan3A_28 = arith.addi %scan3A_26, %scan3A_27 : i32
    %scan3A_29 = arith.constant 1 : i32
    scf.for %scan3A_43 = %scan3A_26 to %scan3A_28 step %scan3A_29  : i32 {
      %mul3A_44 = arith.constant 2 : i32
      %mul3A_45 = arith.muli %mul3A_44, %scan3A_43 : i32
      %mul3A_46 = arith.constant 80 : i32
      %mul3A_47 = arith.muli %mul3A_45, %mul3A_46 : i32
      %add3A_48 = arith.addi %mul3A_2, %mul3A_47 : i32
      %dma_wait3A_49 = arith.constant 0 : i32
      %dma_wait3A_50 = tpu.memref_slice %arg2[%add3A_48, %dma_wait3A_49] : memref<320000x144xf32, #tpu.memory_space<hbm>> -> memref<80x144xf32, #tpu.memory_space<hbm>>
      %dma_wait3A_51 = arith.constant 0 : i32
      %dma_wait3A_52 = tpu.memref_slice %arg2[%add3A_48, %dma_wait3A_51] : memref<320000x144xf32, #tpu.memory_space<hbm>> -> memref<80x144xf32, #tpu.memory_space<hbm>>
      tpu.wait_dma2 semaphore(%arg10 : memref<!tpu.dma_semaphore, #tpu.memory_space<semaphore_mem>>) src(%dma_wait3A_52 : memref<80x144xf32, #tpu.memory_space<hbm>>) dst(%arg6 : memref<80x144xf32, #tpu.memory_space<vmem>>)
      "tpu.region"() ({
        %run_scoped3A_75 = tpu.sem_alloc : memref<!tpu.dma_semaphore, #tpu.memory_space<semaphore_mem>>
        %dma_start3A_76 = arith.constant 0 : i32
        %dma_start3A_77 = tpu.memref_slice %arg5[%mul3A_45, %dma_start3A_76] : memref<125x80xi32, #tpu.memory_space<vmem>> -> memref<1x80xi32, #tpu.memory_space<vmem>>
        %dma_start3A_78 = tpu.memref_squeeze %dma_start3A_77 : memref<1x80xi32, #tpu.memory_space<vmem>> -> memref<80xi32, #tpu.memory_space<vmem>>
        %dma_start3A_79 = arith.constant 0 : i32
        %dma_start3A_80 = arith.constant 0 : i32
        %dma_start3A_81 = tpu.memref_slice %arg9[%dma_start3A_79, %dma_start3A_80] : memref<10000x144xf32, #tpu.memory_space<vmem_shared>> -> memref<10000x144xf32, #tpu.memory_space<vmem_shared>>
        tpu.enqueue_indirect_dma source(%arg6 : memref<80x144xf32, #tpu.memory_space<vmem>>) target(%dma_start3A_81 : memref<10000x144xf32, #tpu.memory_space<vmem_shared>>) offsets(%dma_start3A_78 : memref<80xi32, #tpu.memory_space<vmem>>) semaphore(%run_scoped3A_75 : memref<!tpu.dma_semaphore, #tpu.memory_space<semaphore_mem>>) {add = true}
        %dma_wait3A_82 = arith.constant 0 : i32
        %dma_wait3A_83 = tpu.memref_slice %arg5[%mul3A_45, %dma_wait3A_82] : memref<125x80xi32, #tpu.memory_space<vmem>> -> memref<1x80xi32, #tpu.memory_space<vmem>>
        %dma_wait3A_84 = tpu.memref_squeeze %dma_wait3A_83 : memref<1x80xi32, #tpu.memory_space<vmem>> -> memref<80xi32, #tpu.memory_space<vmem>>
        %dma_wait3A_85 = arith.constant 0 : i32
        %dma_wait3A_86 = arith.constant 0 : i32
        %dma_wait3A_87 = tpu.memref_slice %arg9[%dma_wait3A_85, %dma_wait3A_86] : memref<10000x144xf32, #tpu.memory_space<vmem_shared>> -> memref<10000x144xf32, #tpu.memory_space<vmem_shared>>
        tpu.wait_indirect_dma semaphore(%run_scoped3A_75 : memref<!tpu.dma_semaphore, #tpu.memory_space<semaphore_mem>>) src(%arg6 : memref<80x144xf32, #tpu.memory_space<vmem>>) dst(%dma_wait3A_87 : memref<10000x144xf32, #tpu.memory_space<vmem_shared>>)
        tpu.yield
      }) : () -> ()
      %add3A_53 = arith.constant 2 : i32
      %add3A_54 = arith.addi %mul3A_45, %add3A_53 : i32
      %lt3A = arith.constant 125 : i32
      %lt3A_55 = arith.cmpi slt, %add3A_54, %lt3A : i32
      %convert_element_type3A = arith.extui %lt3A_55 : i1 to i32
      %cond3A = arith.constant 0 : i32
      %cond3A_56 = arith.cmpi ne, %convert_element_type3A, %cond3A : i32
      scf.if %cond3A_56 {
        %add3A_75 = arith.constant 2 : i32
        %add3A_76 = arith.addi %mul3A_45, %add3A_75 : i32
        %mul3A_77 = arith.constant 80 : i32
        %mul3A_78 = arith.muli %add3A_76, %mul3A_77 : i32
        %add3A_79 = arith.addi %mul3A_2, %mul3A_78 : i32
        %dma_start3A_80 = arith.constant 0 : i32
        %dma_start3A_81 = tpu.memref_slice %arg2[%add3A_79, %dma_start3A_80] : memref<320000x144xf32, #tpu.memory_space<hbm>> -> memref<80x144xf32, #tpu.memory_space<hbm>>
        %dma_start3A_82 = arith.constant 0 : i32
        %dma_start3A_83 = tpu.memref_slice %arg2[%add3A_79, %dma_start3A_82] : memref<320000x144xf32, #tpu.memory_space<hbm>> -> memref<80x144xf32, #tpu.memory_space<hbm>>
        tpu.enqueue_dma source(%dma_start3A_83 : memref<80x144xf32, #tpu.memory_space<hbm>>) target(%arg6 : memref<80x144xf32, #tpu.memory_space<vmem>>) target_semaphore(%arg10 : memref<!tpu.dma_semaphore, #tpu.memory_space<semaphore_mem>>)
      } else {
      }
      %mul3A_57 = arith.constant 2 : i32
      %mul3A_58 = arith.muli %mul3A_57, %scan3A_43 : i32
      %add3A_59 = arith.constant 1 : i32
      %add3A_60 = arith.addi %mul3A_58, %add3A_59 : i32
      %mul3A_61 = arith.constant 80 : i32
      %mul3A_62 = arith.muli %add3A_60, %mul3A_61 : i32
      %add3A_63 = arith.addi %mul3A_2, %mul3A_62 : i32
      %dma_wait3A_64 = arith.constant 0 : i32
      %dma_wait3A_65 = tpu.memref_slice %arg2[%add3A_63, %dma_wait3A_64] : memref<320000x144xf32, #tpu.memory_space<hbm>> -> memref<80x144xf32, #tpu.memory_space<hbm>>
      %dma_wait3A_66 = arith.constant 0 : i32
      %dma_wait3A_67 = tpu.memref_slice %arg2[%add3A_63, %dma_wait3A_66] : memref<320000x144xf32, #tpu.memory_space<hbm>> -> memref<80x144xf32, #tpu.memory_space<hbm>>
      tpu.wait_dma2 semaphore(%arg11 : memref<!tpu.dma_semaphore, #tpu.memory_space<semaphore_mem>>) src(%dma_wait3A_67 : memref<80x144xf32, #tpu.memory_space<hbm>>) dst(%arg7 : memref<80x144xf32, #tpu.memory_space<vmem>>)
      "tpu.region"() ({
        %run_scoped3A_75 = tpu.sem_alloc : memref<!tpu.dma_semaphore, #tpu.memory_space<semaphore_mem>>
        %dma_start3A_76 = arith.constant 0 : i32
        %dma_start3A_77 = tpu.memref_slice %arg5[%add3A_60, %dma_start3A_76] : memref<125x80xi32, #tpu.memory_space<vmem>> -> memref<1x80xi32, #tpu.memory_space<vmem>>
        %dma_start3A_78 = tpu.memref_squeeze %dma_start3A_77 : memref<1x80xi32, #tpu.memory_space<vmem>> -> memref<80xi32, #tpu.memory_space<vmem>>
        %dma_start3A_79 = arith.constant 0 : i32
        %dma_start3A_80 = arith.constant 0 : i32
        %dma_start3A_81 = tpu.memref_slice %arg9[%dma_start3A_79, %dma_start3A_80] : memref<10000x144xf32, #tpu.memory_space<vmem_shared>> -> memref<10000x144xf32, #tpu.memory_space<vmem_shared>>
        tpu.enqueue_indirect_dma source(%arg7 : memref<80x144xf32, #tpu.memory_space<vmem>>) target(%dma_start3A_81 : memref<10000x144xf32, #tpu.memory_space<vmem_shared>>) offsets(%dma_start3A_78 : memref<80xi32, #tpu.memory_space<vmem>>) semaphore(%run_scoped3A_75 : memref<!tpu.dma_semaphore, #tpu.memory_space<semaphore_mem>>) {add = true}
        %dma_wait3A_82 = arith.constant 0 : i32
        %dma_wait3A_83 = tpu.memref_slice %arg5[%add3A_60, %dma_wait3A_82] : memref<125x80xi32, #tpu.memory_space<vmem>> -> memref<1x80xi32, #tpu.memory_space<vmem>>
        %dma_wait3A_84 = tpu.memref_squeeze %dma_wait3A_83 : memref<1x80xi32, #tpu.memory_space<vmem>> -> memref<80xi32, #tpu.memory_space<vmem>>
        %dma_wait3A_85 = arith.constant 0 : i32
        %dma_wait3A_86 = arith.constant 0 : i32
        %dma_wait3A_87 = tpu.memref_slice %arg9[%dma_wait3A_85, %dma_wait3A_86] : memref<10000x144xf32, #tpu.memory_space<vmem_shared>> -> memref<10000x144xf32, #tpu.memory_space<vmem_shared>>
        tpu.wait_indirect_dma semaphore(%run_scoped3A_75 : memref<!tpu.dma_semaphore, #tpu.memory_space<semaphore_mem>>) src(%arg7 : memref<80x144xf32, #tpu.memory_space<vmem>>) dst(%dma_wait3A_87 : memref<10000x144xf32, #tpu.memory_space<vmem_shared>>)
        tpu.yield
      }) : () -> ()
      %add3A_68 = arith.constant 2 : i32
      %add3A_69 = arith.addi %add3A_60, %add3A_68 : i32
      %lt3A_70 = arith.constant 125 : i32
      %lt3A_71 = arith.cmpi slt, %add3A_69, %lt3A_70 : i32
      %convert_element_type3A_72 = arith.extui %lt3A_71 : i1 to i32
      %cond3A_73 = arith.constant 0 : i32
      %cond3A_74 = arith.cmpi ne, %convert_element_type3A_72, %cond3A_73 : i32
      scf.if %cond3A_74 {
        %add3A_75 = arith.constant 2 : i32
        %add3A_76 = arith.addi %add3A_60, %add3A_75 : i32
        %mul3A_77 = arith.constant 80 : i32
        %mul3A_78 = arith.muli %add3A_76, %mul3A_77 : i32
        %add3A_79 = arith.addi %mul3A_2, %mul3A_78 : i32
        %dma_start3A_80 = arith.constant 0 : i32
        %dma_start3A_81 = tpu.memref_slice %arg2[%add3A_79, %dma_start3A_80] : memref<320000x144xf32, #tpu.memory_space<hbm>> -> memref<80x144xf32, #tpu.memory_space<hbm>>
        %dma_start3A_82 = arith.constant 0 : i32
        %dma_start3A_83 = tpu.memref_slice %arg2[%add3A_79, %dma_start3A_82] : memref<320000x144xf32, #tpu.memory_space<hbm>> -> memref<80x144xf32, #tpu.memory_space<hbm>>
        tpu.enqueue_dma source(%dma_start3A_83 : memref<80x144xf32, #tpu.memory_space<hbm>>) target(%arg7 : memref<80x144xf32, #tpu.memory_space<vmem>>) target_semaphore(%arg11 : memref<!tpu.dma_semaphore, #tpu.memory_space<semaphore_mem>>)
      } else {
      }
    }
    %scan3A_30 = arith.constant 62 : i32
    %add3A_31 = arith.constant 9920 : i32
    %add3A_32 = arith.addi %mul3A_2, %add3A_31 : i32
    %dma_wait3A = arith.constant 0 : i32
    %dma_wait3A_33 = tpu.memref_slice %arg2[%add3A_32, %dma_wait3A] : memref<320000x144xf32, #tpu.memory_space<hbm>> -> memref<80x144xf32, #tpu.memory_space<hbm>>
    %dma_wait3A_34 = arith.constant 0 : i32
    %dma_wait3A_35 = tpu.memref_slice %arg2[%add3A_32, %dma_wait3A_34] : memref<320000x144xf32, #tpu.memory_space<hbm>> -> memref<80x144xf32, #tpu.memory_space<hbm>>
    tpu.wait_dma2 semaphore(%arg10 : memref<!tpu.dma_semaphore, #tpu.memory_space<semaphore_mem>>) src(%dma_wait3A_35 : memref<80x144xf32, #tpu.memory_space<hbm>>) dst(%arg6 : memref<80x144xf32, #tpu.memory_space<vmem>>)
    %run_scoped3A = arith.constant 124 : i32
    "tpu.region"() ({
      %run_scoped3A_43 = tpu.sem_alloc : memref<!tpu.dma_semaphore, #tpu.memory_space<semaphore_mem>>
      %dma_start3A_44 = arith.constant 0 : i32
      %dma_start3A_45 = tpu.memref_slice %arg5[%run_scoped3A, %dma_start3A_44] : memref<125x80xi32, #tpu.memory_space<vmem>> -> memref<1x80xi32, #tpu.memory_space<vmem>>
      %dma_start3A_46 = tpu.memref_squeeze %dma_start3A_45 : memref<1x80xi32, #tpu.memory_space<vmem>> -> memref<80xi32, #tpu.memory_space<vmem>>
      %dma_start3A_47 = arith.constant 0 : i32
      %dma_start3A_48 = arith.constant 0 : i32
      %dma_start3A_49 = tpu.memref_slice %arg9[%dma_start3A_47, %dma_start3A_48] : memref<10000x144xf32, #tpu.memory_space<vmem_shared>> -> memref<10000x144xf32, #tpu.memory_space<vmem_shared>>
      tpu.enqueue_indirect_dma source(%arg6 : memref<80x144xf32, #tpu.memory_space<vmem>>) target(%dma_start3A_49 : memref<10000x144xf32, #tpu.memory_space<vmem_shared>>) offsets(%dma_start3A_46 : memref<80xi32, #tpu.memory_space<vmem>>) semaphore(%run_scoped3A_43 : memref<!tpu.dma_semaphore, #tpu.memory_space<semaphore_mem>>) {add = true}
      %dma_wait3A_50 = arith.constant 0 : i32
      %dma_wait3A_51 = tpu.memref_slice %arg5[%run_scoped3A, %dma_wait3A_50] : memref<125x80xi32, #tpu.memory_space<vmem>> -> memref<1x80xi32, #tpu.memory_space<vmem>>
      %dma_wait3A_52 = tpu.memref_squeeze %dma_wait3A_51 : memref<1x80xi32, #tpu.memory_space<vmem>> -> memref<80xi32, #tpu.memory_space<vmem>>
      %dma_wait3A_53 = arith.constant 0 : i32
      %dma_wait3A_54 = arith.constant 0 : i32
      %dma_wait3A_55 = tpu.memref_slice %arg9[%dma_wait3A_53, %dma_wait3A_54] : memref<10000x144xf32, #tpu.memory_space<vmem_shared>> -> memref<10000x144xf32, #tpu.memory_space<vmem_shared>>
      tpu.wait_indirect_dma semaphore(%run_scoped3A_43 : memref<!tpu.dma_semaphore, #tpu.memory_space<semaphore_mem>>) src(%arg6 : memref<80x144xf32, #tpu.memory_space<vmem>>) dst(%dma_wait3A_55 : memref<10000x144xf32, #tpu.memory_space<vmem_shared>>)
      tpu.yield
    }) : () -> ()
    %barrier3A_36 = arith.constant 0 : index
    tpu.barrier barrier_id(%barrier3A_36)
    %scan3A_37 = arith.constant 0 : i32
    %scan3A_38 = arith.constant 0 : i32
    %scan3A_39 = arith.constant 25 : i32
    %scan3A_40 = arith.addi %scan3A_38, %scan3A_39 : i32
    %scan3A_41 = arith.constant 1 : i32
    scf.for %scan3A_43 = %scan3A_38 to %scan3A_40 step %scan3A_41  : i32 {
      %mul3A_44 = arith.constant 625 : i32
      %mul3A_45 = arith.muli %arg1, %mul3A_44 : i32
      %mul3A_46 = arith.constant 25 : i32
      %mul3A_47 = arith.muli %scan3A_43, %mul3A_46 : i32
      %add3A_48 = arith.addi %mul3A_45, %mul3A_47 : i32
      "tpu.region"() ({
        %run_scoped3A_49 = tpu.sem_alloc : memref<!tpu.dma_semaphore, #tpu.memory_space<semaphore_mem>>
        %dma_start3A_50 = arith.constant 0 : i32
        %dma_start3A_51 = tpu.memref_slice %arg4[%arg0, %add3A_48, %dma_start3A_50] : memref<2x10000x144xf32, #tpu.memory_space<hbm>> -> memref<1x25x144xf32, #tpu.memory_space<hbm>>
        %dma_start3A_52 = tpu.memref_squeeze %dma_start3A_51 : memref<1x25x144xf32, #tpu.memory_space<hbm>> -> memref<25x144xf32, #tpu.memory_space<hbm>>
        %dma_start3A_53 = arith.constant 0 : i32
        %dma_start3A_54 = tpu.memref_slice %arg9[%add3A_48, %dma_start3A_53] : memref<10000x144xf32, #tpu.memory_space<vmem_shared>> -> memref<25x144xf32, #tpu.memory_space<vmem_shared>>
        tpu.enqueue_dma source(%dma_start3A_54 : memref<25x144xf32, #tpu.memory_space<vmem_shared>>) target(%dma_start3A_52 : memref<25x144xf32, #tpu.memory_space<hbm>>) target_semaphore(%run_scoped3A_49 : memref<!tpu.dma_semaphore, #tpu.memory_space<semaphore_mem>>)
        %dma_wait3A_55 = arith.constant 0 : i32
        %dma_wait3A_56 = tpu.memref_slice %arg4[%arg0, %add3A_48, %dma_wait3A_55] : memref<2x10000x144xf32, #tpu.memory_space<hbm>> -> memref<1x25x144xf32, #tpu.memory_space<hbm>>
        %dma_wait3A_57 = tpu.memref_squeeze %dma_wait3A_56 : memref<1x25x144xf32, #tpu.memory_space<hbm>> -> memref<25x144xf32, #tpu.memory_space<hbm>>
        %dma_wait3A_58 = arith.constant 0 : i32
        %dma_wait3A_59 = tpu.memref_slice %arg9[%add3A_48, %dma_wait3A_58] : memref<10000x144xf32, #tpu.memory_space<vmem_shared>> -> memref<25x144xf32, #tpu.memory_space<vmem_shared>>
        tpu.wait_dma2 semaphore(%run_scoped3A_49 : memref<!tpu.dma_semaphore, #tpu.memory_space<semaphore_mem>>) src(%dma_wait3A_59 : memref<25x144xf32, #tpu.memory_space<vmem_shared>>) dst(%dma_wait3A_57 : memref<25x144xf32, #tpu.memory_space<hbm>>)
        tpu.yield
      }) : () -> ()
    }
    %scan3A_42 = arith.constant 25 : i32
    return
  }
}

#map = affine_map<(d0, d1) -> (0, 0)>
#map1 = affine_map<(d0, d1) -> (0, 0, 0)>
module attributes {stable_mosaic.version = 14 : i64} {
  func.func @_gather_body(%arg0: i32, %arg1: i32, %arg2: memref<10000x144xf32, #tpu.memory_space<hbm>>, %arg3: memref<10000x144xf32, #tpu.memory_space<hbm>>, %arg4: memref<32x125x80xi32, #tpu.memory_space<hbm>>, %arg5: memref<32x125x80xi32, #tpu.memory_space<hbm>>, %arg6: memref<320000x144xf32, #tpu.memory_space<hbm>>, %arg7: memref<125x80xi32, #tpu.memory_space<vmem>>, %arg8: memref<125x80xi32, #tpu.memory_space<vmem>>, %arg9: memref<80x144xf32, #tpu.memory_space<vmem>>, %arg10: memref<80x144xf32, #tpu.memory_space<vmem>>, %arg11: memref<80x144xf32, #tpu.memory_space<vmem>>, %arg12: memref<80x144xf32, #tpu.memory_space<vmem>>, %arg13: memref<80x144xf32, #tpu.memory_space<vmem>>, %arg14: memref<80x144xf32, #tpu.memory_space<vmem>>, %arg15: memref<!tpu.dma_semaphore, #tpu.memory_space<semaphore_mem>>, %arg16: memref<!tpu.dma_semaphore, #tpu.memory_space<semaphore_mem>>, %arg17: memref<!tpu.dma_semaphore, #tpu.memory_space<semaphore_mem>>, %arg18: memref<!tpu.dma_semaphore, #tpu.memory_space<semaphore_mem>>, %arg19: memref<!tpu.dma_semaphore, #tpu.memory_space<semaphore_mem>>, %arg20: memref<!tpu.dma_semaphore, #tpu.memory_space<semaphore_mem>>) attributes {dimension_semantics = [#tpu.dimension_semantics<core_parallel>, #tpu.dimension_semantics<subcore_parallel>], iteration_bounds = array<i64: 2, 16>, scalar_prefetch = 0 : i64, scratch_operands = 14 : i64, tpu.core_type = #tpu.core_type<sc_vector_subcore>, window_params = [{transform_indices = #map}, {transform_indices = #map}, {transform_indices = #map1}, {transform_indices = #map1}, {transform_indices = #map}]} {
    %mul3A = arith.constant 2 : i32
    %mul3A_0 = arith.muli %arg1, %mul3A : i32
    %add3A = arith.addi %mul3A_0, %arg0 : i32
    %mul3A_1 = arith.constant 10000 : i32
    %mul3A_2 = arith.muli %add3A, %mul3A_1 : i32
    "tpu.region"() ({
      %run_scoped3A = tpu.sem_alloc : memref<!tpu.dma_semaphore, #tpu.memory_space<semaphore_mem>>
      %dma_start3A_78 = arith.constant 0 : i32
      %dma_start3A_79 = arith.constant 0 : i32
      %dma_start3A_80 = tpu.memref_slice %arg4[%add3A, %dma_start3A_78, %dma_start3A_79] : memref<32x125x80xi32, #tpu.memory_space<hbm>> -> memref<1x125x80xi32, #tpu.memory_space<hbm>>
      %dma_start3A_81 = tpu.memref_squeeze %dma_start3A_80 : memref<1x125x80xi32, #tpu.memory_space<hbm>> -> memref<125x80xi32, #tpu.memory_space<hbm>>
      %dma_start3A_82 = arith.constant 0 : i32
      %dma_start3A_83 = arith.constant 0 : i32
      %dma_start3A_84 = tpu.memref_slice %arg4[%add3A, %dma_start3A_82, %dma_start3A_83] : memref<32x125x80xi32, #tpu.memory_space<hbm>> -> memref<1x125x80xi32, #tpu.memory_space<hbm>>
      %dma_start3A_85 = tpu.memref_squeeze %dma_start3A_84 : memref<1x125x80xi32, #tpu.memory_space<hbm>> -> memref<125x80xi32, #tpu.memory_space<hbm>>
      tpu.enqueue_dma source(%dma_start3A_85 : memref<125x80xi32, #tpu.memory_space<hbm>>) target(%arg7 : memref<125x80xi32, #tpu.memory_space<vmem>>) target_semaphore(%run_scoped3A : memref<!tpu.dma_semaphore, #tpu.memory_space<semaphore_mem>>)
      %dma_wait3A_86 = arith.constant 0 : i32
      %dma_wait3A_87 = arith.constant 0 : i32
      %dma_wait3A_88 = tpu.memref_slice %arg4[%add3A, %dma_wait3A_86, %dma_wait3A_87] : memref<32x125x80xi32, #tpu.memory_space<hbm>> -> memref<1x125x80xi32, #tpu.memory_space<hbm>>
      %dma_wait3A_89 = tpu.memref_squeeze %dma_wait3A_88 : memref<1x125x80xi32, #tpu.memory_space<hbm>> -> memref<125x80xi32, #tpu.memory_space<hbm>>
      %dma_wait3A_90 = arith.constant 0 : i32
      %dma_wait3A_91 = arith.constant 0 : i32
      %dma_wait3A_92 = tpu.memref_slice %arg4[%add3A, %dma_wait3A_90, %dma_wait3A_91] : memref<32x125x80xi32, #tpu.memory_space<hbm>> -> memref<1x125x80xi32, #tpu.memory_space<hbm>>
      %dma_wait3A_93 = tpu.memref_squeeze %dma_wait3A_92 : memref<1x125x80xi32, #tpu.memory_space<hbm>> -> memref<125x80xi32, #tpu.memory_space<hbm>>
      tpu.wait_dma2 semaphore(%run_scoped3A : memref<!tpu.dma_semaphore, #tpu.memory_space<semaphore_mem>>) src(%dma_wait3A_93 : memref<125x80xi32, #tpu.memory_space<hbm>>) dst(%arg7 : memref<125x80xi32, #tpu.memory_space<vmem>>)
      tpu.yield
    }) : () -> ()
    "tpu.region"() ({
      %run_scoped3A = tpu.sem_alloc : memref<!tpu.dma_semaphore, #tpu.memory_space<semaphore_mem>>
      %dma_start3A_78 = arith.constant 0 : i32
      %dma_start3A_79 = arith.constant 0 : i32
      %dma_start3A_80 = tpu.memref_slice %arg5[%add3A, %dma_start3A_78, %dma_start3A_79] : memref<32x125x80xi32, #tpu.memory_space<hbm>> -> memref<1x125x80xi32, #tpu.memory_space<hbm>>
      %dma_start3A_81 = tpu.memref_squeeze %dma_start3A_80 : memref<1x125x80xi32, #tpu.memory_space<hbm>> -> memref<125x80xi32, #tpu.memory_space<hbm>>
      %dma_start3A_82 = arith.constant 0 : i32
      %dma_start3A_83 = arith.constant 0 : i32
      %dma_start3A_84 = tpu.memref_slice %arg5[%add3A, %dma_start3A_82, %dma_start3A_83] : memref<32x125x80xi32, #tpu.memory_space<hbm>> -> memref<1x125x80xi32, #tpu.memory_space<hbm>>
      %dma_start3A_85 = tpu.memref_squeeze %dma_start3A_84 : memref<1x125x80xi32, #tpu.memory_space<hbm>> -> memref<125x80xi32, #tpu.memory_space<hbm>>
      tpu.enqueue_dma source(%dma_start3A_85 : memref<125x80xi32, #tpu.memory_space<hbm>>) target(%arg8 : memref<125x80xi32, #tpu.memory_space<vmem>>) target_semaphore(%run_scoped3A : memref<!tpu.dma_semaphore, #tpu.memory_space<semaphore_mem>>)
      %dma_wait3A_86 = arith.constant 0 : i32
      %dma_wait3A_87 = arith.constant 0 : i32
      %dma_wait3A_88 = tpu.memref_slice %arg5[%add3A, %dma_wait3A_86, %dma_wait3A_87] : memref<32x125x80xi32, #tpu.memory_space<hbm>> -> memref<1x125x80xi32, #tpu.memory_space<hbm>>
      %dma_wait3A_89 = tpu.memref_squeeze %dma_wait3A_88 : memref<1x125x80xi32, #tpu.memory_space<hbm>> -> memref<125x80xi32, #tpu.memory_space<hbm>>
      %dma_wait3A_90 = arith.constant 0 : i32
      %dma_wait3A_91 = arith.constant 0 : i32
      %dma_wait3A_92 = tpu.memref_slice %arg5[%add3A, %dma_wait3A_90, %dma_wait3A_91] : memref<32x125x80xi32, #tpu.memory_space<hbm>> -> memref<1x125x80xi32, #tpu.memory_space<hbm>>
      %dma_wait3A_93 = tpu.memref_squeeze %dma_wait3A_92 : memref<1x125x80xi32, #tpu.memory_space<hbm>> -> memref<125x80xi32, #tpu.memory_space<hbm>>
      tpu.wait_dma2 semaphore(%run_scoped3A : memref<!tpu.dma_semaphore, #tpu.memory_space<semaphore_mem>>) src(%dma_wait3A_93 : memref<125x80xi32, #tpu.memory_space<hbm>>) dst(%arg8 : memref<125x80xi32, #tpu.memory_space<vmem>>)
      tpu.yield
    }) : () -> ()
    %dma_start3A = arith.constant 0 : i32
    %dma_start3A_3 = arith.constant 0 : i32
    %dma_start3A_4 = tpu.memref_slice %arg7[%dma_start3A, %dma_start3A_3] : memref<125x80xi32, #tpu.memory_space<vmem>> -> memref<1x80xi32, #tpu.memory_space<vmem>>
    %dma_start3A_5 = tpu.memref_squeeze %dma_start3A_4 : memref<1x80xi32, #tpu.memory_space<vmem>> -> memref<80xi32, #tpu.memory_space<vmem>>
    %dma_start3A_6 = arith.constant 0 : i32
    %dma_start3A_7 = arith.constant 0 : i32
    %dma_start3A_8 = tpu.memref_slice %arg2[%dma_start3A_6, %dma_start3A_7] : memref<10000x144xf32, #tpu.memory_space<hbm>> -> memref<10000x144xf32, #tpu.memory_space<hbm>>
    tpu.enqueue_indirect_dma source(%dma_start3A_8 : memref<10000x144xf32, #tpu.memory_space<hbm>>) target(%arg9 : memref<80x144xf32, #tpu.memory_space<vmem>>) offsets(%dma_start3A_5 : memref<80xi32, #tpu.memory_space<vmem>>) semaphore(%arg15 : memref<!tpu.dma_semaphore, #tpu.memory_space<semaphore_mem>>)
    %dma_start3A_9 = arith.constant 0 : i32
    %dma_start3A_10 = arith.constant 0 : i32
    %dma_start3A_11 = tpu.memref_slice %arg8[%dma_start3A_9, %dma_start3A_10] : memref<125x80xi32, #tpu.memory_space<vmem>> -> memref<1x80xi32, #tpu.memory_space<vmem>>
    %dma_start3A_12 = tpu.memref_squeeze %dma_start3A_11 : memref<1x80xi32, #tpu.memory_space<vmem>> -> memref<80xi32, #tpu.memory_space<vmem>>
    %dma_start3A_13 = arith.constant 0 : i32
    %dma_start3A_14 = arith.constant 0 : i32
    %dma_start3A_15 = tpu.memref_slice %arg3[%dma_start3A_13, %dma_start3A_14] : memref<10000x144xf32, #tpu.memory_space<hbm>> -> memref<10000x144xf32, #tpu.memory_space<hbm>>
    tpu.enqueue_indirect_dma source(%dma_start3A_15 : memref<10000x144xf32, #tpu.memory_space<hbm>>) target(%arg11 : memref<80x144xf32, #tpu.memory_space<vmem>>) offsets(%dma_start3A_12 : memref<80xi32, #tpu.memory_space<vmem>>) semaphore(%arg17 : memref<!tpu.dma_semaphore, #tpu.memory_space<semaphore_mem>>)
    %dma_start3A_16 = arith.constant 1 : i32
    %dma_start3A_17 = arith.constant 0 : i32
    %dma_start3A_18 = tpu.memref_slice %arg7[%dma_start3A_16, %dma_start3A_17] : memref<125x80xi32, #tpu.memory_space<vmem>> -> memref<1x80xi32, #tpu.memory_space<vmem>>
    %dma_start3A_19 = tpu.memref_squeeze %dma_start3A_18 : memref<1x80xi32, #tpu.memory_space<vmem>> -> memref<80xi32, #tpu.memory_space<vmem>>
    %dma_start3A_20 = arith.constant 0 : i32
    %dma_start3A_21 = arith.constant 0 : i32
    %dma_start3A_22 = tpu.memref_slice %arg2[%dma_start3A_20, %dma_start3A_21] : memref<10000x144xf32, #tpu.memory_space<hbm>> -> memref<10000x144xf32, #tpu.memory_space<hbm>>
    tpu.enqueue_indirect_dma source(%dma_start3A_22 : memref<10000x144xf32, #tpu.memory_space<hbm>>) target(%arg10 : memref<80x144xf32, #tpu.memory_space<vmem>>) offsets(%dma_start3A_19 : memref<80xi32, #tpu.memory_space<vmem>>) semaphore(%arg16 : memref<!tpu.dma_semaphore, #tpu.memory_space<semaphore_mem>>)
    %dma_start3A_23 = arith.constant 1 : i32
    %dma_start3A_24 = arith.constant 0 : i32
    %dma_start3A_25 = tpu.memref_slice %arg8[%dma_start3A_23, %dma_start3A_24] : memref<125x80xi32, #tpu.memory_space<vmem>> -> memref<1x80xi32, #tpu.memory_space<vmem>>
    %dma_start3A_26 = tpu.memref_squeeze %dma_start3A_25 : memref<1x80xi32, #tpu.memory_space<vmem>> -> memref<80xi32, #tpu.memory_space<vmem>>
    %dma_start3A_27 = arith.constant 0 : i32
    %dma_start3A_28 = arith.constant 0 : i32
    %dma_start3A_29 = tpu.memref_slice %arg3[%dma_start3A_27, %dma_start3A_28] : memref<10000x144xf32, #tpu.memory_space<hbm>> -> memref<10000x144xf32, #tpu.memory_space<hbm>>
    tpu.enqueue_indirect_dma source(%dma_start3A_29 : memref<10000x144xf32, #tpu.memory_space<hbm>>) target(%arg12 : memref<80x144xf32, #tpu.memory_space<vmem>>) offsets(%dma_start3A_26 : memref<80xi32, #tpu.memory_space<vmem>>) semaphore(%arg18 : memref<!tpu.dma_semaphore, #tpu.memory_space<semaphore_mem>>)
    %scan3A = arith.constant 0 : i32
    %scan3A_30 = arith.constant 0 : i32
    %scan3A_31 = arith.constant 62 : i32
    %scan3A_32 = arith.addi %scan3A_30, %scan3A_31 : i32
    %scan3A_33 = arith.constant 1 : i32
    scf.for %scan3A_78 = %scan3A_30 to %scan3A_32 step %scan3A_33  : i32 {
      %mul3A_79 = arith.constant 2 : i32
      %mul3A_80 = arith.muli %mul3A_79, %scan3A_78 : i32
      %dma_wait3A_81 = arith.constant 0 : i32
      %dma_wait3A_82 = tpu.memref_slice %arg7[%mul3A_80, %dma_wait3A_81] : memref<125x80xi32, #tpu.memory_space<vmem>> -> memref<1x80xi32, #tpu.memory_space<vmem>>
      %dma_wait3A_83 = tpu.memref_squeeze %dma_wait3A_82 : memref<1x80xi32, #tpu.memory_space<vmem>> -> memref<80xi32, #tpu.memory_space<vmem>>
      %dma_wait3A_84 = arith.constant 0 : i32
      %dma_wait3A_85 = arith.constant 0 : i32
      %dma_wait3A_86 = tpu.memref_slice %arg2[%dma_wait3A_84, %dma_wait3A_85] : memref<10000x144xf32, #tpu.memory_space<hbm>> -> memref<10000x144xf32, #tpu.memory_space<hbm>>
      tpu.wait_indirect_dma semaphore(%arg15 : memref<!tpu.dma_semaphore, #tpu.memory_space<semaphore_mem>>) src(%dma_wait3A_86 : memref<10000x144xf32, #tpu.memory_space<hbm>>) dst(%arg9 : memref<80x144xf32, #tpu.memory_space<vmem>>)
      %dma_wait3A_87 = arith.constant 0 : i32
      %dma_wait3A_88 = tpu.memref_slice %arg8[%mul3A_80, %dma_wait3A_87] : memref<125x80xi32, #tpu.memory_space<vmem>> -> memref<1x80xi32, #tpu.memory_space<vmem>>
      %dma_wait3A_89 = tpu.memref_squeeze %dma_wait3A_88 : memref<1x80xi32, #tpu.memory_space<vmem>> -> memref<80xi32, #tpu.memory_space<vmem>>
      %dma_wait3A_90 = arith.constant 0 : i32
      %dma_wait3A_91 = arith.constant 0 : i32
      %dma_wait3A_92 = tpu.memref_slice %arg3[%dma_wait3A_90, %dma_wait3A_91] : memref<10000x144xf32, #tpu.memory_space<hbm>> -> memref<10000x144xf32, #tpu.memory_space<hbm>>
      tpu.wait_indirect_dma semaphore(%arg17 : memref<!tpu.dma_semaphore, #tpu.memory_space<semaphore_mem>>) src(%dma_wait3A_92 : memref<10000x144xf32, #tpu.memory_space<hbm>>) dst(%arg11 : memref<80x144xf32, #tpu.memory_space<vmem>>)
      %gt3A = arith.constant 0 : i32
      %gt3A_93 = arith.cmpi sgt, %scan3A_78, %gt3A : i32
      %convert_element_type3A = arith.extui %gt3A_93 : i1 to i32
      %cond3A = arith.constant 0 : i32
      %cond3A_94 = arith.cmpi ne, %convert_element_type3A, %cond3A : i32
      scf.if %cond3A_94 {
        %sub3A = arith.constant 2 : i32
        %sub3A_155 = arith.subi %mul3A_80, %sub3A : i32
        %mul3A_156 = arith.constant 80 : i32
        %mul3A_157 = arith.muli %sub3A_155, %mul3A_156 : i32
        %add3A_158 = arith.addi %mul3A_2, %mul3A_157 : i32
        %dma_wait3A_159 = arith.constant 0 : i32
        %dma_wait3A_160 = tpu.memref_slice %arg6[%add3A_158, %dma_wait3A_159] : memref<320000x144xf32, #tpu.memory_space<hbm>> -> memref<80x144xf32, #tpu.memory_space<hbm>>
        %dma_wait3A_161 = arith.constant 0 : i32
        %dma_wait3A_162 = tpu.memref_slice %arg6[%add3A_158, %dma_wait3A_161] : memref<320000x144xf32, #tpu.memory_space<hbm>> -> memref<80x144xf32, #tpu.memory_space<hbm>>
        tpu.wait_dma2 semaphore(%arg19 : memref<!tpu.dma_semaphore, #tpu.memory_space<semaphore_mem>>) src(%arg13 : memref<80x144xf32, #tpu.memory_space<vmem>>) dst(%dma_wait3A_162 : memref<80x144xf32, #tpu.memory_space<hbm>>)
      } else {
      }
      %scan3A_95 = arith.constant 0 : i32
      %scan3A_96 = arith.constant 0 : i32
      %scan3A_97 = arith.constant 80 : i32
      %scan3A_98 = arith.addi %scan3A_96, %scan3A_97 : i32
      %scan3A_99 = arith.constant 2 : i32
      scf.for %scan3A_155 = %scan3A_96 to %scan3A_98 step %scan3A_99  : i32 {
        %get3A = arith.index_cast %scan3A_155 : i32 to index
        %get3A_156 = arith.constant 0 : index
        %get3A_157 = tpu.vector_load %arg9[%get3A, %get3A_156] {strides = array<i32>} : memref<80x144xf32, #tpu.memory_space<vmem>>, vector<1x16xf32>,
        %get3A_158 = vector.shape_cast %get3A_157 : vector<1x16xf32> to vector<16xf32>
        %get3A_159 = arith.index_cast %scan3A_155 : i32 to index
        %get3A_160 = arith.constant 0 : index
        %get3A_161 = tpu.vector_load %arg11[%get3A_159, %get3A_160] {strides = array<i32>} : memref<80x144xf32, #tpu.memory_space<vmem>>, vector<1x16xf32>,
        %get3A_162 = vector.shape_cast %get3A_161 : vector<1x16xf32> to vector<16xf32>
        %add3A_163 = arith.addf %get3A_158, %get3A_162 : vector<16xf32>
        %swap3A = arith.index_cast %scan3A_155 : i32 to index
        %swap3A_164 = arith.constant 0 : index
        %swap3A_165 = tpu.vector_load %arg13[%swap3A, %swap3A_164] {strides = array<i32>} : memref<80x144xf32, #tpu.memory_space<vmem>>, vector<1x16xf32>,
        %swap3A_166 = vector.shape_cast %swap3A_165 : vector<1x16xf32> to vector<16xf32>
        %swap3A_167 = vector.shape_cast %add3A_163 : vector<16xf32> to vector<1x16xf32>
        tpu.vector_store %arg13[%swap3A, %swap3A_164], %swap3A_167 {strides = array<i32>} : memref<80x144xf32, #tpu.memory_space<vmem>>, vector<1x16xf32>,
        %get3A_168 = arith.index_cast %scan3A_155 : i32 to index
        %get3A_169 = arith.constant 16 : index
        %get3A_170 = tpu.vector_load %arg9[%get3A_168, %get3A_169] {strides = array<i32>} : memref<80x144xf32, #tpu.memory_space<vmem>>, vector<1x16xf32>,
        %get3A_171 = vector.shape_cast %get3A_170 : vector<1x16xf32> to vector<16xf32>
        %get3A_172 = arith.index_cast %scan3A_155 : i32 to index
        %get3A_173 = arith.constant 16 : index
        %get3A_174 = tpu.vector_load %arg11[%get3A_172, %get3A_173] {strides = array<i32>} : memref<80x144xf32, #tpu.memory_space<vmem>>, vector<1x16xf32>,
        %get3A_175 = vector.shape_cast %get3A_174 : vector<1x16xf32> to vector<16xf32>
        %add3A_176 = arith.addf %get3A_171, %get3A_175 : vector<16xf32>
        %swap3A_177 = arith.index_cast %scan3A_155 : i32 to index
        %swap3A_178 = arith.constant 16 : index
        %swap3A_179 = tpu.vector_load %arg13[%swap3A_177, %swap3A_178] {strides = array<i32>} : memref<80x144xf32, #tpu.memory_space<vmem>>, vector<1x16xf32>,
        %swap3A_180 = vector.shape_cast %swap3A_179 : vector<1x16xf32> to vector<16xf32>
        %swap3A_181 = vector.shape_cast %add3A_176 : vector<16xf32> to vector<1x16xf32>
        tpu.vector_store %arg13[%swap3A_177, %swap3A_178], %swap3A_181 {strides = array<i32>} : memref<80x144xf32, #tpu.memory_space<vmem>>, vector<1x16xf32>,
        %get3A_182 = arith.index_cast %scan3A_155 : i32 to index
        %get3A_183 = arith.constant 32 : index
        %get3A_184 = tpu.vector_load %arg9[%get3A_182, %get3A_183] {strides = array<i32>} : memref<80x144xf32, #tpu.memory_space<vmem>>, vector<1x16xf32>,
        %get3A_185 = vector.shape_cast %get3A_184 : vector<1x16xf32> to vector<16xf32>
        %get3A_186 = arith.index_cast %scan3A_155 : i32 to index
        %get3A_187 = arith.constant 32 : index
        %get3A_188 = tpu.vector_load %arg11[%get3A_186, %get3A_187] {strides = array<i32>} : memref<80x144xf32, #tpu.memory_space<vmem>>, vector<1x16xf32>,
        %get3A_189 = vector.shape_cast %get3A_188 : vector<1x16xf32> to vector<16xf32>
        %add3A_190 = arith.addf %get3A_185, %get3A_189 : vector<16xf32>
        %swap3A_191 = arith.index_cast %scan3A_155 : i32 to index
        %swap3A_192 = arith.constant 32 : index
        %swap3A_193 = tpu.vector_load %arg13[%swap3A_191, %swap3A_192] {strides = array<i32>} : memref<80x144xf32, #tpu.memory_space<vmem>>, vector<1x16xf32>,
        %swap3A_194 = vector.shape_cast %swap3A_193 : vector<1x16xf32> to vector<16xf32>
        %swap3A_195 = vector.shape_cast %add3A_190 : vector<16xf32> to vector<1x16xf32>
        tpu.vector_store %arg13[%swap3A_191, %swap3A_192], %swap3A_195 {strides = array<i32>} : memref<80x144xf32, #tpu.memory_space<vmem>>, vector<1x16xf32>,
        %get3A_196 = arith.index_cast %scan3A_155 : i32 to index
        %get3A_197 = arith.constant 48 : index
        %get3A_198 = tpu.vector_load %arg9[%get3A_196, %get3A_197] {strides = array<i32>} : memref<80x144xf32, #tpu.memory_space<vmem>>, vector<1x16xf32>,
        %get3A_199 = vector.shape_cast %get3A_198 : vector<1x16xf32> to vector<16xf32>
        %get3A_200 = arith.index_cast %scan3A_155 : i32 to index
        %get3A_201 = arith.constant 48 : index
        %get3A_202 = tpu.vector_load %arg11[%get3A_200, %get3A_201] {strides = array<i32>} : memref<80x144xf32, #tpu.memory_space<vmem>>, vector<1x16xf32>,
        %get3A_203 = vector.shape_cast %get3A_202 : vector<1x16xf32> to vector<16xf32>
        %add3A_204 = arith.addf %get3A_199, %get3A_203 : vector<16xf32>
        %swap3A_205 = arith.index_cast %scan3A_155 : i32 to index
        %swap3A_206 = arith.constant 48 : index
        %swap3A_207 = tpu.vector_load %arg13[%swap3A_205, %swap3A_206] {strides = array<i32>} : memref<80x144xf32, #tpu.memory_space<vmem>>, vector<1x16xf32>,
        %swap3A_208 = vector.shape_cast %swap3A_207 : vector<1x16xf32> to vector<16xf32>
        %swap3A_209 = vector.shape_cast %add3A_204 : vector<16xf32> to vector<1x16xf32>
        tpu.vector_store %arg13[%swap3A_205, %swap3A_206], %swap3A_209 {strides = array<i32>} : memref<80x144xf32, #tpu.memory_space<vmem>>, vector<1x16xf32>,
        %get3A_210 = arith.index_cast %scan3A_155 : i32 to index
        %get3A_211 = arith.constant 64 : index
        %get3A_212 = tpu.vector_load %arg9[%get3A_210, %get3A_211] {strides = array<i32>} : memref<80x144xf32, #tpu.memory_space<vmem>>, vector<1x16xf32>,
        %get3A_213 = vector.shape_cast %get3A_212 : vector<1x16xf32> to vector<16xf32>
        %get3A_214 = arith.index_cast %scan3A_155 : i32 to index
        %get3A_215 = arith.constant 64 : index
        %get3A_216 = tpu.vector_load %arg11[%get3A_214, %get3A_215] {strides = array<i32>} : memref<80x144xf32, #tpu.memory_space<vmem>>, vector<1x16xf32>,
        %get3A_217 = vector.shape_cast %get3A_216 : vector<1x16xf32> to vector<16xf32>
        %add3A_218 = arith.addf %get3A_213, %get3A_217 : vector<16xf32>
        %swap3A_219 = arith.index_cast %scan3A_155 : i32 to index
        %swap3A_220 = arith.constant 64 : index
        %swap3A_221 = tpu.vector_load %arg13[%swap3A_219, %swap3A_220] {strides = array<i32>} : memref<80x144xf32, #tpu.memory_space<vmem>>, vector<1x16xf32>,
        %swap3A_222 = vector.shape_cast %swap3A_221 : vector<1x16xf32> to vector<16xf32>
        %swap3A_223 = vector.shape_cast %add3A_218 : vector<16xf32> to vector<1x16xf32>
        tpu.vector_store %arg13[%swap3A_219, %swap3A_220], %swap3A_223 {strides = array<i32>} : memref<80x144xf32, #tpu.memory_space<vmem>>, vector<1x16xf32>,
        %get3A_224 = arith.index_cast %scan3A_155 : i32 to index
        %get3A_225 = arith.constant 80 : index
        %get3A_226 = tpu.vector_load %arg9[%get3A_224, %get3A_225] {strides = array<i32>} : memref<80x144xf32, #tpu.memory_space<vmem>>, vector<1x16xf32>,
        %get3A_227 = vector.shape_cast %get3A_226 : vector<1x16xf32> to vector<16xf32>
        %get3A_228 = arith.index_cast %scan3A_155 : i32 to index
        %get3A_229 = arith.constant 80 : index
        %get3A_230 = tpu.vector_load %arg11[%get3A_228, %get3A_229] {strides = array<i32>} : memref<80x144xf32, #tpu.memory_space<vmem>>, vector<1x16xf32>,
        %get3A_231 = vector.shape_cast %get3A_230 : vector<1x16xf32> to vector<16xf32>
        %add3A_232 = arith.addf %get3A_227, %get3A_231 : vector<16xf32>
        %swap3A_233 = arith.index_cast %scan3A_155 : i32 to index
        %swap3A_234 = arith.constant 80 : index
        %swap3A_235 = tpu.vector_load %arg13[%swap3A_233, %swap3A_234] {strides = array<i32>} : memref<80x144xf32, #tpu.memory_space<vmem>>, vector<1x16xf32>,
        %swap3A_236 = vector.shape_cast %swap3A_235 : vector<1x16xf32> to vector<16xf32>
        %swap3A_237 = vector.shape_cast %add3A_232 : vector<16xf32> to vector<1x16xf32>
        tpu.vector_store %arg13[%swap3A_233, %swap3A_234], %swap3A_237 {strides = array<i32>} : memref<80x144xf32, #tpu.memory_space<vmem>>, vector<1x16xf32>,
        %get3A_238 = arith.index_cast %scan3A_155 : i32 to index
        %get3A_239 = arith.constant 96 : index
        %get3A_240 = tpu.vector_load %arg9[%get3A_238, %get3A_239] {strides = array<i32>} : memref<80x144xf32, #tpu.memory_space<vmem>>, vector<1x16xf32>,
        %get3A_241 = vector.shape_cast %get3A_240 : vector<1x16xf32> to vector<16xf32>
        %get3A_242 = arith.index_cast %scan3A_155 : i32 to index
        %get3A_243 = arith.constant 96 : index
        %get3A_244 = tpu.vector_load %arg11[%get3A_242, %get3A_243] {strides = array<i32>} : memref<80x144xf32, #tpu.memory_space<vmem>>, vector<1x16xf32>,
        %get3A_245 = vector.shape_cast %get3A_244 : vector<1x16xf32> to vector<16xf32>
        %add3A_246 = arith.addf %get3A_241, %get3A_245 : vector<16xf32>
        %swap3A_247 = arith.index_cast %scan3A_155 : i32 to index
        %swap3A_248 = arith.constant 96 : index
        %swap3A_249 = tpu.vector_load %arg13[%swap3A_247, %swap3A_248] {strides = array<i32>} : memref<80x144xf32, #tpu.memory_space<vmem>>, vector<1x16xf32>,
        %swap3A_250 = vector.shape_cast %swap3A_249 : vector<1x16xf32> to vector<16xf32>
        %swap3A_251 = vector.shape_cast %add3A_246 : vector<16xf32> to vector<1x16xf32>
        tpu.vector_store %arg13[%swap3A_247, %swap3A_248], %swap3A_251 {strides = array<i32>} : memref<80x144xf32, #tpu.memory_space<vmem>>, vector<1x16xf32>,
        %get3A_252 = arith.index_cast %scan3A_155 : i32 to index
        %get3A_253 = arith.constant 112 : index
        %get3A_254 = tpu.vector_load %arg9[%get3A_252, %get3A_253] {strides = array<i32>} : memref<80x144xf32, #tpu.memory_space<vmem>>, vector<1x16xf32>,
        %get3A_255 = vector.shape_cast %get3A_254 : vector<1x16xf32> to vector<16xf32>
        %get3A_256 = arith.index_cast %scan3A_155 : i32 to index
        %get3A_257 = arith.constant 112 : index
        %get3A_258 = tpu.vector_load %arg11[%get3A_256, %get3A_257] {strides = array<i32>} : memref<80x144xf32, #tpu.memory_space<vmem>>, vector<1x16xf32>,
        %get3A_259 = vector.shape_cast %get3A_258 : vector<1x16xf32> to vector<16xf32>
        %add3A_260 = arith.addf %get3A_255, %get3A_259 : vector<16xf32>
        %swap3A_261 = arith.index_cast %scan3A_155 : i32 to index
        %swap3A_262 = arith.constant 112 : index
        %swap3A_263 = tpu.vector_load %arg13[%swap3A_261, %swap3A_262] {strides = array<i32>} : memref<80x144xf32, #tpu.memory_space<vmem>>, vector<1x16xf32>,
        %swap3A_264 = vector.shape_cast %swap3A_263 : vector<1x16xf32> to vector<16xf32>
        %swap3A_265 = vector.shape_cast %add3A_260 : vector<16xf32> to vector<1x16xf32>
        tpu.vector_store %arg13[%swap3A_261, %swap3A_262], %swap3A_265 {strides = array<i32>} : memref<80x144xf32, #tpu.memory_space<vmem>>, vector<1x16xf32>,
        %get3A_266 = arith.index_cast %scan3A_155 : i32 to index
        %get3A_267 = arith.constant 128 : index
        %get3A_268 = tpu.vector_load %arg9[%get3A_266, %get3A_267] {strides = array<i32>} : memref<80x144xf32, #tpu.memory_space<vmem>>, vector<1x16xf32>,
        %get3A_269 = vector.shape_cast %get3A_268 : vector<1x16xf32> to vector<16xf32>
        %get3A_270 = arith.index_cast %scan3A_155 : i32 to index
        %get3A_271 = arith.constant 128 : index
        %get3A_272 = tpu.vector_load %arg11[%get3A_270, %get3A_271] {strides = array<i32>} : memref<80x144xf32, #tpu.memory_space<vmem>>, vector<1x16xf32>,
        %get3A_273 = vector.shape_cast %get3A_272 : vector<1x16xf32> to vector<16xf32>
        %add3A_274 = arith.addf %get3A_269, %get3A_273 : vector<16xf32>
        %swap3A_275 = arith.index_cast %scan3A_155 : i32 to index
        %swap3A_276 = arith.constant 128 : index
        %swap3A_277 = tpu.vector_load %arg13[%swap3A_275, %swap3A_276] {strides = array<i32>} : memref<80x144xf32, #tpu.memory_space<vmem>>, vector<1x16xf32>,
        %swap3A_278 = vector.shape_cast %swap3A_277 : vector<1x16xf32> to vector<16xf32>
        %swap3A_279 = vector.shape_cast %add3A_274 : vector<16xf32> to vector<1x16xf32>
        tpu.vector_store %arg13[%swap3A_275, %swap3A_276], %swap3A_279 {strides = array<i32>} : memref<80x144xf32, #tpu.memory_space<vmem>>, vector<1x16xf32>,
        %scan3A_280 = arith.constant 1 : i32
        %scan3A_281 = arith.addi %scan3A_155, %scan3A_280 : i32
        %get3A_282 = arith.index_cast %scan3A_281 : i32 to index
        %get3A_283 = arith.constant 0 : index
        %get3A_284 = tpu.vector_load %arg9[%get3A_282, %get3A_283] {strides = array<i32>} : memref<80x144xf32, #tpu.memory_space<vmem>>, vector<1x16xf32>,
        %get3A_285 = vector.shape_cast %get3A_284 : vector<1x16xf32> to vector<16xf32>
        %get3A_286 = arith.index_cast %scan3A_281 : i32 to index
        %get3A_287 = arith.constant 0 : index
        %get3A_288 = tpu.vector_load %arg11[%get3A_286, %get3A_287] {strides = array<i32>} : memref<80x144xf32, #tpu.memory_space<vmem>>, vector<1x16xf32>,
        %get3A_289 = vector.shape_cast %get3A_288 : vector<1x16xf32> to vector<16xf32>
        %add3A_290 = arith.addf %get3A_285, %get3A_289 : vector<16xf32>
        %swap3A_291 = arith.index_cast %scan3A_281 : i32 to index
        %swap3A_292 = arith.constant 0 : index
        %swap3A_293 = tpu.vector_load %arg13[%swap3A_291, %swap3A_292] {strides = array<i32>} : memref<80x144xf32, #tpu.memory_space<vmem>>, vector<1x16xf32>,
        %swap3A_294 = vector.shape_cast %swap3A_293 : vector<1x16xf32> to vector<16xf32>
        %swap3A_295 = vector.shape_cast %add3A_290 : vector<16xf32> to vector<1x16xf32>
        tpu.vector_store %arg13[%swap3A_291, %swap3A_292], %swap3A_295 {strides = array<i32>} : memref<80x144xf32, #tpu.memory_space<vmem>>, vector<1x16xf32>,
        %get3A_296 = arith.index_cast %scan3A_281 : i32 to index
        %get3A_297 = arith.constant 16 : index
        %get3A_298 = tpu.vector_load %arg9[%get3A_296, %get3A_297] {strides = array<i32>} : memref<80x144xf32, #tpu.memory_space<vmem>>, vector<1x16xf32>,
        %get3A_299 = vector.shape_cast %get3A_298 : vector<1x16xf32> to vector<16xf32>
        %get3A_300 = arith.index_cast %scan3A_281 : i32 to index
        %get3A_301 = arith.constant 16 : index
        %get3A_302 = tpu.vector_load %arg11[%get3A_300, %get3A_301] {strides = array<i32>} : memref<80x144xf32, #tpu.memory_space<vmem>>, vector<1x16xf32>,
        %get3A_303 = vector.shape_cast %get3A_302 : vector<1x16xf32> to vector<16xf32>
        %add3A_304 = arith.addf %get3A_299, %get3A_303 : vector<16xf32>
        %swap3A_305 = arith.index_cast %scan3A_281 : i32 to index
        %swap3A_306 = arith.constant 16 : index
        %swap3A_307 = tpu.vector_load %arg13[%swap3A_305, %swap3A_306] {strides = array<i32>} : memref<80x144xf32, #tpu.memory_space<vmem>>, vector<1x16xf32>,
        %swap3A_308 = vector.shape_cast %swap3A_307 : vector<1x16xf32> to vector<16xf32>
        %swap3A_309 = vector.shape_cast %add3A_304 : vector<16xf32> to vector<1x16xf32>
        tpu.vector_store %arg13[%swap3A_305, %swap3A_306], %swap3A_309 {strides = array<i32>} : memref<80x144xf32, #tpu.memory_space<vmem>>, vector<1x16xf32>,
        %get3A_310 = arith.index_cast %scan3A_281 : i32 to index
        %get3A_311 = arith.constant 32 : index
        %get3A_312 = tpu.vector_load %arg9[%get3A_310, %get3A_311] {strides = array<i32>} : memref<80x144xf32, #tpu.memory_space<vmem>>, vector<1x16xf32>,
        %get3A_313 = vector.shape_cast %get3A_312 : vector<1x16xf32> to vector<16xf32>
        %get3A_314 = arith.index_cast %scan3A_281 : i32 to index
        %get3A_315 = arith.constant 32 : index
        %get3A_316 = tpu.vector_load %arg11[%get3A_314, %get3A_315] {strides = array<i32>} : memref<80x144xf32, #tpu.memory_space<vmem>>, vector<1x16xf32>,
        %get3A_317 = vector.shape_cast %get3A_316 : vector<1x16xf32> to vector<16xf32>
        %add3A_318 = arith.addf %get3A_313, %get3A_317 : vector<16xf32>
        %swap3A_319 = arith.index_cast %scan3A_281 : i32 to index
        %swap3A_320 = arith.constant 32 : index
        %swap3A_321 = tpu.vector_load %arg13[%swap3A_319, %swap3A_320] {strides = array<i32>} : memref<80x144xf32, #tpu.memory_space<vmem>>, vector<1x16xf32>,
        %swap3A_322 = vector.shape_cast %swap3A_321 : vector<1x16xf32> to vector<16xf32>
        %swap3A_323 = vector.shape_cast %add3A_318 : vector<16xf32> to vector<1x16xf32>
        tpu.vector_store %arg13[%swap3A_319, %swap3A_320], %swap3A_323 {strides = array<i32>} : memref<80x144xf32, #tpu.memory_space<vmem>>, vector<1x16xf32>,
        %get3A_324 = arith.index_cast %scan3A_281 : i32 to index
        %get3A_325 = arith.constant 48 : index
        %get3A_326 = tpu.vector_load %arg9[%get3A_324, %get3A_325] {strides = array<i32>} : memref<80x144xf32, #tpu.memory_space<vmem>>, vector<1x16xf32>,
        %get3A_327 = vector.shape_cast %get3A_326 : vector<1x16xf32> to vector<16xf32>
        %get3A_328 = arith.index_cast %scan3A_281 : i32 to index
        %get3A_329 = arith.constant 48 : index
        %get3A_330 = tpu.vector_load %arg11[%get3A_328, %get3A_329] {strides = array<i32>} : memref<80x144xf32, #tpu.memory_space<vmem>>, vector<1x16xf32>,
        %get3A_331 = vector.shape_cast %get3A_330 : vector<1x16xf32> to vector<16xf32>
        %add3A_332 = arith.addf %get3A_327, %get3A_331 : vector<16xf32>
        %swap3A_333 = arith.index_cast %scan3A_281 : i32 to index
        %swap3A_334 = arith.constant 48 : index
        %swap3A_335 = tpu.vector_load %arg13[%swap3A_333, %swap3A_334] {strides = array<i32>} : memref<80x144xf32, #tpu.memory_space<vmem>>, vector<1x16xf32>,
        %swap3A_336 = vector.shape_cast %swap3A_335 : vector<1x16xf32> to vector<16xf32>
        %swap3A_337 = vector.shape_cast %add3A_332 : vector<16xf32> to vector<1x16xf32>
        tpu.vector_store %arg13[%swap3A_333, %swap3A_334], %swap3A_337 {strides = array<i32>} : memref<80x144xf32, #tpu.memory_space<vmem>>, vector<1x16xf32>,
        %get3A_338 = arith.index_cast %scan3A_281 : i32 to index
        %get3A_339 = arith.constant 64 : index
        %get3A_340 = tpu.vector_load %arg9[%get3A_338, %get3A_339] {strides = array<i32>} : memref<80x144xf32, #tpu.memory_space<vmem>>, vector<1x16xf32>,
        %get3A_341 = vector.shape_cast %get3A_340 : vector<1x16xf32> to vector<16xf32>
        %get3A_342 = arith.index_cast %scan3A_281 : i32 to index
        %get3A_343 = arith.constant 64 : index
        %get3A_344 = tpu.vector_load %arg11[%get3A_342, %get3A_343] {strides = array<i32>} : memref<80x144xf32, #tpu.memory_space<vmem>>, vector<1x16xf32>,
        %get3A_345 = vector.shape_cast %get3A_344 : vector<1x16xf32> to vector<16xf32>
        %add3A_346 = arith.addf %get3A_341, %get3A_345 : vector<16xf32>
        %swap3A_347 = arith.index_cast %scan3A_281 : i32 to index
        %swap3A_348 = arith.constant 64 : index
        %swap3A_349 = tpu.vector_load %arg13[%swap3A_347, %swap3A_348] {strides = array<i32>} : memref<80x144xf32, #tpu.memory_space<vmem>>, vector<1x16xf32>,
        %swap3A_350 = vector.shape_cast %swap3A_349 : vector<1x16xf32> to vector<16xf32>
        %swap3A_351 = vector.shape_cast %add3A_346 : vector<16xf32> to vector<1x16xf32>
        tpu.vector_store %arg13[%swap3A_347, %swap3A_348], %swap3A_351 {strides = array<i32>} : memref<80x144xf32, #tpu.memory_space<vmem>>, vector<1x16xf32>,
        %get3A_352 = arith.index_cast %scan3A_281 : i32 to index
        %get3A_353 = arith.constant 80 : index
        %get3A_354 = tpu.vector_load %arg9[%get3A_352, %get3A_353] {strides = array<i32>} : memref<80x144xf32, #tpu.memory_space<vmem>>, vector<1x16xf32>,
        %get3A_355 = vector.shape_cast %get3A_354 : vector<1x16xf32> to vector<16xf32>
        %get3A_356 = arith.index_cast %scan3A_281 : i32 to index
        %get3A_357 = arith.constant 80 : index
        %get3A_358 = tpu.vector_load %arg11[%get3A_356, %get3A_357] {strides = array<i32>} : memref<80x144xf32, #tpu.memory_space<vmem>>, vector<1x16xf32>,
        %get3A_359 = vector.shape_cast %get3A_358 : vector<1x16xf32> to vector<16xf32>
        %add3A_360 = arith.addf %get3A_355, %get3A_359 : vector<16xf32>
        %swap3A_361 = arith.index_cast %scan3A_281 : i32 to index
        %swap3A_362 = arith.constant 80 : index
        %swap3A_363 = tpu.vector_load %arg13[%swap3A_361, %swap3A_362] {strides = array<i32>} : memref<80x144xf32, #tpu.memory_space<vmem>>, vector<1x16xf32>,
        %swap3A_364 = vector.shape_cast %swap3A_363 : vector<1x16xf32> to vector<16xf32>
        %swap3A_365 = vector.shape_cast %add3A_360 : vector<16xf32> to vector<1x16xf32>
        tpu.vector_store %arg13[%swap3A_361, %swap3A_362], %swap3A_365 {strides = array<i32>} : memref<80x144xf32, #tpu.memory_space<vmem>>, vector<1x16xf32>,
        %get3A_366 = arith.index_cast %scan3A_281 : i32 to index
        %get3A_367 = arith.constant 96 : index
        %get3A_368 = tpu.vector_load %arg9[%get3A_366, %get3A_367] {strides = array<i32>} : memref<80x144xf32, #tpu.memory_space<vmem>>, vector<1x16xf32>,
        %get3A_369 = vector.shape_cast %get3A_368 : vector<1x16xf32> to vector<16xf32>
        %get3A_370 = arith.index_cast %scan3A_281 : i32 to index
        %get3A_371 = arith.constant 96 : index
        %get3A_372 = tpu.vector_load %arg11[%get3A_370, %get3A_371] {strides = array<i32>} : memref<80x144xf32, #tpu.memory_space<vmem>>, vector<1x16xf32>,
        %get3A_373 = vector.shape_cast %get3A_372 : vector<1x16xf32> to vector<16xf32>
        %add3A_374 = arith.addf %get3A_369, %get3A_373 : vector<16xf32>
        %swap3A_375 = arith.index_cast %scan3A_281 : i32 to index
        %swap3A_376 = arith.constant 96 : index
        %swap3A_377 = tpu.vector_load %arg13[%swap3A_375, %swap3A_376] {strides = array<i32>} : memref<80x144xf32, #tpu.memory_space<vmem>>, vector<1x16xf32>,
        %swap3A_378 = vector.shape_cast %swap3A_377 : vector<1x16xf32> to vector<16xf32>
        %swap3A_379 = vector.shape_cast %add3A_374 : vector<16xf32> to vector<1x16xf32>
        tpu.vector_store %arg13[%swap3A_375, %swap3A_376], %swap3A_379 {strides = array<i32>} : memref<80x144xf32, #tpu.memory_space<vmem>>, vector<1x16xf32>,
        %get3A_380 = arith.index_cast %scan3A_281 : i32 to index
        %get3A_381 = arith.constant 112 : index
        %get3A_382 = tpu.vector_load %arg9[%get3A_380, %get3A_381] {strides = array<i32>} : memref<80x144xf32, #tpu.memory_space<vmem>>, vector<1x16xf32>,
        %get3A_383 = vector.shape_cast %get3A_382 : vector<1x16xf32> to vector<16xf32>
        %get3A_384 = arith.index_cast %scan3A_281 : i32 to index
        %get3A_385 = arith.constant 112 : index
        %get3A_386 = tpu.vector_load %arg11[%get3A_384, %get3A_385] {strides = array<i32>} : memref<80x144xf32, #tpu.memory_space<vmem>>, vector<1x16xf32>,
        %get3A_387 = vector.shape_cast %get3A_386 : vector<1x16xf32> to vector<16xf32>
        %add3A_388 = arith.addf %get3A_383, %get3A_387 : vector<16xf32>
        %swap3A_389 = arith.index_cast %scan3A_281 : i32 to index
        %swap3A_390 = arith.constant 112 : index
        %swap3A_391 = tpu.vector_load %arg13[%swap3A_389, %swap3A_390] {strides = array<i32>} : memref<80x144xf32, #tpu.memory_space<vmem>>, vector<1x16xf32>,
        %swap3A_392 = vector.shape_cast %swap3A_391 : vector<1x16xf32> to vector<16xf32>
        %swap3A_393 = vector.shape_cast %add3A_388 : vector<16xf32> to vector<1x16xf32>
        tpu.vector_store %arg13[%swap3A_389, %swap3A_390], %swap3A_393 {strides = array<i32>} : memref<80x144xf32, #tpu.memory_space<vmem>>, vector<1x16xf32>,
        %get3A_394 = arith.index_cast %scan3A_281 : i32 to index
        %get3A_395 = arith.constant 128 : index
        %get3A_396 = tpu.vector_load %arg9[%get3A_394, %get3A_395] {strides = array<i32>} : memref<80x144xf32, #tpu.memory_space<vmem>>, vector<1x16xf32>,
        %get3A_397 = vector.shape_cast %get3A_396 : vector<1x16xf32> to vector<16xf32>
        %get3A_398 = arith.index_cast %scan3A_281 : i32 to index
        %get3A_399 = arith.constant 128 : index
        %get3A_400 = tpu.vector_load %arg11[%get3A_398, %get3A_399] {strides = array<i32>} : memref<80x144xf32, #tpu.memory_space<vmem>>, vector<1x16xf32>,
        %get3A_401 = vector.shape_cast %get3A_400 : vector<1x16xf32> to vector<16xf32>
        %add3A_402 = arith.addf %get3A_397, %get3A_401 : vector<16xf32>
        %swap3A_403 = arith.index_cast %scan3A_281 : i32 to index
        %swap3A_404 = arith.constant 128 : index
        %swap3A_405 = tpu.vector_load %arg13[%swap3A_403, %swap3A_404] {strides = array<i32>} : memref<80x144xf32, #tpu.memory_space<vmem>>, vector<1x16xf32>,
        %swap3A_406 = vector.shape_cast %swap3A_405 : vector<1x16xf32> to vector<16xf32>
        %swap3A_407 = vector.shape_cast %add3A_402 : vector<16xf32> to vector<1x16xf32>
        tpu.vector_store %arg13[%swap3A_403, %swap3A_404], %swap3A_407 {strides = array<i32>} : memref<80x144xf32, #tpu.memory_space<vmem>>, vector<1x16xf32>,
      }
      %scan3A_100 = arith.constant 80 : i32
      %add3A_101 = arith.constant 2 : i32
      %add3A_102 = arith.addi %mul3A_80, %add3A_101 : i32
      %lt3A = arith.constant 125 : i32
      %lt3A_103 = arith.cmpi slt, %add3A_102, %lt3A : i32
      %convert_element_type3A_104 = arith.extui %lt3A_103 : i1 to i32
      %cond3A_105 = arith.constant 0 : i32
      %cond3A_106 = arith.cmpi ne, %convert_element_type3A_104, %cond3A_105 : i32
      scf.if %cond3A_106 {
        %add3A_155 = arith.constant 2 : i32
        %add3A_156 = arith.addi %mul3A_80, %add3A_155 : i32
        %dma_start3A_157 = arith.constant 0 : i32
        %dma_start3A_158 = tpu.memref_slice %arg7[%add3A_156, %dma_start3A_157] : memref<125x80xi32, #tpu.memory_space<vmem>> -> memref<1x80xi32, #tpu.memory_space<vmem>>
        %dma_start3A_159 = tpu.memref_squeeze %dma_start3A_158 : memref<1x80xi32, #tpu.memory_space<vmem>> -> memref<80xi32, #tpu.memory_space<vmem>>
        %dma_start3A_160 = arith.constant 0 : i32
        %dma_start3A_161 = arith.constant 0 : i32
        %dma_start3A_162 = tpu.memref_slice %arg2[%dma_start3A_160, %dma_start3A_161] : memref<10000x144xf32, #tpu.memory_space<hbm>> -> memref<10000x144xf32, #tpu.memory_space<hbm>>
        tpu.enqueue_indirect_dma source(%dma_start3A_162 : memref<10000x144xf32, #tpu.memory_space<hbm>>) target(%arg9 : memref<80x144xf32, #tpu.memory_space<vmem>>) offsets(%dma_start3A_159 : memref<80xi32, #tpu.memory_space<vmem>>) semaphore(%arg15 : memref<!tpu.dma_semaphore, #tpu.memory_space<semaphore_mem>>)
        %dma_start3A_163 = arith.constant 0 : i32
        %dma_start3A_164 = tpu.memref_slice %arg8[%add3A_156, %dma_start3A_163] : memref<125x80xi32, #tpu.memory_space<vmem>> -> memref<1x80xi32, #tpu.memory_space<vmem>>
        %dma_start3A_165 = tpu.memref_squeeze %dma_start3A_164 : memref<1x80xi32, #tpu.memory_space<vmem>> -> memref<80xi32, #tpu.memory_space<vmem>>
        %dma_start3A_166 = arith.constant 0 : i32
        %dma_start3A_167 = arith.constant 0 : i32
        %dma_start3A_168 = tpu.memref_slice %arg3[%dma_start3A_166, %dma_start3A_167] : memref<10000x144xf32, #tpu.memory_space<hbm>> -> memref<10000x144xf32, #tpu.memory_space<hbm>>
        tpu.enqueue_indirect_dma source(%dma_start3A_168 : memref<10000x144xf32, #tpu.memory_space<hbm>>) target(%arg11 : memref<80x144xf32, #tpu.memory_space<vmem>>) offsets(%dma_start3A_165 : memref<80xi32, #tpu.memory_space<vmem>>) semaphore(%arg17 : memref<!tpu.dma_semaphore, #tpu.memory_space<semaphore_mem>>)
      } else {
      }
      %mul3A_107 = arith.constant 80 : i32
      %mul3A_108 = arith.muli %mul3A_80, %mul3A_107 : i32
      %add3A_109 = arith.addi %mul3A_2, %mul3A_108 : i32
      %dma_start3A_110 = arith.constant 0 : i32
      %dma_start3A_111 = tpu.memref_slice %arg6[%add3A_109, %dma_start3A_110] : memref<320000x144xf32, #tpu.memory_space<hbm>> -> memref<80x144xf32, #tpu.memory_space<hbm>>
      %dma_start3A_112 = arith.constant 0 : i32
      %dma_start3A_113 = tpu.memref_slice %arg6[%add3A_109, %dma_start3A_112] : memref<320000x144xf32, #tpu.memory_space<hbm>> -> memref<80x144xf32, #tpu.memory_space<hbm>>
      tpu.enqueue_dma source(%arg13 : memref<80x144xf32, #tpu.memory_space<vmem>>) target(%dma_start3A_113 : memref<80x144xf32, #tpu.memory_space<hbm>>) target_semaphore(%arg19 : memref<!tpu.dma_semaphore, #tpu.memory_space<semaphore_mem>>)
      %mul3A_114 = arith.constant 2 : i32
      %mul3A_115 = arith.muli %mul3A_114, %scan3A_78 : i32
      %add3A_116 = arith.constant 1 : i32
      %add3A_117 = arith.addi %mul3A_115, %add3A_116 : i32
      %dma_wait3A_118 = arith.constant 0 : i32
      %dma_wait3A_119 = tpu.memref_slice %arg7[%add3A_117, %dma_wait3A_118] : memref<125x80xi32, #tpu.memory_space<vmem>> -> memref<1x80xi32, #tpu.memory_space<vmem>>
      %dma_wait3A_120 = tpu.memref_squeeze %dma_wait3A_119 : memref<1x80xi32, #tpu.memory_space<vmem>> -> memref<80xi32, #tpu.memory_space<vmem>>
      %dma_wait3A_121 = arith.constant 0 : i32
      %dma_wait3A_122 = arith.constant 0 : i32
      %dma_wait3A_123 = tpu.memref_slice %arg2[%dma_wait3A_121, %dma_wait3A_122] : memref<10000x144xf32, #tpu.memory_space<hbm>> -> memref<10000x144xf32, #tpu.memory_space<hbm>>
      tpu.wait_indirect_dma semaphore(%arg16 : memref<!tpu.dma_semaphore, #tpu.memory_space<semaphore_mem>>) src(%dma_wait3A_123 : memref<10000x144xf32, #tpu.memory_space<hbm>>) dst(%arg10 : memref<80x144xf32, #tpu.memory_space<vmem>>)
      %dma_wait3A_124 = arith.constant 0 : i32
      %dma_wait3A_125 = tpu.memref_slice %arg8[%add3A_117, %dma_wait3A_124] : memref<125x80xi32, #tpu.memory_space<vmem>> -> memref<1x80xi32, #tpu.memory_space<vmem>>
      %dma_wait3A_126 = tpu.memref_squeeze %dma_wait3A_125 : memref<1x80xi32, #tpu.memory_space<vmem>> -> memref<80xi32, #tpu.memory_space<vmem>>
      %dma_wait3A_127 = arith.constant 0 : i32
      %dma_wait3A_128 = arith.constant 0 : i32
      %dma_wait3A_129 = tpu.memref_slice %arg3[%dma_wait3A_127, %dma_wait3A_128] : memref<10000x144xf32, #tpu.memory_space<hbm>> -> memref<10000x144xf32, #tpu.memory_space<hbm>>
      tpu.wait_indirect_dma semaphore(%arg18 : memref<!tpu.dma_semaphore, #tpu.memory_space<semaphore_mem>>) src(%dma_wait3A_129 : memref<10000x144xf32, #tpu.memory_space<hbm>>) dst(%arg12 : memref<80x144xf32, #tpu.memory_space<vmem>>)
      %gt3A_130 = arith.constant 0 : i32
      %gt3A_131 = arith.cmpi sgt, %scan3A_78, %gt3A_130 : i32
      %convert_element_type3A_132 = arith.extui %gt3A_131 : i1 to i32
      %cond3A_133 = arith.constant 0 : i32
      %cond3A_134 = arith.cmpi ne, %convert_element_type3A_132, %cond3A_133 : i32
      scf.if %cond3A_134 {
        %sub3A = arith.constant 2 : i32
        %sub3A_155 = arith.subi %add3A_117, %sub3A : i32
        %mul3A_156 = arith.constant 80 : i32
        %mul3A_157 = arith.muli %sub3A_155, %mul3A_156 : i32
        %add3A_158 = arith.addi %mul3A_2, %mul3A_157 : i32
        %dma_wait3A_159 = arith.constant 0 : i32
        %dma_wait3A_160 = tpu.memref_slice %arg6[%add3A_158, %dma_wait3A_159] : memref<320000x144xf32, #tpu.memory_space<hbm>> -> memref<80x144xf32, #tpu.memory_space<hbm>>
        %dma_wait3A_161 = arith.constant 0 : i32
        %dma_wait3A_162 = tpu.memref_slice %arg6[%add3A_158, %dma_wait3A_161] : memref<320000x144xf32, #tpu.memory_space<hbm>> -> memref<80x144xf32, #tpu.memory_space<hbm>>
        tpu.wait_dma2 semaphore(%arg20 : memref<!tpu.dma_semaphore, #tpu.memory_space<semaphore_mem>>) src(%arg14 : memref<80x144xf32, #tpu.memory_space<vmem>>) dst(%dma_wait3A_162 : memref<80x144xf32, #tpu.memory_space<hbm>>)
      } else {
      }
      %scan3A_135 = arith.constant 0 : i32
      %scan3A_136 = arith.constant 0 : i32
      %scan3A_137 = arith.constant 80 : i32
      %scan3A_138 = arith.addi %scan3A_136, %scan3A_137 : i32
      %scan3A_139 = arith.constant 2 : i32
      scf.for %scan3A_155 = %scan3A_136 to %scan3A_138 step %scan3A_139  : i32 {
        %get3A = arith.index_cast %scan3A_155 : i32 to index
        %get3A_156 = arith.constant 0 : index
        %get3A_157 = tpu.vector_load %arg10[%get3A, %get3A_156] {strides = array<i32>} : memref<80x144xf32, #tpu.memory_space<vmem>>, vector<1x16xf32>,
        %get3A_158 = vector.shape_cast %get3A_157 : vector<1x16xf32> to vector<16xf32>
        %get3A_159 = arith.index_cast %scan3A_155 : i32 to index
        %get3A_160 = arith.constant 0 : index
        %get3A_161 = tpu.vector_load %arg12[%get3A_159, %get3A_160] {strides = array<i32>} : memref<80x144xf32, #tpu.memory_space<vmem>>, vector<1x16xf32>,
        %get3A_162 = vector.shape_cast %get3A_161 : vector<1x16xf32> to vector<16xf32>
        %add3A_163 = arith.addf %get3A_158, %get3A_162 : vector<16xf32>
        %swap3A = arith.index_cast %scan3A_155 : i32 to index
        %swap3A_164 = arith.constant 0 : index
        %swap3A_165 = tpu.vector_load %arg14[%swap3A, %swap3A_164] {strides = array<i32>} : memref<80x144xf32, #tpu.memory_space<vmem>>, vector<1x16xf32>,
        %swap3A_166 = vector.shape_cast %swap3A_165 : vector<1x16xf32> to vector<16xf32>
        %swap3A_167 = vector.shape_cast %add3A_163 : vector<16xf32> to vector<1x16xf32>
        tpu.vector_store %arg14[%swap3A, %swap3A_164], %swap3A_167 {strides = array<i32>} : memref<80x144xf32, #tpu.memory_space<vmem>>, vector<1x16xf32>,
        %get3A_168 = arith.index_cast %scan3A_155 : i32 to index
        %get3A_169 = arith.constant 16 : index
        %get3A_170 = tpu.vector_load %arg10[%get3A_168, %get3A_169] {strides = array<i32>} : memref<80x144xf32, #tpu.memory_space<vmem>>, vector<1x16xf32>,
        %get3A_171 = vector.shape_cast %get3A_170 : vector<1x16xf32> to vector<16xf32>
        %get3A_172 = arith.index_cast %scan3A_155 : i32 to index
        %get3A_173 = arith.constant 16 : index
        %get3A_174 = tpu.vector_load %arg12[%get3A_172, %get3A_173] {strides = array<i32>} : memref<80x144xf32, #tpu.memory_space<vmem>>, vector<1x16xf32>,
        %get3A_175 = vector.shape_cast %get3A_174 : vector<1x16xf32> to vector<16xf32>
        %add3A_176 = arith.addf %get3A_171, %get3A_175 : vector<16xf32>
        %swap3A_177 = arith.index_cast %scan3A_155 : i32 to index
        %swap3A_178 = arith.constant 16 : index
        %swap3A_179 = tpu.vector_load %arg14[%swap3A_177, %swap3A_178] {strides = array<i32>} : memref<80x144xf32, #tpu.memory_space<vmem>>, vector<1x16xf32>,
        %swap3A_180 = vector.shape_cast %swap3A_179 : vector<1x16xf32> to vector<16xf32>
        %swap3A_181 = vector.shape_cast %add3A_176 : vector<16xf32> to vector<1x16xf32>
        tpu.vector_store %arg14[%swap3A_177, %swap3A_178], %swap3A_181 {strides = array<i32>} : memref<80x144xf32, #tpu.memory_space<vmem>>, vector<1x16xf32>,
        %get3A_182 = arith.index_cast %scan3A_155 : i32 to index
        %get3A_183 = arith.constant 32 : index
        %get3A_184 = tpu.vector_load %arg10[%get3A_182, %get3A_183] {strides = array<i32>} : memref<80x144xf32, #tpu.memory_space<vmem>>, vector<1x16xf32>,
        %get3A_185 = vector.shape_cast %get3A_184 : vector<1x16xf32> to vector<16xf32>
        %get3A_186 = arith.index_cast %scan3A_155 : i32 to index
        %get3A_187 = arith.constant 32 : index
        %get3A_188 = tpu.vector_load %arg12[%get3A_186, %get3A_187] {strides = array<i32>} : memref<80x144xf32, #tpu.memory_space<vmem>>, vector<1x16xf32>,
        %get3A_189 = vector.shape_cast %get3A_188 : vector<1x16xf32> to vector<16xf32>
        %add3A_190 = arith.addf %get3A_185, %get3A_189 : vector<16xf32>
        %swap3A_191 = arith.index_cast %scan3A_155 : i32 to index
        %swap3A_192 = arith.constant 32 : index
        %swap3A_193 = tpu.vector_load %arg14[%swap3A_191, %swap3A_192] {strides = array<i32>} : memref<80x144xf32, #tpu.memory_space<vmem>>, vector<1x16xf32>,
        %swap3A_194 = vector.shape_cast %swap3A_193 : vector<1x16xf32> to vector<16xf32>
        %swap3A_195 = vector.shape_cast %add3A_190 : vector<16xf32> to vector<1x16xf32>
        tpu.vector_store %arg14[%swap3A_191, %swap3A_192], %swap3A_195 {strides = array<i32>} : memref<80x144xf32, #tpu.memory_space<vmem>>, vector<1x16xf32>,
        %get3A_196 = arith.index_cast %scan3A_155 : i32 to index
        %get3A_197 = arith.constant 48 : index
        %get3A_198 = tpu.vector_load %arg10[%get3A_196, %get3A_197] {strides = array<i32>} : memref<80x144xf32, #tpu.memory_space<vmem>>, vector<1x16xf32>,
        %get3A_199 = vector.shape_cast %get3A_198 : vector<1x16xf32> to vector<16xf32>
        %get3A_200 = arith.index_cast %scan3A_155 : i32 to index
        %get3A_201 = arith.constant 48 : index
        %get3A_202 = tpu.vector_load %arg12[%get3A_200, %get3A_201] {strides = array<i32>} : memref<80x144xf32, #tpu.memory_space<vmem>>, vector<1x16xf32>,
        %get3A_203 = vector.shape_cast %get3A_202 : vector<1x16xf32> to vector<16xf32>
        %add3A_204 = arith.addf %get3A_199, %get3A_203 : vector<16xf32>
        %swap3A_205 = arith.index_cast %scan3A_155 : i32 to index
        %swap3A_206 = arith.constant 48 : index
        %swap3A_207 = tpu.vector_load %arg14[%swap3A_205, %swap3A_206] {strides = array<i32>} : memref<80x144xf32, #tpu.memory_space<vmem>>, vector<1x16xf32>,
        %swap3A_208 = vector.shape_cast %swap3A_207 : vector<1x16xf32> to vector<16xf32>
        %swap3A_209 = vector.shape_cast %add3A_204 : vector<16xf32> to vector<1x16xf32>
        tpu.vector_store %arg14[%swap3A_205, %swap3A_206], %swap3A_209 {strides = array<i32>} : memref<80x144xf32, #tpu.memory_space<vmem>>, vector<1x16xf32>,
        %get3A_210 = arith.index_cast %scan3A_155 : i32 to index
        %get3A_211 = arith.constant 64 : index
        %get3A_212 = tpu.vector_load %arg10[%get3A_210, %get3A_211] {strides = array<i32>} : memref<80x144xf32, #tpu.memory_space<vmem>>, vector<1x16xf32>,
        %get3A_213 = vector.shape_cast %get3A_212 : vector<1x16xf32> to vector<16xf32>
        %get3A_214 = arith.index_cast %scan3A_155 : i32 to index
        %get3A_215 = arith.constant 64 : index
        %get3A_216 = tpu.vector_load %arg12[%get3A_214, %get3A_215] {strides = array<i32>} : memref<80x144xf32, #tpu.memory_space<vmem>>, vector<1x16xf32>,
        %get3A_217 = vector.shape_cast %get3A_216 : vector<1x16xf32> to vector<16xf32>
        %add3A_218 = arith.addf %get3A_213, %get3A_217 : vector<16xf32>
        %swap3A_219 = arith.index_cast %scan3A_155 : i32 to index
        %swap3A_220 = arith.constant 64 : index
        %swap3A_221 = tpu.vector_load %arg14[%swap3A_219, %swap3A_220] {strides = array<i32>} : memref<80x144xf32, #tpu.memory_space<vmem>>, vector<1x16xf32>,
        %swap3A_222 = vector.shape_cast %swap3A_221 : vector<1x16xf32> to vector<16xf32>
        %swap3A_223 = vector.shape_cast %add3A_218 : vector<16xf32> to vector<1x16xf32>
        tpu.vector_store %arg14[%swap3A_219, %swap3A_220], %swap3A_223 {strides = array<i32>} : memref<80x144xf32, #tpu.memory_space<vmem>>, vector<1x16xf32>,
        %get3A_224 = arith.index_cast %scan3A_155 : i32 to index
        %get3A_225 = arith.constant 80 : index
        %get3A_226 = tpu.vector_load %arg10[%get3A_224, %get3A_225] {strides = array<i32>} : memref<80x144xf32, #tpu.memory_space<vmem>>, vector<1x16xf32>,
        %get3A_227 = vector.shape_cast %get3A_226 : vector<1x16xf32> to vector<16xf32>
        %get3A_228 = arith.index_cast %scan3A_155 : i32 to index
        %get3A_229 = arith.constant 80 : index
        %get3A_230 = tpu.vector_load %arg12[%get3A_228, %get3A_229] {strides = array<i32>} : memref<80x144xf32, #tpu.memory_space<vmem>>, vector<1x16xf32>,
        %get3A_231 = vector.shape_cast %get3A_230 : vector<1x16xf32> to vector<16xf32>
        %add3A_232 = arith.addf %get3A_227, %get3A_231 : vector<16xf32>
        %swap3A_233 = arith.index_cast %scan3A_155 : i32 to index
        %swap3A_234 = arith.constant 80 : index
        %swap3A_235 = tpu.vector_load %arg14[%swap3A_233, %swap3A_234] {strides = array<i32>} : memref<80x144xf32, #tpu.memory_space<vmem>>, vector<1x16xf32>,
        %swap3A_236 = vector.shape_cast %swap3A_235 : vector<1x16xf32> to vector<16xf32>
        %swap3A_237 = vector.shape_cast %add3A_232 : vector<16xf32> to vector<1x16xf32>
        tpu.vector_store %arg14[%swap3A_233, %swap3A_234], %swap3A_237 {strides = array<i32>} : memref<80x144xf32, #tpu.memory_space<vmem>>, vector<1x16xf32>,
        %get3A_238 = arith.index_cast %scan3A_155 : i32 to index
        %get3A_239 = arith.constant 96 : index
        %get3A_240 = tpu.vector_load %arg10[%get3A_238, %get3A_239] {strides = array<i32>} : memref<80x144xf32, #tpu.memory_space<vmem>>, vector<1x16xf32>,
        %get3A_241 = vector.shape_cast %get3A_240 : vector<1x16xf32> to vector<16xf32>
        %get3A_242 = arith.index_cast %scan3A_155 : i32 to index
        %get3A_243 = arith.constant 96 : index
        %get3A_244 = tpu.vector_load %arg12[%get3A_242, %get3A_243] {strides = array<i32>} : memref<80x144xf32, #tpu.memory_space<vmem>>, vector<1x16xf32>,
        %get3A_245 = vector.shape_cast %get3A_244 : vector<1x16xf32> to vector<16xf32>
        %add3A_246 = arith.addf %get3A_241, %get3A_245 : vector<16xf32>
        %swap3A_247 = arith.index_cast %scan3A_155 : i32 to index
        %swap3A_248 = arith.constant 96 : index
        %swap3A_249 = tpu.vector_load %arg14[%swap3A_247, %swap3A_248] {strides = array<i32>} : memref<80x144xf32, #tpu.memory_space<vmem>>, vector<1x16xf32>,
        %swap3A_250 = vector.shape_cast %swap3A_249 : vector<1x16xf32> to vector<16xf32>
        %swap3A_251 = vector.shape_cast %add3A_246 : vector<16xf32> to vector<1x16xf32>
        tpu.vector_store %arg14[%swap3A_247, %swap3A_248], %swap3A_251 {strides = array<i32>} : memref<80x144xf32, #tpu.memory_space<vmem>>, vector<1x16xf32>,
        %get3A_252 = arith.index_cast %scan3A_155 : i32 to index
        %get3A_253 = arith.constant 112 : index
        %get3A_254 = tpu.vector_load %arg10[%get3A_252, %get3A_253] {strides = array<i32>} : memref<80x144xf32, #tpu.memory_space<vmem>>, vector<1x16xf32>,
        %get3A_255 = vector.shape_cast %get3A_254 : vector<1x16xf32> to vector<16xf32>
        %get3A_256 = arith.index_cast %scan3A_155 : i32 to index
        %get3A_257 = arith.constant 112 : index
        %get3A_258 = tpu.vector_load %arg12[%get3A_256, %get3A_257] {strides = array<i32>} : memref<80x144xf32, #tpu.memory_space<vmem>>, vector<1x16xf32>,
        %get3A_259 = vector.shape_cast %get3A_258 : vector<1x16xf32> to vector<16xf32>
        %add3A_260 = arith.addf %get3A_255, %get3A_259 : vector<16xf32>
        %swap3A_261 = arith.index_cast %scan3A_155 : i32 to index
        %swap3A_262 = arith.constant 112 : index
        %swap3A_263 = tpu.vector_load %arg14[%swap3A_261, %swap3A_262] {strides = array<i32>} : memref<80x144xf32, #tpu.memory_space<vmem>>, vector<1x16xf32>,
        %swap3A_264 = vector.shape_cast %swap3A_263 : vector<1x16xf32> to vector<16xf32>
        %swap3A_265 = vector.shape_cast %add3A_260 : vector<16xf32> to vector<1x16xf32>
        tpu.vector_store %arg14[%swap3A_261, %swap3A_262], %swap3A_265 {strides = array<i32>} : memref<80x144xf32, #tpu.memory_space<vmem>>, vector<1x16xf32>,
        %get3A_266 = arith.index_cast %scan3A_155 : i32 to index
        %get3A_267 = arith.constant 128 : index
        %get3A_268 = tpu.vector_load %arg10[%get3A_266, %get3A_267] {strides = array<i32>} : memref<80x144xf32, #tpu.memory_space<vmem>>, vector<1x16xf32>,
        %get3A_269 = vector.shape_cast %get3A_268 : vector<1x16xf32> to vector<16xf32>
        %get3A_270 = arith.index_cast %scan3A_155 : i32 to index
        %get3A_271 = arith.constant 128 : index
        %get3A_272 = tpu.vector_load %arg12[%get3A_270, %get3A_271] {strides = array<i32>} : memref<80x144xf32, #tpu.memory_space<vmem>>, vector<1x16xf32>,
        %get3A_273 = vector.shape_cast %get3A_272 : vector<1x16xf32> to vector<16xf32>
        %add3A_274 = arith.addf %get3A_269, %get3A_273 : vector<16xf32>
        %swap3A_275 = arith.index_cast %scan3A_155 : i32 to index
        %swap3A_276 = arith.constant 128 : index
        %swap3A_277 = tpu.vector_load %arg14[%swap3A_275, %swap3A_276] {strides = array<i32>} : memref<80x144xf32, #tpu.memory_space<vmem>>, vector<1x16xf32>,
        %swap3A_278 = vector.shape_cast %swap3A_277 : vector<1x16xf32> to vector<16xf32>
        %swap3A_279 = vector.shape_cast %add3A_274 : vector<16xf32> to vector<1x16xf32>
        tpu.vector_store %arg14[%swap3A_275, %swap3A_276], %swap3A_279 {strides = array<i32>} : memref<80x144xf32, #tpu.memory_space<vmem>>, vector<1x16xf32>,
        %scan3A_280 = arith.constant 1 : i32
        %scan3A_281 = arith.addi %scan3A_155, %scan3A_280 : i32
        %get3A_282 = arith.index_cast %scan3A_281 : i32 to index
        %get3A_283 = arith.constant 0 : index
        %get3A_284 = tpu.vector_load %arg10[%get3A_282, %get3A_283] {strides = array<i32>} : memref<80x144xf32, #tpu.memory_space<vmem>>, vector<1x16xf32>,
        %get3A_285 = vector.shape_cast %get3A_284 : vector<1x16xf32> to vector<16xf32>
        %get3A_286 = arith.index_cast %scan3A_281 : i32 to index
        %get3A_287 = arith.constant 0 : index
        %get3A_288 = tpu.vector_load %arg12[%get3A_286, %get3A_287] {strides = array<i32>} : memref<80x144xf32, #tpu.memory_space<vmem>>, vector<1x16xf32>,
        %get3A_289 = vector.shape_cast %get3A_288 : vector<1x16xf32> to vector<16xf32>
        %add3A_290 = arith.addf %get3A_285, %get3A_289 : vector<16xf32>
        %swap3A_291 = arith.index_cast %scan3A_281 : i32 to index
        %swap3A_292 = arith.constant 0 : index
        %swap3A_293 = tpu.vector_load %arg14[%swap3A_291, %swap3A_292] {strides = array<i32>} : memref<80x144xf32, #tpu.memory_space<vmem>>, vector<1x16xf32>,
        %swap3A_294 = vector.shape_cast %swap3A_293 : vector<1x16xf32> to vector<16xf32>
        %swap3A_295 = vector.shape_cast %add3A_290 : vector<16xf32> to vector<1x16xf32>
        tpu.vector_store %arg14[%swap3A_291, %swap3A_292], %swap3A_295 {strides = array<i32>} : memref<80x144xf32, #tpu.memory_space<vmem>>, vector<1x16xf32>,
        %get3A_296 = arith.index_cast %scan3A_281 : i32 to index
        %get3A_297 = arith.constant 16 : index
        %get3A_298 = tpu.vector_load %arg10[%get3A_296, %get3A_297] {strides = array<i32>} : memref<80x144xf32, #tpu.memory_space<vmem>>, vector<1x16xf32>,
        %get3A_299 = vector.shape_cast %get3A_298 : vector<1x16xf32> to vector<16xf32>
        %get3A_300 = arith.index_cast %scan3A_281 : i32 to index
        %get3A_301 = arith.constant 16 : index
        %get3A_302 = tpu.vector_load %arg12[%get3A_300, %get3A_301] {strides = array<i32>} : memref<80x144xf32, #tpu.memory_space<vmem>>, vector<1x16xf32>,
        %get3A_303 = vector.shape_cast %get3A_302 : vector<1x16xf32> to vector<16xf32>
        %add3A_304 = arith.addf %get3A_299, %get3A_303 : vector<16xf32>
        %swap3A_305 = arith.index_cast %scan3A_281 : i32 to index
        %swap3A_306 = arith.constant 16 : index
        %swap3A_307 = tpu.vector_load %arg14[%swap3A_305, %swap3A_306] {strides = array<i32>} : memref<80x144xf32, #tpu.memory_space<vmem>>, vector<1x16xf32>,
        %swap3A_308 = vector.shape_cast %swap3A_307 : vector<1x16xf32> to vector<16xf32>
        %swap3A_309 = vector.shape_cast %add3A_304 : vector<16xf32> to vector<1x16xf32>
        tpu.vector_store %arg14[%swap3A_305, %swap3A_306], %swap3A_309 {strides = array<i32>} : memref<80x144xf32, #tpu.memory_space<vmem>>, vector<1x16xf32>,
        %get3A_310 = arith.index_cast %scan3A_281 : i32 to index
        %get3A_311 = arith.constant 32 : index
        %get3A_312 = tpu.vector_load %arg10[%get3A_310, %get3A_311] {strides = array<i32>} : memref<80x144xf32, #tpu.memory_space<vmem>>, vector<1x16xf32>,
        %get3A_313 = vector.shape_cast %get3A_312 : vector<1x16xf32> to vector<16xf32>
        %get3A_314 = arith.index_cast %scan3A_281 : i32 to index
        %get3A_315 = arith.constant 32 : index
        %get3A_316 = tpu.vector_load %arg12[%get3A_314, %get3A_315] {strides = array<i32>} : memref<80x144xf32, #tpu.memory_space<vmem>>, vector<1x16xf32>,
        %get3A_317 = vector.shape_cast %get3A_316 : vector<1x16xf32> to vector<16xf32>
        %add3A_318 = arith.addf %get3A_313, %get3A_317 : vector<16xf32>
        %swap3A_319 = arith.index_cast %scan3A_281 : i32 to index
        %swap3A_320 = arith.constant 32 : index
        %swap3A_321 = tpu.vector_load %arg14[%swap3A_319, %swap3A_320] {strides = array<i32>} : memref<80x144xf32, #tpu.memory_space<vmem>>, vector<1x16xf32>,
        %swap3A_322 = vector.shape_cast %swap3A_321 : vector<1x16xf32> to vector<16xf32>
        %swap3A_323 = vector.shape_cast %add3A_318 : vector<16xf32> to vector<1x16xf32>
        tpu.vector_store %arg14[%swap3A_319, %swap3A_320], %swap3A_323 {strides = array<i32>} : memref<80x144xf32, #tpu.memory_space<vmem>>, vector<1x16xf32>,
        %get3A_324 = arith.index_cast %scan3A_281 : i32 to index
        %get3A_325 = arith.constant 48 : index
        %get3A_326 = tpu.vector_load %arg10[%get3A_324, %get3A_325] {strides = array<i32>} : memref<80x144xf32, #tpu.memory_space<vmem>>, vector<1x16xf32>,
        %get3A_327 = vector.shape_cast %get3A_326 : vector<1x16xf32> to vector<16xf32>
        %get3A_328 = arith.index_cast %scan3A_281 : i32 to index
        %get3A_329 = arith.constant 48 : index
        %get3A_330 = tpu.vector_load %arg12[%get3A_328, %get3A_329] {strides = array<i32>} : memref<80x144xf32, #tpu.memory_space<vmem>>, vector<1x16xf32>,
        %get3A_331 = vector.shape_cast %get3A_330 : vector<1x16xf32> to vector<16xf32>
        %add3A_332 = arith.addf %get3A_327, %get3A_331 : vector<16xf32>
        %swap3A_333 = arith.index_cast %scan3A_281 : i32 to index
        %swap3A_334 = arith.constant 48 : index
        %swap3A_335 = tpu.vector_load %arg14[%swap3A_333, %swap3A_334] {strides = array<i32>} : memref<80x144xf32, #tpu.memory_space<vmem>>, vector<1x16xf32>,
        %swap3A_336 = vector.shape_cast %swap3A_335 : vector<1x16xf32> to vector<16xf32>
        %swap3A_337 = vector.shape_cast %add3A_332 : vector<16xf32> to vector<1x16xf32>
        tpu.vector_store %arg14[%swap3A_333, %swap3A_334], %swap3A_337 {strides = array<i32>} : memref<80x144xf32, #tpu.memory_space<vmem>>, vector<1x16xf32>,
        %get3A_338 = arith.index_cast %scan3A_281 : i32 to index
        %get3A_339 = arith.constant 64 : index
        %get3A_340 = tpu.vector_load %arg10[%get3A_338, %get3A_339] {strides = array<i32>} : memref<80x144xf32, #tpu.memory_space<vmem>>, vector<1x16xf32>,
        %get3A_341 = vector.shape_cast %get3A_340 : vector<1x16xf32> to vector<16xf32>
        %get3A_342 = arith.index_cast %scan3A_281 : i32 to index
        %get3A_343 = arith.constant 64 : index
        %get3A_344 = tpu.vector_load %arg12[%get3A_342, %get3A_343] {strides = array<i32>} : memref<80x144xf32, #tpu.memory_space<vmem>>, vector<1x16xf32>,
        %get3A_345 = vector.shape_cast %get3A_344 : vector<1x16xf32> to vector<16xf32>
        %add3A_346 = arith.addf %get3A_341, %get3A_345 : vector<16xf32>
        %swap3A_347 = arith.index_cast %scan3A_281 : i32 to index
        %swap3A_348 = arith.constant 64 : index
        %swap3A_349 = tpu.vector_load %arg14[%swap3A_347, %swap3A_348] {strides = array<i32>} : memref<80x144xf32, #tpu.memory_space<vmem>>, vector<1x16xf32>,
        %swap3A_350 = vector.shape_cast %swap3A_349 : vector<1x16xf32> to vector<16xf32>
        %swap3A_351 = vector.shape_cast %add3A_346 : vector<16xf32> to vector<1x16xf32>
        tpu.vector_store %arg14[%swap3A_347, %swap3A_348], %swap3A_351 {strides = array<i32>} : memref<80x144xf32, #tpu.memory_space<vmem>>, vector<1x16xf32>,
        %get3A_352 = arith.index_cast %scan3A_281 : i32 to index
        %get3A_353 = arith.constant 80 : index
        %get3A_354 = tpu.vector_load %arg10[%get3A_352, %get3A_353] {strides = array<i32>} : memref<80x144xf32, #tpu.memory_space<vmem>>, vector<1x16xf32>,
        %get3A_355 = vector.shape_cast %get3A_354 : vector<1x16xf32> to vector<16xf32>
        %get3A_356 = arith.index_cast %scan3A_281 : i32 to index
        %get3A_357 = arith.constant 80 : index
        %get3A_358 = tpu.vector_load %arg12[%get3A_356, %get3A_357] {strides = array<i32>} : memref<80x144xf32, #tpu.memory_space<vmem>>, vector<1x16xf32>,
        %get3A_359 = vector.shape_cast %get3A_358 : vector<1x16xf32> to vector<16xf32>
        %add3A_360 = arith.addf %get3A_355, %get3A_359 : vector<16xf32>
        %swap3A_361 = arith.index_cast %scan3A_281 : i32 to index
        %swap3A_362 = arith.constant 80 : index
        %swap3A_363 = tpu.vector_load %arg14[%swap3A_361, %swap3A_362] {strides = array<i32>} : memref<80x144xf32, #tpu.memory_space<vmem>>, vector<1x16xf32>,
        %swap3A_364 = vector.shape_cast %swap3A_363 : vector<1x16xf32> to vector<16xf32>
        %swap3A_365 = vector.shape_cast %add3A_360 : vector<16xf32> to vector<1x16xf32>
        tpu.vector_store %arg14[%swap3A_361, %swap3A_362], %swap3A_365 {strides = array<i32>} : memref<80x144xf32, #tpu.memory_space<vmem>>, vector<1x16xf32>,
        %get3A_366 = arith.index_cast %scan3A_281 : i32 to index
        %get3A_367 = arith.constant 96 : index
        %get3A_368 = tpu.vector_load %arg10[%get3A_366, %get3A_367] {strides = array<i32>} : memref<80x144xf32, #tpu.memory_space<vmem>>, vector<1x16xf32>,
        %get3A_369 = vector.shape_cast %get3A_368 : vector<1x16xf32> to vector<16xf32>
        %get3A_370 = arith.index_cast %scan3A_281 : i32 to index
        %get3A_371 = arith.constant 96 : index
        %get3A_372 = tpu.vector_load %arg12[%get3A_370, %get3A_371] {strides = array<i32>} : memref<80x144xf32, #tpu.memory_space<vmem>>, vector<1x16xf32>,
        %get3A_373 = vector.shape_cast %get3A_372 : vector<1x16xf32> to vector<16xf32>
        %add3A_374 = arith.addf %get3A_369, %get3A_373 : vector<16xf32>
        %swap3A_375 = arith.index_cast %scan3A_281 : i32 to index
        %swap3A_376 = arith.constant 96 : index
        %swap3A_377 = tpu.vector_load %arg14[%swap3A_375, %swap3A_376] {strides = array<i32>} : memref<80x144xf32, #tpu.memory_space<vmem>>, vector<1x16xf32>,
        %swap3A_378 = vector.shape_cast %swap3A_377 : vector<1x16xf32> to vector<16xf32>
        %swap3A_379 = vector.shape_cast %add3A_374 : vector<16xf32> to vector<1x16xf32>
        tpu.vector_store %arg14[%swap3A_375, %swap3A_376], %swap3A_379 {strides = array<i32>} : memref<80x144xf32, #tpu.memory_space<vmem>>, vector<1x16xf32>,
        %get3A_380 = arith.index_cast %scan3A_281 : i32 to index
        %get3A_381 = arith.constant 112 : index
        %get3A_382 = tpu.vector_load %arg10[%get3A_380, %get3A_381] {strides = array<i32>} : memref<80x144xf32, #tpu.memory_space<vmem>>, vector<1x16xf32>,
        %get3A_383 = vector.shape_cast %get3A_382 : vector<1x16xf32> to vector<16xf32>
        %get3A_384 = arith.index_cast %scan3A_281 : i32 to index
        %get3A_385 = arith.constant 112 : index
        %get3A_386 = tpu.vector_load %arg12[%get3A_384, %get3A_385] {strides = array<i32>} : memref<80x144xf32, #tpu.memory_space<vmem>>, vector<1x16xf32>,
        %get3A_387 = vector.shape_cast %get3A_386 : vector<1x16xf32> to vector<16xf32>
        %add3A_388 = arith.addf %get3A_383, %get3A_387 : vector<16xf32>
        %swap3A_389 = arith.index_cast %scan3A_281 : i32 to index
        %swap3A_390 = arith.constant 112 : index
        %swap3A_391 = tpu.vector_load %arg14[%swap3A_389, %swap3A_390] {strides = array<i32>} : memref<80x144xf32, #tpu.memory_space<vmem>>, vector<1x16xf32>,
        %swap3A_392 = vector.shape_cast %swap3A_391 : vector<1x16xf32> to vector<16xf32>
        %swap3A_393 = vector.shape_cast %add3A_388 : vector<16xf32> to vector<1x16xf32>
        tpu.vector_store %arg14[%swap3A_389, %swap3A_390], %swap3A_393 {strides = array<i32>} : memref<80x144xf32, #tpu.memory_space<vmem>>, vector<1x16xf32>,
        %get3A_394 = arith.index_cast %scan3A_281 : i32 to index
        %get3A_395 = arith.constant 128 : index
        %get3A_396 = tpu.vector_load %arg10[%get3A_394, %get3A_395] {strides = array<i32>} : memref<80x144xf32, #tpu.memory_space<vmem>>, vector<1x16xf32>,
        %get3A_397 = vector.shape_cast %get3A_396 : vector<1x16xf32> to vector<16xf32>
        %get3A_398 = arith.index_cast %scan3A_281 : i32 to index
        %get3A_399 = arith.constant 128 : index
        %get3A_400 = tpu.vector_load %arg12[%get3A_398, %get3A_399] {strides = array<i32>} : memref<80x144xf32, #tpu.memory_space<vmem>>, vector<1x16xf32>,
        %get3A_401 = vector.shape_cast %get3A_400 : vector<1x16xf32> to vector<16xf32>
        %add3A_402 = arith.addf %get3A_397, %get3A_401 : vector<16xf32>
        %swap3A_403 = arith.index_cast %scan3A_281 : i32 to index
        %swap3A_404 = arith.constant 128 : index
        %swap3A_405 = tpu.vector_load %arg14[%swap3A_403, %swap3A_404] {strides = array<i32>} : memref<80x144xf32, #tpu.memory_space<vmem>>, vector<1x16xf32>,
        %swap3A_406 = vector.shape_cast %swap3A_405 : vector<1x16xf32> to vector<16xf32>
        %swap3A_407 = vector.shape_cast %add3A_402 : vector<16xf32> to vector<1x16xf32>
        tpu.vector_store %arg14[%swap3A_403, %swap3A_404], %swap3A_407 {strides = array<i32>} : memref<80x144xf32, #tpu.memory_space<vmem>>, vector<1x16xf32>,
      }
      %scan3A_140 = arith.constant 80 : i32
      %add3A_141 = arith.constant 2 : i32
      %add3A_142 = arith.addi %add3A_117, %add3A_141 : i32
      %lt3A_143 = arith.constant 125 : i32
      %lt3A_144 = arith.cmpi slt, %add3A_142, %lt3A_143 : i32
      %convert_element_type3A_145 = arith.extui %lt3A_144 : i1 to i32
      %cond3A_146 = arith.constant 0 : i32
      %cond3A_147 = arith.cmpi ne, %convert_element_type3A_145, %cond3A_146 : i32
      scf.if %cond3A_147 {
        %add3A_155 = arith.constant 2 : i32
        %add3A_156 = arith.addi %add3A_117, %add3A_155 : i32
        %dma_start3A_157 = arith.constant 0 : i32
        %dma_start3A_158 = tpu.memref_slice %arg7[%add3A_156, %dma_start3A_157] : memref<125x80xi32, #tpu.memory_space<vmem>> -> memref<1x80xi32, #tpu.memory_space<vmem>>
        %dma_start3A_159 = tpu.memref_squeeze %dma_start3A_158 : memref<1x80xi32, #tpu.memory_space<vmem>> -> memref<80xi32, #tpu.memory_space<vmem>>
        %dma_start3A_160 = arith.constant 0 : i32
        %dma_start3A_161 = arith.constant 0 : i32
        %dma_start3A_162 = tpu.memref_slice %arg2[%dma_start3A_160, %dma_start3A_161] : memref<10000x144xf32, #tpu.memory_space<hbm>> -> memref<10000x144xf32, #tpu.memory_space<hbm>>
        tpu.enqueue_indirect_dma source(%dma_start3A_162 : memref<10000x144xf32, #tpu.memory_space<hbm>>) target(%arg10 : memref<80x144xf32, #tpu.memory_space<vmem>>) offsets(%dma_start3A_159 : memref<80xi32, #tpu.memory_space<vmem>>) semaphore(%arg16 : memref<!tpu.dma_semaphore, #tpu.memory_space<semaphore_mem>>)
        %dma_start3A_163 = arith.constant 0 : i32
        %dma_start3A_164 = tpu.memref_slice %arg8[%add3A_156, %dma_start3A_163] : memref<125x80xi32, #tpu.memory_space<vmem>> -> memref<1x80xi32, #tpu.memory_space<vmem>>
        %dma_start3A_165 = tpu.memref_squeeze %dma_start3A_164 : memref<1x80xi32, #tpu.memory_space<vmem>> -> memref<80xi32, #tpu.memory_space<vmem>>
        %dma_start3A_166 = arith.constant 0 : i32
        %dma_start3A_167 = arith.constant 0 : i32
        %dma_start3A_168 = tpu.memref_slice %arg3[%dma_start3A_166, %dma_start3A_167] : memref<10000x144xf32, #tpu.memory_space<hbm>> -> memref<10000x144xf32, #tpu.memory_space<hbm>>
        tpu.enqueue_indirect_dma source(%dma_start3A_168 : memref<10000x144xf32, #tpu.memory_space<hbm>>) target(%arg12 : memref<80x144xf32, #tpu.memory_space<vmem>>) offsets(%dma_start3A_165 : memref<80xi32, #tpu.memory_space<vmem>>) semaphore(%arg18 : memref<!tpu.dma_semaphore, #tpu.memory_space<semaphore_mem>>)
      } else {
      }
      %mul3A_148 = arith.constant 80 : i32
      %mul3A_149 = arith.muli %add3A_117, %mul3A_148 : i32
      %add3A_150 = arith.addi %mul3A_2, %mul3A_149 : i32
      %dma_start3A_151 = arith.constant 0 : i32
      %dma_start3A_152 = tpu.memref_slice %arg6[%add3A_150, %dma_start3A_151] : memref<320000x144xf32, #tpu.memory_space<hbm>> -> memref<80x144xf32, #tpu.memory_space<hbm>>
      %dma_start3A_153 = arith.constant 0 : i32
      %dma_start3A_154 = tpu.memref_slice %arg6[%add3A_150, %dma_start3A_153] : memref<320000x144xf32, #tpu.memory_space<hbm>> -> memref<80x144xf32, #tpu.memory_space<hbm>>
      tpu.enqueue_dma source(%arg14 : memref<80x144xf32, #tpu.memory_space<vmem>>) target(%dma_start3A_154 : memref<80x144xf32, #tpu.memory_space<hbm>>) target_semaphore(%arg20 : memref<!tpu.dma_semaphore, #tpu.memory_space<semaphore_mem>>)
    }
    %scan3A_34 = arith.constant 62 : i32
    %dma_wait3A = arith.constant 124 : i32
    %dma_wait3A_35 = arith.constant 0 : i32
    %dma_wait3A_36 = tpu.memref_slice %arg7[%dma_wait3A, %dma_wait3A_35] : memref<125x80xi32, #tpu.memory_space<vmem>> -> memref<1x80xi32, #tpu.memory_space<vmem>>
    %dma_wait3A_37 = tpu.memref_squeeze %dma_wait3A_36 : memref<1x80xi32, #tpu.memory_space<vmem>> -> memref<80xi32, #tpu.memory_space<vmem>>
    %dma_wait3A_38 = arith.constant 0 : i32
    %dma_wait3A_39 = arith.constant 0 : i32
    %dma_wait3A_40 = tpu.memref_slice %arg2[%dma_wait3A_38, %dma_wait3A_39] : memref<10000x144xf32, #tpu.memory_space<hbm>> -> memref<10000x144xf32, #tpu.memory_space<hbm>>
    tpu.wait_indirect_dma semaphore(%arg15 : memref<!tpu.dma_semaphore, #tpu.memory_space<semaphore_mem>>) src(%dma_wait3A_40 : memref<10000x144xf32, #tpu.memory_space<hbm>>) dst(%arg9 : memref<80x144xf32, #tpu.memory_space<vmem>>)
    %dma_wait3A_41 = arith.constant 124 : i32
    %dma_wait3A_42 = arith.constant 0 : i32
    %dma_wait3A_43 = tpu.memref_slice %arg8[%dma_wait3A_41, %dma_wait3A_42] : memref<125x80xi32, #tpu.memory_space<vmem>> -> memref<1x80xi32, #tpu.memory_space<vmem>>
    %dma_wait3A_44 = tpu.memref_squeeze %dma_wait3A_43 : memref<1x80xi32, #tpu.memory_space<vmem>> -> memref<80xi32, #tpu.memory_space<vmem>>
    %dma_wait3A_45 = arith.constant 0 : i32
    %dma_wait3A_46 = arith.constant 0 : i32
    %dma_wait3A_47 = tpu.memref_slice %arg3[%dma_wait3A_45, %dma_wait3A_46] : memref<10000x144xf32, #tpu.memory_space<hbm>> -> memref<10000x144xf32, #tpu.memory_space<hbm>>
    tpu.wait_indirect_dma semaphore(%arg17 : memref<!tpu.dma_semaphore, #tpu.memory_space<semaphore_mem>>) src(%dma_wait3A_47 : memref<10000x144xf32, #tpu.memory_space<hbm>>) dst(%arg11 : memref<80x144xf32, #tpu.memory_space<vmem>>)
    %add3A_48 = arith.constant 9760 : i32
    %add3A_49 = arith.addi %mul3A_2, %add3A_48 : i32
    %dma_wait3A_50 = arith.constant 0 : i32
    %dma_wait3A_51 = tpu.memref_slice %arg6[%add3A_49, %dma_wait3A_50] : memref<320000x144xf32, #tpu.memory_space<hbm>> -> memref<80x144xf32, #tpu.memory_space<hbm>>
    %dma_wait3A_52 = arith.constant 0 : i32
    %dma_wait3A_53 = tpu.memref_slice %arg6[%add3A_49, %dma_wait3A_52] : memref<320000x144xf32, #tpu.memory_space<hbm>> -> memref<80x144xf32, #tpu.memory_space<hbm>>
    tpu.wait_dma2 semaphore(%arg19 : memref<!tpu.dma_semaphore, #tpu.memory_space<semaphore_mem>>) src(%arg13 : memref<80x144xf32, #tpu.memory_space<vmem>>) dst(%dma_wait3A_53 : memref<80x144xf32, #tpu.memory_space<hbm>>)
    %scan3A_54 = arith.constant 0 : i32
    %scan3A_55 = arith.constant 0 : i32
    %scan3A_56 = arith.constant 80 : i32
    %scan3A_57 = arith.addi %scan3A_55, %scan3A_56 : i32
    %scan3A_58 = arith.constant 2 : i32
    scf.for %scan3A_78 = %scan3A_55 to %scan3A_57 step %scan3A_58  : i32 {
      %get3A = arith.index_cast %scan3A_78 : i32 to index
      %get3A_79 = arith.constant 0 : index
      %get3A_80 = tpu.vector_load %arg9[%get3A, %get3A_79] {strides = array<i32>} : memref<80x144xf32, #tpu.memory_space<vmem>>, vector<1x16xf32>,
      %get3A_81 = vector.shape_cast %get3A_80 : vector<1x16xf32> to vector<16xf32>
      %get3A_82 = arith.index_cast %scan3A_78 : i32 to index
      %get3A_83 = arith.constant 0 : index
      %get3A_84 = tpu.vector_load %arg11[%get3A_82, %get3A_83] {strides = array<i32>} : memref<80x144xf32, #tpu.memory_space<vmem>>, vector<1x16xf32>,
      %get3A_85 = vector.shape_cast %get3A_84 : vector<1x16xf32> to vector<16xf32>
      %add3A_86 = arith.addf %get3A_81, %get3A_85 : vector<16xf32>
      %swap3A = arith.index_cast %scan3A_78 : i32 to index
      %swap3A_87 = arith.constant 0 : index
      %swap3A_88 = tpu.vector_load %arg13[%swap3A, %swap3A_87] {strides = array<i32>} : memref<80x144xf32, #tpu.memory_space<vmem>>, vector<1x16xf32>,
      %swap3A_89 = vector.shape_cast %swap3A_88 : vector<1x16xf32> to vector<16xf32>
      %swap3A_90 = vector.shape_cast %add3A_86 : vector<16xf32> to vector<1x16xf32>
      tpu.vector_store %arg13[%swap3A, %swap3A_87], %swap3A_90 {strides = array<i32>} : memref<80x144xf32, #tpu.memory_space<vmem>>, vector<1x16xf32>,
      %get3A_91 = arith.index_cast %scan3A_78 : i32 to index
      %get3A_92 = arith.constant 16 : index
      %get3A_93 = tpu.vector_load %arg9[%get3A_91, %get3A_92] {strides = array<i32>} : memref<80x144xf32, #tpu.memory_space<vmem>>, vector<1x16xf32>,
      %get3A_94 = vector.shape_cast %get3A_93 : vector<1x16xf32> to vector<16xf32>
      %get3A_95 = arith.index_cast %scan3A_78 : i32 to index
      %get3A_96 = arith.constant 16 : index
      %get3A_97 = tpu.vector_load %arg11[%get3A_95, %get3A_96] {strides = array<i32>} : memref<80x144xf32, #tpu.memory_space<vmem>>, vector<1x16xf32>,
      %get3A_98 = vector.shape_cast %get3A_97 : vector<1x16xf32> to vector<16xf32>
      %add3A_99 = arith.addf %get3A_94, %get3A_98 : vector<16xf32>
      %swap3A_100 = arith.index_cast %scan3A_78 : i32 to index
      %swap3A_101 = arith.constant 16 : index
      %swap3A_102 = tpu.vector_load %arg13[%swap3A_100, %swap3A_101] {strides = array<i32>} : memref<80x144xf32, #tpu.memory_space<vmem>>, vector<1x16xf32>,
      %swap3A_103 = vector.shape_cast %swap3A_102 : vector<1x16xf32> to vector<16xf32>
      %swap3A_104 = vector.shape_cast %add3A_99 : vector<16xf32> to vector<1x16xf32>
      tpu.vector_store %arg13[%swap3A_100, %swap3A_101], %swap3A_104 {strides = array<i32>} : memref<80x144xf32, #tpu.memory_space<vmem>>, vector<1x16xf32>,
      %get3A_105 = arith.index_cast %scan3A_78 : i32 to index
      %get3A_106 = arith.constant 32 : index
      %get3A_107 = tpu.vector_load %arg9[%get3A_105, %get3A_106] {strides = array<i32>} : memref<80x144xf32, #tpu.memory_space<vmem>>, vector<1x16xf32>,
      %get3A_108 = vector.shape_cast %get3A_107 : vector<1x16xf32> to vector<16xf32>
      %get3A_109 = arith.index_cast %scan3A_78 : i32 to index
      %get3A_110 = arith.constant 32 : index
      %get3A_111 = tpu.vector_load %arg11[%get3A_109, %get3A_110] {strides = array<i32>} : memref<80x144xf32, #tpu.memory_space<vmem>>, vector<1x16xf32>,
      %get3A_112 = vector.shape_cast %get3A_111 : vector<1x16xf32> to vector<16xf32>
      %add3A_113 = arith.addf %get3A_108, %get3A_112 : vector<16xf32>
      %swap3A_114 = arith.index_cast %scan3A_78 : i32 to index
      %swap3A_115 = arith.constant 32 : index
      %swap3A_116 = tpu.vector_load %arg13[%swap3A_114, %swap3A_115] {strides = array<i32>} : memref<80x144xf32, #tpu.memory_space<vmem>>, vector<1x16xf32>,
      %swap3A_117 = vector.shape_cast %swap3A_116 : vector<1x16xf32> to vector<16xf32>
      %swap3A_118 = vector.shape_cast %add3A_113 : vector<16xf32> to vector<1x16xf32>
      tpu.vector_store %arg13[%swap3A_114, %swap3A_115], %swap3A_118 {strides = array<i32>} : memref<80x144xf32, #tpu.memory_space<vmem>>, vector<1x16xf32>,
      %get3A_119 = arith.index_cast %scan3A_78 : i32 to index
      %get3A_120 = arith.constant 48 : index
      %get3A_121 = tpu.vector_load %arg9[%get3A_119, %get3A_120] {strides = array<i32>} : memref<80x144xf32, #tpu.memory_space<vmem>>, vector<1x16xf32>,
      %get3A_122 = vector.shape_cast %get3A_121 : vector<1x16xf32> to vector<16xf32>
      %get3A_123 = arith.index_cast %scan3A_78 : i32 to index
      %get3A_124 = arith.constant 48 : index
      %get3A_125 = tpu.vector_load %arg11[%get3A_123, %get3A_124] {strides = array<i32>} : memref<80x144xf32, #tpu.memory_space<vmem>>, vector<1x16xf32>,
      %get3A_126 = vector.shape_cast %get3A_125 : vector<1x16xf32> to vector<16xf32>
      %add3A_127 = arith.addf %get3A_122, %get3A_126 : vector<16xf32>
      %swap3A_128 = arith.index_cast %scan3A_78 : i32 to index
      %swap3A_129 = arith.constant 48 : index
      %swap3A_130 = tpu.vector_load %arg13[%swap3A_128, %swap3A_129] {strides = array<i32>} : memref<80x144xf32, #tpu.memory_space<vmem>>, vector<1x16xf32>,
      %swap3A_131 = vector.shape_cast %swap3A_130 : vector<1x16xf32> to vector<16xf32>
      %swap3A_132 = vector.shape_cast %add3A_127 : vector<16xf32> to vector<1x16xf32>
      tpu.vector_store %arg13[%swap3A_128, %swap3A_129], %swap3A_132 {strides = array<i32>} : memref<80x144xf32, #tpu.memory_space<vmem>>, vector<1x16xf32>,
      %get3A_133 = arith.index_cast %scan3A_78 : i32 to index
      %get3A_134 = arith.constant 64 : index
      %get3A_135 = tpu.vector_load %arg9[%get3A_133, %get3A_134] {strides = array<i32>} : memref<80x144xf32, #tpu.memory_space<vmem>>, vector<1x16xf32>,
      %get3A_136 = vector.shape_cast %get3A_135 : vector<1x16xf32> to vector<16xf32>
      %get3A_137 = arith.index_cast %scan3A_78 : i32 to index
      %get3A_138 = arith.constant 64 : index
      %get3A_139 = tpu.vector_load %arg11[%get3A_137, %get3A_138] {strides = array<i32>} : memref<80x144xf32, #tpu.memory_space<vmem>>, vector<1x16xf32>,
      %get3A_140 = vector.shape_cast %get3A_139 : vector<1x16xf32> to vector<16xf32>
      %add3A_141 = arith.addf %get3A_136, %get3A_140 : vector<16xf32>
      %swap3A_142 = arith.index_cast %scan3A_78 : i32 to index
      %swap3A_143 = arith.constant 64 : index
      %swap3A_144 = tpu.vector_load %arg13[%swap3A_142, %swap3A_143] {strides = array<i32>} : memref<80x144xf32, #tpu.memory_space<vmem>>, vector<1x16xf32>,
      %swap3A_145 = vector.shape_cast %swap3A_144 : vector<1x16xf32> to vector<16xf32>
      %swap3A_146 = vector.shape_cast %add3A_141 : vector<16xf32> to vector<1x16xf32>
      tpu.vector_store %arg13[%swap3A_142, %swap3A_143], %swap3A_146 {strides = array<i32>} : memref<80x144xf32, #tpu.memory_space<vmem>>, vector<1x16xf32>,
      %get3A_147 = arith.index_cast %scan3A_78 : i32 to index
      %get3A_148 = arith.constant 80 : index
      %get3A_149 = tpu.vector_load %arg9[%get3A_147, %get3A_148] {strides = array<i32>} : memref<80x144xf32, #tpu.memory_space<vmem>>, vector<1x16xf32>,
      %get3A_150 = vector.shape_cast %get3A_149 : vector<1x16xf32> to vector<16xf32>
      %get3A_151 = arith.index_cast %scan3A_78 : i32 to index
      %get3A_152 = arith.constant 80 : index
      %get3A_153 = tpu.vector_load %arg11[%get3A_151, %get3A_152] {strides = array<i32>} : memref<80x144xf32, #tpu.memory_space<vmem>>, vector<1x16xf32>,
      %get3A_154 = vector.shape_cast %get3A_153 : vector<1x16xf32> to vector<16xf32>
      %add3A_155 = arith.addf %get3A_150, %get3A_154 : vector<16xf32>
      %swap3A_156 = arith.index_cast %scan3A_78 : i32 to index
      %swap3A_157 = arith.constant 80 : index
      %swap3A_158 = tpu.vector_load %arg13[%swap3A_156, %swap3A_157] {strides = array<i32>} : memref<80x144xf32, #tpu.memory_space<vmem>>, vector<1x16xf32>,
      %swap3A_159 = vector.shape_cast %swap3A_158 : vector<1x16xf32> to vector<16xf32>
      %swap3A_160 = vector.shape_cast %add3A_155 : vector<16xf32> to vector<1x16xf32>
      tpu.vector_store %arg13[%swap3A_156, %swap3A_157], %swap3A_160 {strides = array<i32>} : memref<80x144xf32, #tpu.memory_space<vmem>>, vector<1x16xf32>,
      %get3A_161 = arith.index_cast %scan3A_78 : i32 to index
      %get3A_162 = arith.constant 96 : index
      %get3A_163 = tpu.vector_load %arg9[%get3A_161, %get3A_162] {strides = array<i32>} : memref<80x144xf32, #tpu.memory_space<vmem>>, vector<1x16xf32>,
      %get3A_164 = vector.shape_cast %get3A_163 : vector<1x16xf32> to vector<16xf32>
      %get3A_165 = arith.index_cast %scan3A_78 : i32 to index
      %get3A_166 = arith.constant 96 : index
      %get3A_167 = tpu.vector_load %arg11[%get3A_165, %get3A_166] {strides = array<i32>} : memref<80x144xf32, #tpu.memory_space<vmem>>, vector<1x16xf32>,
      %get3A_168 = vector.shape_cast %get3A_167 : vector<1x16xf32> to vector<16xf32>
      %add3A_169 = arith.addf %get3A_164, %get3A_168 : vector<16xf32>
      %swap3A_170 = arith.index_cast %scan3A_78 : i32 to index
      %swap3A_171 = arith.constant 96 : index
      %swap3A_172 = tpu.vector_load %arg13[%swap3A_170, %swap3A_171] {strides = array<i32>} : memref<80x144xf32, #tpu.memory_space<vmem>>, vector<1x16xf32>,
      %swap3A_173 = vector.shape_cast %swap3A_172 : vector<1x16xf32> to vector<16xf32>
      %swap3A_174 = vector.shape_cast %add3A_169 : vector<16xf32> to vector<1x16xf32>
      tpu.vector_store %arg13[%swap3A_170, %swap3A_171], %swap3A_174 {strides = array<i32>} : memref<80x144xf32, #tpu.memory_space<vmem>>, vector<1x16xf32>,
      %get3A_175 = arith.index_cast %scan3A_78 : i32 to index
      %get3A_176 = arith.constant 112 : index
      %get3A_177 = tpu.vector_load %arg9[%get3A_175, %get3A_176] {strides = array<i32>} : memref<80x144xf32, #tpu.memory_space<vmem>>, vector<1x16xf32>,
      %get3A_178 = vector.shape_cast %get3A_177 : vector<1x16xf32> to vector<16xf32>
      %get3A_179 = arith.index_cast %scan3A_78 : i32 to index
      %get3A_180 = arith.constant 112 : index
      %get3A_181 = tpu.vector_load %arg11[%get3A_179, %get3A_180] {strides = array<i32>} : memref<80x144xf32, #tpu.memory_space<vmem>>, vector<1x16xf32>,
      %get3A_182 = vector.shape_cast %get3A_181 : vector<1x16xf32> to vector<16xf32>
      %add3A_183 = arith.addf %get3A_178, %get3A_182 : vector<16xf32>
      %swap3A_184 = arith.index_cast %scan3A_78 : i32 to index
      %swap3A_185 = arith.constant 112 : index
      %swap3A_186 = tpu.vector_load %arg13[%swap3A_184, %swap3A_185] {strides = array<i32>} : memref<80x144xf32, #tpu.memory_space<vmem>>, vector<1x16xf32>,
      %swap3A_187 = vector.shape_cast %swap3A_186 : vector<1x16xf32> to vector<16xf32>
      %swap3A_188 = vector.shape_cast %add3A_183 : vector<16xf32> to vector<1x16xf32>
      tpu.vector_store %arg13[%swap3A_184, %swap3A_185], %swap3A_188 {strides = array<i32>} : memref<80x144xf32, #tpu.memory_space<vmem>>, vector<1x16xf32>,
      %get3A_189 = arith.index_cast %scan3A_78 : i32 to index
      %get3A_190 = arith.constant 128 : index
      %get3A_191 = tpu.vector_load %arg9[%get3A_189, %get3A_190] {strides = array<i32>} : memref<80x144xf32, #tpu.memory_space<vmem>>, vector<1x16xf32>,
      %get3A_192 = vector.shape_cast %get3A_191 : vector<1x16xf32> to vector<16xf32>
      %get3A_193 = arith.index_cast %scan3A_78 : i32 to index
      %get3A_194 = arith.constant 128 : index
      %get3A_195 = tpu.vector_load %arg11[%get3A_193, %get3A_194] {strides = array<i32>} : memref<80x144xf32, #tpu.memory_space<vmem>>, vector<1x16xf32>,
      %get3A_196 = vector.shape_cast %get3A_195 : vector<1x16xf32> to vector<16xf32>
      %add3A_197 = arith.addf %get3A_192, %get3A_196 : vector<16xf32>
      %swap3A_198 = arith.index_cast %scan3A_78 : i32 to index
      %swap3A_199 = arith.constant 128 : index
      %swap3A_200 = tpu.vector_load %arg13[%swap3A_198, %swap3A_199] {strides = array<i32>} : memref<80x144xf32, #tpu.memory_space<vmem>>, vector<1x16xf32>,
      %swap3A_201 = vector.shape_cast %swap3A_200 : vector<1x16xf32> to vector<16xf32>
      %swap3A_202 = vector.shape_cast %add3A_197 : vector<16xf32> to vector<1x16xf32>
      tpu.vector_store %arg13[%swap3A_198, %swap3A_199], %swap3A_202 {strides = array<i32>} : memref<80x144xf32, #tpu.memory_space<vmem>>, vector<1x16xf32>,
      %scan3A_203 = arith.constant 1 : i32
      %scan3A_204 = arith.addi %scan3A_78, %scan3A_203 : i32
      %get3A_205 = arith.index_cast %scan3A_204 : i32 to index
      %get3A_206 = arith.constant 0 : index
      %get3A_207 = tpu.vector_load %arg9[%get3A_205, %get3A_206] {strides = array<i32>} : memref<80x144xf32, #tpu.memory_space<vmem>>, vector<1x16xf32>,
      %get3A_208 = vector.shape_cast %get3A_207 : vector<1x16xf32> to vector<16xf32>
      %get3A_209 = arith.index_cast %scan3A_204 : i32 to index
      %get3A_210 = arith.constant 0 : index
      %get3A_211 = tpu.vector_load %arg11[%get3A_209, %get3A_210] {strides = array<i32>} : memref<80x144xf32, #tpu.memory_space<vmem>>, vector<1x16xf32>,
      %get3A_212 = vector.shape_cast %get3A_211 : vector<1x16xf32> to vector<16xf32>
      %add3A_213 = arith.addf %get3A_208, %get3A_212 : vector<16xf32>
      %swap3A_214 = arith.index_cast %scan3A_204 : i32 to index
      %swap3A_215 = arith.constant 0 : index
      %swap3A_216 = tpu.vector_load %arg13[%swap3A_214, %swap3A_215] {strides = array<i32>} : memref<80x144xf32, #tpu.memory_space<vmem>>, vector<1x16xf32>,
      %swap3A_217 = vector.shape_cast %swap3A_216 : vector<1x16xf32> to vector<16xf32>
      %swap3A_218 = vector.shape_cast %add3A_213 : vector<16xf32> to vector<1x16xf32>
      tpu.vector_store %arg13[%swap3A_214, %swap3A_215], %swap3A_218 {strides = array<i32>} : memref<80x144xf32, #tpu.memory_space<vmem>>, vector<1x16xf32>,
      %get3A_219 = arith.index_cast %scan3A_204 : i32 to index
      %get3A_220 = arith.constant 16 : index
      %get3A_221 = tpu.vector_load %arg9[%get3A_219, %get3A_220] {strides = array<i32>} : memref<80x144xf32, #tpu.memory_space<vmem>>, vector<1x16xf32>,
      %get3A_222 = vector.shape_cast %get3A_221 : vector<1x16xf32> to vector<16xf32>
      %get3A_223 = arith.index_cast %scan3A_204 : i32 to index
      %get3A_224 = arith.constant 16 : index
      %get3A_225 = tpu.vector_load %arg11[%get3A_223, %get3A_224] {strides = array<i32>} : memref<80x144xf32, #tpu.memory_space<vmem>>, vector<1x16xf32>,
      %get3A_226 = vector.shape_cast %get3A_225 : vector<1x16xf32> to vector<16xf32>
      %add3A_227 = arith.addf %get3A_222, %get3A_226 : vector<16xf32>
      %swap3A_228 = arith.index_cast %scan3A_204 : i32 to index
      %swap3A_229 = arith.constant 16 : index
      %swap3A_230 = tpu.vector_load %arg13[%swap3A_228, %swap3A_229] {strides = array<i32>} : memref<80x144xf32, #tpu.memory_space<vmem>>, vector<1x16xf32>,
      %swap3A_231 = vector.shape_cast %swap3A_230 : vector<1x16xf32> to vector<16xf32>
      %swap3A_232 = vector.shape_cast %add3A_227 : vector<16xf32> to vector<1x16xf32>
      tpu.vector_store %arg13[%swap3A_228, %swap3A_229], %swap3A_232 {strides = array<i32>} : memref<80x144xf32, #tpu.memory_space<vmem>>, vector<1x16xf32>,
      %get3A_233 = arith.index_cast %scan3A_204 : i32 to index
      %get3A_234 = arith.constant 32 : index
      %get3A_235 = tpu.vector_load %arg9[%get3A_233, %get3A_234] {strides = array<i32>} : memref<80x144xf32, #tpu.memory_space<vmem>>, vector<1x16xf32>,
      %get3A_236 = vector.shape_cast %get3A_235 : vector<1x16xf32> to vector<16xf32>
      %get3A_237 = arith.index_cast %scan3A_204 : i32 to index
      %get3A_238 = arith.constant 32 : index
      %get3A_239 = tpu.vector_load %arg11[%get3A_237, %get3A_238] {strides = array<i32>} : memref<80x144xf32, #tpu.memory_space<vmem>>, vector<1x16xf32>,
      %get3A_240 = vector.shape_cast %get3A_239 : vector<1x16xf32> to vector<16xf32>
      %add3A_241 = arith.addf %get3A_236, %get3A_240 : vector<16xf32>
      %swap3A_242 = arith.index_cast %scan3A_204 : i32 to index
      %swap3A_243 = arith.constant 32 : index
      %swap3A_244 = tpu.vector_load %arg13[%swap3A_242, %swap3A_243] {strides = array<i32>} : memref<80x144xf32, #tpu.memory_space<vmem>>, vector<1x16xf32>,
      %swap3A_245 = vector.shape_cast %swap3A_244 : vector<1x16xf32> to vector<16xf32>
      %swap3A_246 = vector.shape_cast %add3A_241 : vector<16xf32> to vector<1x16xf32>
      tpu.vector_store %arg13[%swap3A_242, %swap3A_243], %swap3A_246 {strides = array<i32>} : memref<80x144xf32, #tpu.memory_space<vmem>>, vector<1x16xf32>,
      %get3A_247 = arith.index_cast %scan3A_204 : i32 to index
      %get3A_248 = arith.constant 48 : index
      %get3A_249 = tpu.vector_load %arg9[%get3A_247, %get3A_248] {strides = array<i32>} : memref<80x144xf32, #tpu.memory_space<vmem>>, vector<1x16xf32>,
      %get3A_250 = vector.shape_cast %get3A_249 : vector<1x16xf32> to vector<16xf32>
      %get3A_251 = arith.index_cast %scan3A_204 : i32 to index
      %get3A_252 = arith.constant 48 : index
      %get3A_253 = tpu.vector_load %arg11[%get3A_251, %get3A_252] {strides = array<i32>} : memref<80x144xf32, #tpu.memory_space<vmem>>, vector<1x16xf32>,
      %get3A_254 = vector.shape_cast %get3A_253 : vector<1x16xf32> to vector<16xf32>
      %add3A_255 = arith.addf %get3A_250, %get3A_254 : vector<16xf32>
      %swap3A_256 = arith.index_cast %scan3A_204 : i32 to index
      %swap3A_257 = arith.constant 48 : index
      %swap3A_258 = tpu.vector_load %arg13[%swap3A_256, %swap3A_257] {strides = array<i32>} : memref<80x144xf32, #tpu.memory_space<vmem>>, vector<1x16xf32>,
      %swap3A_259 = vector.shape_cast %swap3A_258 : vector<1x16xf32> to vector<16xf32>
      %swap3A_260 = vector.shape_cast %add3A_255 : vector<16xf32> to vector<1x16xf32>
      tpu.vector_store %arg13[%swap3A_256, %swap3A_257], %swap3A_260 {strides = array<i32>} : memref<80x144xf32, #tpu.memory_space<vmem>>, vector<1x16xf32>,
      %get3A_261 = arith.index_cast %scan3A_204 : i32 to index
      %get3A_262 = arith.constant 64 : index
      %get3A_263 = tpu.vector_load %arg9[%get3A_261, %get3A_262] {strides = array<i32>} : memref<80x144xf32, #tpu.memory_space<vmem>>, vector<1x16xf32>,
      %get3A_264 = vector.shape_cast %get3A_263 : vector<1x16xf32> to vector<16xf32>
      %get3A_265 = arith.index_cast %scan3A_204 : i32 to index
      %get3A_266 = arith.constant 64 : index
      %get3A_267 = tpu.vector_load %arg11[%get3A_265, %get3A_266] {strides = array<i32>} : memref<80x144xf32, #tpu.memory_space<vmem>>, vector<1x16xf32>,
      %get3A_268 = vector.shape_cast %get3A_267 : vector<1x16xf32> to vector<16xf32>
      %add3A_269 = arith.addf %get3A_264, %get3A_268 : vector<16xf32>
      %swap3A_270 = arith.index_cast %scan3A_204 : i32 to index
      %swap3A_271 = arith.constant 64 : index
      %swap3A_272 = tpu.vector_load %arg13[%swap3A_270, %swap3A_271] {strides = array<i32>} : memref<80x144xf32, #tpu.memory_space<vmem>>, vector<1x16xf32>,
      %swap3A_273 = vector.shape_cast %swap3A_272 : vector<1x16xf32> to vector<16xf32>
      %swap3A_274 = vector.shape_cast %add3A_269 : vector<16xf32> to vector<1x16xf32>
      tpu.vector_store %arg13[%swap3A_270, %swap3A_271], %swap3A_274 {strides = array<i32>} : memref<80x144xf32, #tpu.memory_space<vmem>>, vector<1x16xf32>,
      %get3A_275 = arith.index_cast %scan3A_204 : i32 to index
      %get3A_276 = arith.constant 80 : index
      %get3A_277 = tpu.vector_load %arg9[%get3A_275, %get3A_276] {strides = array<i32>} : memref<80x144xf32, #tpu.memory_space<vmem>>, vector<1x16xf32>,
      %get3A_278 = vector.shape_cast %get3A_277 : vector<1x16xf32> to vector<16xf32>
      %get3A_279 = arith.index_cast %scan3A_204 : i32 to index
      %get3A_280 = arith.constant 80 : index
      %get3A_281 = tpu.vector_load %arg11[%get3A_279, %get3A_280] {strides = array<i32>} : memref<80x144xf32, #tpu.memory_space<vmem>>, vector<1x16xf32>,
      %get3A_282 = vector.shape_cast %get3A_281 : vector<1x16xf32> to vector<16xf32>
      %add3A_283 = arith.addf %get3A_278, %get3A_282 : vector<16xf32>
      %swap3A_284 = arith.index_cast %scan3A_204 : i32 to index
      %swap3A_285 = arith.constant 80 : index
      %swap3A_286 = tpu.vector_load %arg13[%swap3A_284, %swap3A_285] {strides = array<i32>} : memref<80x144xf32, #tpu.memory_space<vmem>>, vector<1x16xf32>,
      %swap3A_287 = vector.shape_cast %swap3A_286 : vector<1x16xf32> to vector<16xf32>
      %swap3A_288 = vector.shape_cast %add3A_283 : vector<16xf32> to vector<1x16xf32>
      tpu.vector_store %arg13[%swap3A_284, %swap3A_285], %swap3A_288 {strides = array<i32>} : memref<80x144xf32, #tpu.memory_space<vmem>>, vector<1x16xf32>,
      %get3A_289 = arith.index_cast %scan3A_204 : i32 to index
      %get3A_290 = arith.constant 96 : index
      %get3A_291 = tpu.vector_load %arg9[%get3A_289, %get3A_290] {strides = array<i32>} : memref<80x144xf32, #tpu.memory_space<vmem>>, vector<1x16xf32>,
      %get3A_292 = vector.shape_cast %get3A_291 : vector<1x16xf32> to vector<16xf32>
      %get3A_293 = arith.index_cast %scan3A_204 : i32 to index
      %get3A_294 = arith.constant 96 : index
      %get3A_295 = tpu.vector_load %arg11[%get3A_293, %get3A_294] {strides = array<i32>} : memref<80x144xf32, #tpu.memory_space<vmem>>, vector<1x16xf32>,
      %get3A_296 = vector.shape_cast %get3A_295 : vector<1x16xf32> to vector<16xf32>
      %add3A_297 = arith.addf %get3A_292, %get3A_296 : vector<16xf32>
      %swap3A_298 = arith.index_cast %scan3A_204 : i32 to index
      %swap3A_299 = arith.constant 96 : index
      %swap3A_300 = tpu.vector_load %arg13[%swap3A_298, %swap3A_299] {strides = array<i32>} : memref<80x144xf32, #tpu.memory_space<vmem>>, vector<1x16xf32>,
      %swap3A_301 = vector.shape_cast %swap3A_300 : vector<1x16xf32> to vector<16xf32>
      %swap3A_302 = vector.shape_cast %add3A_297 : vector<16xf32> to vector<1x16xf32>
      tpu.vector_store %arg13[%swap3A_298, %swap3A_299], %swap3A_302 {strides = array<i32>} : memref<80x144xf32, #tpu.memory_space<vmem>>, vector<1x16xf32>,
      %get3A_303 = arith.index_cast %scan3A_204 : i32 to index
      %get3A_304 = arith.constant 112 : index
      %get3A_305 = tpu.vector_load %arg9[%get3A_303, %get3A_304] {strides = array<i32>} : memref<80x144xf32, #tpu.memory_space<vmem>>, vector<1x16xf32>,
      %get3A_306 = vector.shape_cast %get3A_305 : vector<1x16xf32> to vector<16xf32>
      %get3A_307 = arith.index_cast %scan3A_204 : i32 to index
      %get3A_308 = arith.constant 112 : index
      %get3A_309 = tpu.vector_load %arg11[%get3A_307, %get3A_308] {strides = array<i32>} : memref<80x144xf32, #tpu.memory_space<vmem>>, vector<1x16xf32>,
      %get3A_310 = vector.shape_cast %get3A_309 : vector<1x16xf32> to vector<16xf32>
      %add3A_311 = arith.addf %get3A_306, %get3A_310 : vector<16xf32>
      %swap3A_312 = arith.index_cast %scan3A_204 : i32 to index
      %swap3A_313 = arith.constant 112 : index
      %swap3A_314 = tpu.vector_load %arg13[%swap3A_312, %swap3A_313] {strides = array<i32>} : memref<80x144xf32, #tpu.memory_space<vmem>>, vector<1x16xf32>,
      %swap3A_315 = vector.shape_cast %swap3A_314 : vector<1x16xf32> to vector<16xf32>
      %swap3A_316 = vector.shape_cast %add3A_311 : vector<16xf32> to vector<1x16xf32>
      tpu.vector_store %arg13[%swap3A_312, %swap3A_313], %swap3A_316 {strides = array<i32>} : memref<80x144xf32, #tpu.memory_space<vmem>>, vector<1x16xf32>,
      %get3A_317 = arith.index_cast %scan3A_204 : i32 to index
      %get3A_318 = arith.constant 128 : index
      %get3A_319 = tpu.vector_load %arg9[%get3A_317, %get3A_318] {strides = array<i32>} : memref<80x144xf32, #tpu.memory_space<vmem>>, vector<1x16xf32>,
      %get3A_320 = vector.shape_cast %get3A_319 : vector<1x16xf32> to vector<16xf32>
      %get3A_321 = arith.index_cast %scan3A_204 : i32 to index
      %get3A_322 = arith.constant 128 : index
      %get3A_323 = tpu.vector_load %arg11[%get3A_321, %get3A_322] {strides = array<i32>} : memref<80x144xf32, #tpu.memory_space<vmem>>, vector<1x16xf32>,
      %get3A_324 = vector.shape_cast %get3A_323 : vector<1x16xf32> to vector<16xf32>
      %add3A_325 = arith.addf %get3A_320, %get3A_324 : vector<16xf32>
      %swap3A_326 = arith.index_cast %scan3A_204 : i32 to index
      %swap3A_327 = arith.constant 128 : index
      %swap3A_328 = tpu.vector_load %arg13[%swap3A_326, %swap3A_327] {strides = array<i32>} : memref<80x144xf32, #tpu.memory_space<vmem>>, vector<1x16xf32>,
      %swap3A_329 = vector.shape_cast %swap3A_328 : vector<1x16xf32> to vector<16xf32>
      %swap3A_330 = vector.shape_cast %add3A_325 : vector<16xf32> to vector<1x16xf32>
      tpu.vector_store %arg13[%swap3A_326, %swap3A_327], %swap3A_330 {strides = array<i32>} : memref<80x144xf32, #tpu.memory_space<vmem>>, vector<1x16xf32>,
    }
    %scan3A_59 = arith.constant 80 : i32
    %add3A_60 = arith.constant 9920 : i32
    %add3A_61 = arith.addi %mul3A_2, %add3A_60 : i32
    %dma_start3A_62 = arith.constant 0 : i32
    %dma_start3A_63 = tpu.memref_slice %arg6[%add3A_61, %dma_start3A_62] : memref<320000x144xf32, #tpu.memory_space<hbm>> -> memref<80x144xf32, #tpu.memory_space<hbm>>
    %dma_start3A_64 = arith.constant 0 : i32
    %dma_start3A_65 = tpu.memref_slice %arg6[%add3A_61, %dma_start3A_64] : memref<320000x144xf32, #tpu.memory_space<hbm>> -> memref<80x144xf32, #tpu.memory_space<hbm>>
    tpu.enqueue_dma source(%arg13 : memref<80x144xf32, #tpu.memory_space<vmem>>) target(%dma_start3A_65 : memref<80x144xf32, #tpu.memory_space<hbm>>) target_semaphore(%arg19 : memref<!tpu.dma_semaphore, #tpu.memory_space<semaphore_mem>>)
    %add3A_66 = arith.constant 9840 : i32
    %add3A_67 = arith.addi %mul3A_2, %add3A_66 : i32
    %dma_wait3A_68 = arith.constant 0 : i32
    %dma_wait3A_69 = tpu.memref_slice %arg6[%add3A_67, %dma_wait3A_68] : memref<320000x144xf32, #tpu.memory_space<hbm>> -> memref<80x144xf32, #tpu.memory_space<hbm>>
    %dma_wait3A_70 = arith.constant 0 : i32
    %dma_wait3A_71 = tpu.memref_slice %arg6[%add3A_67, %dma_wait3A_70] : memref<320000x144xf32, #tpu.memory_space<hbm>> -> memref<80x144xf32, #tpu.memory_space<hbm>>
    tpu.wait_dma2 semaphore(%arg20 : memref<!tpu.dma_semaphore, #tpu.memory_space<semaphore_mem>>) src(%arg14 : memref<80x144xf32, #tpu.memory_space<vmem>>) dst(%dma_wait3A_71 : memref<80x144xf32, #tpu.memory_space<hbm>>)
    %add3A_72 = arith.constant 9920 : i32
    %add3A_73 = arith.addi %mul3A_2, %add3A_72 : i32
    %dma_wait3A_74 = arith.constant 0 : i32
    %dma_wait3A_75 = tpu.memref_slice %arg6[%add3A_73, %dma_wait3A_74] : memref<320000x144xf32, #tpu.memory_space<hbm>> -> memref<80x144xf32, #tpu.memory_space<hbm>>
    %dma_wait3A_76 = arith.constant 0 : i32
    %dma_wait3A_77 = tpu.memref_slice %arg6[%add3A_73, %dma_wait3A_76] : memref<320000x144xf32, #tpu.memory_space<hbm>> -> memref<80x144xf32, #tpu.memory_space<hbm>>
    tpu.wait_dma2 semaphore(%arg19 : memref<!tpu.dma_semaphore, #tpu.memory_space<semaphore_mem>>) src(%arg13 : memref<80x144xf32, #tpu.memory_space<vmem>>) dst(%dma_wait3A_77 : memref<80x144xf32, #tpu.memory_space<hbm>>)
    return
  }
}

module attributes {stable_mosaic.version = 14 : i64} {
  func.func @_precompute_body(%arg0: i32, %arg1: memref<2000x128xf32, #tpu.memory_space<vmem>>, %arg2: memref<2000x3xf32, #tpu.memory_space<vmem>>, %arg3: memref<2000x1xf32, #tpu.memory_space<vmem>>, %arg4: memref<128x128xf32, #tpu.memory_space<vmem>>, %arg5: memref<128x128xf32, #tpu.memory_space<vmem>>, %arg6: memref<1x128xf32, #tpu.memory_space<vmem>>, %arg7: memref<1x128xf32, #tpu.memory_space<vmem>>, %arg8: memref<2000x144xf32, #tpu.memory_space<vmem>>, %arg9: memref<2000x144xf32, #tpu.memory_space<vmem>>) attributes {dimension_semantics = [#tpu.dimension_semantics<arbitrary>], iteration_bounds = array<i64: 5>, scalar_prefetch = 0 : i64, scratch_operands = 0 : i64, tpu.core_type = #tpu.core_type<tc>, window_params = [{transform_indices = @transform_0, window_bounds = array<i64: 2000, 128>}, {transform_indices = @transform_1, window_bounds = array<i64: 2000, 3>}, {transform_indices = @transform_2, window_bounds = array<i64: 2000, 1>}, {pipeline_mode = #tpu.pipeline_mode<synchronous>, transform_indices = @transform_3, window_bounds = array<i64: 128, 128>}, {pipeline_mode = #tpu.pipeline_mode<synchronous>, transform_indices = @transform_4, window_bounds = array<i64: 128, 128>}, {pipeline_mode = #tpu.pipeline_mode<synchronous>, transform_indices = @transform_5, window_bounds = array<i64: 1, 128>}, {pipeline_mode = #tpu.pipeline_mode<synchronous>, transform_indices = @transform_6, window_bounds = array<i64: 1, 128>}, {transform_indices = @transform_7, window_bounds = array<i64: 2000, 144>}, {transform_indices = @transform_8, window_bounds = array<i64: 2000, 144>}]} {
    %get3A = arith.constant 0 : index
    %get3A_0 = arith.constant 0 : index
    %get3A_1 = vector.load %arg3[%get3A, %get3A_0] : memref<2000x1xf32, #tpu.memory_space<vmem>>, vector<2000x1xf32>
    %mul3A = arith.mulf %get3A_1, %get3A_1 : vector<2000x1xf32>
    %add3A = arith.constant 2.500000e-01 : f32
    %add3A_2 = vector.broadcast %add3A : f32 to vector<2000x1xf32>
    %add3A_3 = arith.addf %add3A_2, %mul3A : vector<2000x1xf32>
    %sqrt3A = math.sqrt %add3A_3 : vector<2000x1xf32>
    %div3A = arith.constant 1.000000e+00 : f32
    %div3A_4 = vector.broadcast %div3A : f32 to vector<2000x1xf32>
    %div3A_5 = arith.divf %div3A_4, %sqrt3A : vector<2000x1xf32>
    %log3A = math.log %get3A_1 : vector<2000x1xf32>
    %div3A_6 = arith.constant 4.000000e+00 : f32
    %div3A_7 = vector.broadcast %div3A_6 : f32 to vector<2000x1xf32>
    %div3A_8 = arith.divf %log3A, %div3A_7 : vector<2000x1xf32>
    %get3A_9 = arith.constant 0 : index
    %get3A_10 = arith.constant 0 : index
    %get3A_11 = vector.load %arg1[%get3A_9, %get3A_10] : memref<2000x128xf32, #tpu.memory_space<vmem>>, vector<2000x128xf32>
    %mul3A_12 = vector.broadcast %div3A_5 : vector<2000x1xf32> to vector<2000x128xf32>
    %mul3A_13 = arith.mulf %mul3A_12, %get3A_11 : vector<2000x128xf32>
    %get3A_14 = arith.constant 0 : index
    %get3A_15 = arith.constant 0 : index
    %get3A_16 = vector.load %arg2[%get3A_14, %get3A_15] : memref<2000x3xf32, #tpu.memory_space<vmem>>, vector<2000x3xf32>
    %mul3A_17 = vector.broadcast %div3A_5 : vector<2000x1xf32> to vector<2000x3xf32>
    %mul3A_18 = arith.mulf %mul3A_17, %get3A_16 : vector<2000x3xf32>
    %broadcast_in_dim3A = arith.constant 0.000000e+00 : f32
    %broadcast_in_dim3A_19 = vector.broadcast %broadcast_in_dim3A : f32 to vector<2000x13xf32>
    %get3A_20 = arith.constant 0 : index
    %get3A_21 = arith.constant 0 : index
    %get3A_22 = vector.load %arg4[%get3A_20, %get3A_21] : memref<128x128xf32, #tpu.memory_space<vmem>>, vector<128x128xf32>
    %dot_general3A = arith.constant dense<0.000000e+00> : vector<2000x128xf32>
    %dot_general3A_23 = tpu.matmul %mul3A_13, %get3A_22, %dot_general3A {dimension_numbers = #tpu.dot_dimension_numbers<[1], [0], [0], [1], [0, 0, 1, 1], [], []>, transpose_lhs_hint = false} : vector<2000x128xf32>, vector<128x128xf32>, vector<2000x128xf32> -> vector<2000x128xf32>
    %get3A_24 = arith.constant 0 : index
    %get3A_25 = arith.constant 0 : index
    %get3A_26 = vector.load %arg6[%get3A_24, %get3A_25] : memref<1x128xf32, #tpu.memory_space<vmem>>, vector<1x128xf32>
    %mul3A_27 = vector.broadcast %div3A_8 : vector<2000x1xf32> to vector<2000x128xf32>
    %mul3A_28 = vector.broadcast %get3A_26 : vector<1x128xf32> to vector<2000x128xf32>
    %mul3A_29 = arith.mulf %mul3A_27, %mul3A_28 : vector<2000x128xf32>
    %add3A_30 = arith.addf %dot_general3A_23, %mul3A_29 : vector<2000x128xf32>
    %get3A_31 = arith.constant 0 : index
    %get3A_32 = arith.constant 0 : index
    %get3A_33 = vector.load %arg5[%get3A_31, %get3A_32] : memref<128x128xf32, #tpu.memory_space<vmem>>, vector<128x128xf32>
    %dot_general3A_34 = arith.constant dense<0.000000e+00> : vector<2000x128xf32>
    %dot_general3A_35 = tpu.matmul %mul3A_13, %get3A_33, %dot_general3A_34 {dimension_numbers = #tpu.dot_dimension_numbers<[1], [0], [0], [1], [0, 0, 1, 1], [], []>, transpose_lhs_hint = false} : vector<2000x128xf32>, vector<128x128xf32>, vector<2000x128xf32> -> vector<2000x128xf32>
    %get3A_36 = arith.constant 0 : index
    %get3A_37 = arith.constant 0 : index
    %get3A_38 = vector.load %arg7[%get3A_36, %get3A_37] : memref<1x128xf32, #tpu.memory_space<vmem>>, vector<1x128xf32>
    %mul3A_39 = vector.broadcast %div3A_8 : vector<2000x1xf32> to vector<2000x128xf32>
    %mul3A_40 = vector.broadcast %get3A_38 : vector<1x128xf32> to vector<2000x128xf32>
    %mul3A_41 = arith.mulf %mul3A_39, %mul3A_40 : vector<2000x128xf32>
    %add3A_42 = arith.addf %dot_general3A_35, %mul3A_41 : vector<2000x128xf32>
    %concatenate3A = tpu.concatenate %add3A_30, %mul3A_18, %broadcast_in_dim3A_19 in 1 : vector<2000x128xf32>, vector<2000x3xf32>, vector<2000x13xf32> -> vector<2000x144xf32>
    %swap3A = arith.constant 0 : index
    %swap3A_43 = arith.constant 0 : index
    %swap3A_44 = vector.load %arg8[%swap3A, %swap3A_43] : memref<2000x144xf32, #tpu.memory_space<vmem>>, vector<2000x144xf32>
    tpu.vector_store %arg8[%swap3A, %swap3A_43], %concatenate3A {strides = array<i32>} : memref<2000x144xf32, #tpu.memory_space<vmem>>, vector<2000x144xf32>,
    %broadcast_in_dim3A_45 = arith.constant 0.000000e+00 : f32
    %broadcast_in_dim3A_46 = vector.broadcast %broadcast_in_dim3A_45 : f32 to vector<2000x4xf32>
    %broadcast_in_dim3A_47 = arith.constant 0.000000e+00 : f32
    %broadcast_in_dim3A_48 = vector.broadcast %broadcast_in_dim3A_47 : f32 to vector<2000x9xf32>
    %concatenate3A_49 = tpu.concatenate %add3A_42, %broadcast_in_dim3A_46, %mul3A_18, %broadcast_in_dim3A_48 in 1 : vector<2000x128xf32>, vector<2000x4xf32>, vector<2000x3xf32>, vector<2000x9xf32> -> vector<2000x144xf32>
    %swap3A_50 = arith.constant 0 : index
    %swap3A_51 = arith.constant 0 : index
    %swap3A_52 = vector.load %arg9[%swap3A_50, %swap3A_51] : memref<2000x144xf32, #tpu.memory_space<vmem>>, vector<2000x144xf32>
    tpu.vector_store %arg9[%swap3A_50, %swap3A_51], %concatenate3A_49 {strides = array<i32>} : memref<2000x144xf32, #tpu.memory_space<vmem>>, vector<2000x144xf32>,
    return
  }
  func.func @transform_0(%arg0: i32) -> (i32, i32) {
    %c0_i32 = arith.constant 0 : i32
    %c0_i32_0 = arith.constant 0 : i32
    return %arg0, %c0_i32 : i32, i32
  }
  func.func @transform_1(%arg0: i32) -> (i32, i32) {
    %c0_i32 = arith.constant 0 : i32
    %c0_i32_0 = arith.constant 0 : i32
    return %arg0, %c0_i32 : i32, i32
  }
  func.func @transform_2(%arg0: i32) -> (i32, i32) {
    %c0_i32 = arith.constant 0 : i32
    %c0_i32_0 = arith.constant 0 : i32
    return %arg0, %c0_i32 : i32, i32
  }
  func.func @transform_3(%arg0: i32) -> (i32, i32) {
    %c0_i32 = arith.constant 0 : i32
    %c0_i32_0 = arith.constant 0 : i32
    %c0_i32_1 = arith.constant 0 : i32
    return %c0_i32, %c0_i32_0 : i32, i32
  }
  func.func @transform_4(%arg0: i32) -> (i32, i32) {
    %c0_i32 = arith.constant 0 : i32
    %c0_i32_0 = arith.constant 0 : i32
    %c0_i32_1 = arith.constant 0 : i32
    return %c0_i32, %c0_i32_0 : i32, i32
  }
  func.func @transform_5(%arg0: i32) -> (i32, i32) {
    %c0_i32 = arith.constant 0 : i32
    %c0_i32_0 = arith.constant 0 : i32
    %c0_i32_1 = arith.constant 0 : i32
    return %c0_i32, %c0_i32_0 : i32, i32
  }
  func.func @transform_6(%arg0: i32) -> (i32, i32) {
    %c0_i32 = arith.constant 0 : i32
    %c0_i32_0 = arith.constant 0 : i32
    %c0_i32_1 = arith.constant 0 : i32
    return %c0_i32, %c0_i32_0 : i32, i32
  }
  func.func @transform_7(%arg0: i32) -> (i32, i32) {
    %c0_i32 = arith.constant 0 : i32
    %c0_i32_0 = arith.constant 0 : i32
    return %arg0, %c0_i32 : i32, i32
  }
  func.func @transform_8(%arg0: i32) -> (i32, i32) {
    %c0_i32 = arith.constant 0 : i32
    %c0_i32_0 = arith.constant 0 : i32
    return %arg0, %c0_i32 : i32, i32
  }
}

module attributes {stable_mosaic.version = 14 : i64} {
  func.func @_edge_mlp_body(%arg0: i32, %arg1: memref<128x128xf32, #tpu.memory_space<vmem>>, %arg2: memref<128x1xf32, #tpu.memory_space<vmem>>, %arg3: memref<1x128xf32, #tpu.memory_space<vmem>>, %arg4: memref<2000x144xf32, #tpu.memory_space<vmem>>, %arg5: memref<2000x144xf32, #tpu.memory_space<vmem>>) attributes {dimension_semantics = [#tpu.dimension_semantics<arbitrary>], iteration_bounds = array<i64: 160>, scalar_prefetch = 0 : i64, scratch_operands = 0 : i64, tpu.core_type = #tpu.core_type<tc>, window_params = [{pipeline_mode = #tpu.pipeline_mode<synchronous>, transform_indices = @transform_0, window_bounds = array<i64: 128, 128>}, {pipeline_mode = #tpu.pipeline_mode<synchronous>, transform_indices = @transform_1, window_bounds = array<i64: 128, 1>}, {pipeline_mode = #tpu.pipeline_mode<synchronous>, transform_indices = @transform_2, window_bounds = array<i64: 1, 128>}, {transform_indices = @transform_3, window_bounds = array<i64: 2000, 144>}, {transform_indices = @transform_4, window_bounds = array<i64: 2000, 144>}]} {
    %get3A = arith.constant 0 : index
    %get3A_0 = arith.constant 0 : index
    %get3A_1 = vector.load %arg4[%get3A, %get3A_0] : memref<2000x144xf32, #tpu.memory_space<vmem>>, vector<2000x144xf32>
    %slice3A = vector.extract_strided_slice %get3A_1 {offsets = [0, 128], sizes = [2000, 3], strides = [1, 1]} : vector<2000x144xf32> to vector<2000x3xf32>
    %slice3A_2 = vector.extract_strided_slice %get3A_1 {offsets = [0, 132], sizes = [2000, 3], strides = [1, 1]} : vector<2000x144xf32> to vector<2000x3xf32>
    %sub3A = arith.subf %slice3A, %slice3A_2 : vector<2000x3xf32>
    %mul3A = arith.mulf %sub3A, %sub3A : vector<2000x3xf32>
    %reduce_sum3A = arith.constant dense<0.000000e+00> : vector<2000xf32>
    %reduce_sum3A_3 = vector.multi_reduction <add>, %mul3A, %reduce_sum3A [1] : vector<2000x3xf32> to vector<2000xf32>
    %broadcast_in_dim3A = vector.shape_cast %reduce_sum3A_3 : vector<2000xf32> to vector<2000x1xf32>
    %slice3A_4 = vector.extract_strided_slice %get3A_1 {offsets = [0, 0], sizes = [2000, 128], strides = [1, 1]} : vector<2000x144xf32> to vector<2000x128xf32>
    %get3A_5 = arith.constant 0 : index
    %get3A_6 = arith.constant 0 : index
    %get3A_7 = vector.load %arg3[%get3A_5, %get3A_6] : memref<1x128xf32, #tpu.memory_space<vmem>>, vector<1x128xf32>
    %mul3A_8 = vector.broadcast %broadcast_in_dim3A : vector<2000x1xf32> to vector<2000x128xf32>
    %mul3A_9 = vector.broadcast %get3A_7 : vector<1x128xf32> to vector<2000x128xf32>
    %mul3A_10 = arith.mulf %mul3A_8, %mul3A_9 : vector<2000x128xf32>
    %add3A = arith.addf %slice3A_4, %mul3A_10 : vector<2000x128xf32>
    %logistic3A = arith.negf %add3A : vector<2000x128xf32>
    %logistic3A_11 = math.exp %logistic3A : vector<2000x128xf32>
    %logistic3A_12 = arith.constant 1.000000e+00 : f32
    %logistic3A_13 = vector.broadcast %logistic3A_12 : f32 to vector<2000x128xf32>
    %logistic3A_14 = arith.addf %logistic3A_13, %logistic3A_11 : vector<2000x128xf32>
    %logistic3A_15 = arith.divf %logistic3A_13, %logistic3A_14 : vector<2000x128xf32>
    %mul3A_16 = arith.mulf %add3A, %logistic3A_15 : vector<2000x128xf32>
    %get3A_17 = arith.constant 0 : index
    %get3A_18 = arith.constant 0 : index
    %get3A_19 = vector.load %arg1[%get3A_17, %get3A_18] : memref<128x128xf32, #tpu.memory_space<vmem>>, vector<128x128xf32>
    %dot_general3A = arith.constant dense<0.000000e+00> : vector<2000x128xf32>
    %dot_general3A_20 = tpu.matmul %mul3A_16, %get3A_19, %dot_general3A {dimension_numbers = #tpu.dot_dimension_numbers<[1], [0], [0], [1], [0, 0, 1, 1], [], []>, transpose_lhs_hint = false} : vector<2000x128xf32>, vector<128x128xf32>, vector<2000x128xf32> -> vector<2000x128xf32>
    %logistic3A_21 = arith.negf %dot_general3A_20 : vector<2000x128xf32>
    %logistic3A_22 = math.exp %logistic3A_21 : vector<2000x128xf32>
    %logistic3A_23 = arith.constant 1.000000e+00 : f32
    %logistic3A_24 = vector.broadcast %logistic3A_23 : f32 to vector<2000x128xf32>
    %logistic3A_25 = arith.addf %logistic3A_24, %logistic3A_22 : vector<2000x128xf32>
    %logistic3A_26 = arith.divf %logistic3A_24, %logistic3A_25 : vector<2000x128xf32>
    %mul3A_27 = arith.mulf %dot_general3A_20, %logistic3A_26 : vector<2000x128xf32>
    %get3A_28 = arith.constant 0 : index
    %get3A_29 = arith.constant 0 : index
    %get3A_30 = vector.load %arg2[%get3A_28, %get3A_29] : memref<128x1xf32, #tpu.memory_space<vmem>>, vector<128x1xf32>
    %dot_general3A_31 = arith.constant dense<0.000000e+00> : vector<2000x1xf32>
    %dot_general3A_32 = tpu.matmul %mul3A_27, %get3A_30, %dot_general3A_31 {dimension_numbers = #tpu.dot_dimension_numbers<[1], [0], [0], [1], [0, 0, 1, 1], [], []>, transpose_lhs_hint = false} : vector<2000x128xf32>, vector<128x1xf32>, vector<2000x1xf32> -> vector<2000x1xf32>
    %tanh3A = math.tanh %dot_general3A_32 : vector<2000x1xf32>
    %mul3A_33 = vector.broadcast %tanh3A : vector<2000x1xf32> to vector<2000x3xf32>
    %mul3A_34 = arith.mulf %sub3A, %mul3A_33 : vector<2000x3xf32>
    %broadcast_in_dim3A_35 = arith.constant 1.000000e+00 : f32
    %broadcast_in_dim3A_36 = vector.broadcast %broadcast_in_dim3A_35 : f32 to vector<2000x1xf32>
    %broadcast_in_dim3A_37 = arith.constant 0.000000e+00 : f32
    %broadcast_in_dim3A_38 = vector.broadcast %broadcast_in_dim3A_37 : f32 to vector<2000x12xf32>
    %concatenate3A = tpu.concatenate %mul3A_27, %mul3A_34, %broadcast_in_dim3A_36, %broadcast_in_dim3A_38 in 1 : vector<2000x128xf32>, vector<2000x3xf32>, vector<2000x1xf32>, vector<2000x12xf32> -> vector<2000x144xf32>
    %swap3A = arith.constant 0 : index
    %swap3A_39 = arith.constant 0 : index
    %swap3A_40 = vector.load %arg5[%swap3A, %swap3A_39] : memref<2000x144xf32, #tpu.memory_space<vmem>>, vector<2000x144xf32>
    tpu.vector_store %arg5[%swap3A, %swap3A_39], %concatenate3A {strides = array<i32>} : memref<2000x144xf32, #tpu.memory_space<vmem>>, vector<2000x144xf32>,
    return
  }
  func.func @transform_0(%arg0: i32) -> (i32, i32) {
    %c0_i32 = arith.constant 0 : i32
    %c0_i32_0 = arith.constant 0 : i32
    %c0_i32_1 = arith.constant 0 : i32
    return %c0_i32, %c0_i32_0 : i32, i32
  }
  func.func @transform_1(%arg0: i32) -> (i32, i32) {
    %c0_i32 = arith.constant 0 : i32
    %c0_i32_0 = arith.constant 0 : i32
    %c0_i32_1 = arith.constant 0 : i32
    return %c0_i32, %c0_i32_0 : i32, i32
  }
  func.func @transform_2(%arg0: i32) -> (i32, i32) {
    %c0_i32 = arith.constant 0 : i32
    %c0_i32_0 = arith.constant 0 : i32
    %c0_i32_1 = arith.constant 0 : i32
    return %c0_i32, %c0_i32_0 : i32, i32
  }
  func.func @transform_3(%arg0: i32) -> (i32, i32) {
    %c0_i32 = arith.constant 0 : i32
    %c0_i32_0 = arith.constant 0 : i32
    return %arg0, %c0_i32 : i32, i32
  }
  func.func @transform_4(%arg0: i32) -> (i32, i32) {
    %c0_i32 = arith.constant 0 : i32
    %c0_i32_0 = arith.constant 0 : i32
    return %arg0, %c0_i32 : i32, i32
  }
}

module attributes {stable_mosaic.version = 14 : i64} {
  func.func @_graph_mean_body(%arg0: i32, %arg1: memref<2000x1xi32, #tpu.memory_space<vmem>>, %arg2: memref<2x2000x144xf32, #tpu.memory_space<vmem>>, %arg3: memref<64x4xf32, #tpu.memory_space<vmem>>) attributes {dimension_semantics = [#tpu.dimension_semantics<arbitrary>], iteration_bounds = array<i64: 5>, scalar_prefetch = 0 : i64, scratch_operands = 0 : i64, tpu.core_type = #tpu.core_type<tc>, window_params = [{transform_indices = @transform_0, window_bounds = array<i64: 2000, 1>}, {transform_indices = @transform_1, window_bounds = array<i64: 2, 2000, 144>}, {pipeline_mode = #tpu.pipeline_mode<synchronous>, transform_indices = @transform_2, window_bounds = array<i64: 64, 4>}]} {
    %get3A = arith.constant 0 : index
    %get3A_0 = arith.constant 0 : index
    %get3A_1 = arith.constant 0 : index
    %get3A_2 = vector.load %arg2[%get3A, %get3A_0, %get3A_1] : memref<2x2000x144xf32, #tpu.memory_space<vmem>>, vector<1x2000x144xf32>
    %get3A_3 = vector.shape_cast %get3A_2 : vector<1x2000x144xf32> to vector<2000x144xf32>
    %get3A_4 = arith.constant 1 : index
    %get3A_5 = arith.constant 0 : index
    %get3A_6 = arith.constant 0 : index
    %get3A_7 = vector.load %arg2[%get3A_4, %get3A_5, %get3A_6] : memref<2x2000x144xf32, #tpu.memory_space<vmem>>, vector<1x2000x144xf32>
    %get3A_8 = vector.shape_cast %get3A_7 : vector<1x2000x144xf32> to vector<2000x144xf32>
    %slice3A = vector.extract_strided_slice %get3A_3 {offsets = [0, 128], sizes = [2000, 3], strides = [1, 1]} : vector<2000x144xf32> to vector<2000x3xf32>
    %slice3A_9 = vector.extract_strided_slice %get3A_8 {offsets = [0, 128], sizes = [2000, 3], strides = [1, 1]} : vector<2000x144xf32> to vector<2000x3xf32>
    %add3A = arith.addf %slice3A, %slice3A_9 : vector<2000x3xf32>
    %slice3A_10 = vector.extract_strided_slice %get3A_3 {offsets = [0, 131], sizes = [2000, 1], strides = [1, 1]} : vector<2000x144xf32> to vector<2000x1xf32>
    %slice3A_11 = vector.extract_strided_slice %get3A_8 {offsets = [0, 131], sizes = [2000, 1], strides = [1, 1]} : vector<2000x144xf32> to vector<2000x1xf32>
    %add3A_12 = arith.addf %slice3A_10, %slice3A_11 : vector<2000x1xf32>
    %eq3A = arith.constant 0.000000e+00 : f32
    %eq3A_13 = vector.broadcast %eq3A : f32 to vector<2000x1xf32>
    %eq3A_14 = arith.cmpf oeq, %add3A_12, %eq3A_13 : vector<2000x1xf32>
    %jit3A = arith.constant 1.000000e+00 : f32
    %broadcast_in_dim3A = vector.broadcast %jit3A : f32 to vector<2000x1xf32>
    %select_n3A = arith.select %eq3A_14, %broadcast_in_dim3A, %add3A_12 : vector<2000x1xi1>, vector<2000x1xf32>
    %div3A = vector.broadcast %select_n3A : vector<2000x1xf32> to vector<2000x3xf32>
    %div3A_15 = arith.divf %add3A, %div3A : vector<2000x3xf32>
    %get3A_16 = arith.constant 0 : index
    %get3A_17 = arith.constant 0 : index
    %get3A_18 = vector.load %arg1[%get3A_16, %get3A_17] : memref<2000x1xi32, #tpu.memory_space<vmem>>, vector<2000x1xi32>
    %iota3A = tpu.iota {dimensions = array<i32: 1>} : vector<1x64xi32>
    %eq3A_19 = vector.broadcast %get3A_18 : vector<2000x1xi32> to vector<2000x64xi32>
    %eq3A_20 = vector.broadcast %iota3A : vector<1x64xi32> to vector<2000x64xi32>
    %eq3A_21 = arith.cmpi eq, %eq3A_19, %eq3A_20 : vector<2000x64xi32>
    %convert_element_type3A = arith.extui %eq3A_21 : vector<2000x64xi1> to vector<2000x64xi32>
    %convert_element_type3A_22 = arith.sitofp %convert_element_type3A : vector<2000x64xi32> to vector<2000x64xf32>
    %broadcast_in_dim3A_23 = arith.constant 1.000000e+00 : f32
    %broadcast_in_dim3A_24 = vector.broadcast %broadcast_in_dim3A_23 : f32 to vector<2000x1xf32>
    %concatenate3A = tpu.concatenate %div3A_15, %broadcast_in_dim3A_24 in 1 : vector<2000x3xf32>, vector<2000x1xf32> -> vector<2000x4xf32>
    %dot_general3A = arith.constant dense<0.000000e+00> : vector<64x4xf32>
    %dot_general3A_25 = tpu.matmul %convert_element_type3A_22, %concatenate3A, %dot_general3A {dimension_numbers = #tpu.dot_dimension_numbers<[0], [0], [1], [1], [0, 1, 1, 1], [], []>, transpose_lhs_hint = false} : vector<2000x64xf32>, vector<2000x4xf32>, vector<64x4xf32> -> vector<64x4xf32>
    %eq3A_26 = arith.constant 0 : i32
    %eq3A_27 = arith.cmpi eq, %arg0, %eq3A_26 : i32
    %convert_element_type3A_28 = arith.extui %eq3A_27 : i1 to i32
    %cond3A = arith.constant 0 : i32
    %cond3A_29 = arith.cmpi ne, %convert_element_type3A_28, %cond3A : i32
    scf.if %cond3A_29 {
      %broadcast_in_dim3A_36 = arith.constant 0.000000e+00 : f32
      %broadcast_in_dim3A_37 = vector.broadcast %broadcast_in_dim3A_36 : f32 to vector<64x4xf32>
      %swap3A_38 = arith.constant 0 : index
      %swap3A_39 = arith.constant 0 : index
      %swap3A_40 = vector.load %arg3[%swap3A_38, %swap3A_39] : memref<64x4xf32, #tpu.memory_space<vmem>>, vector<64x4xf32>
      tpu.vector_store %arg3[%swap3A_38, %swap3A_39], %broadcast_in_dim3A_37 {strides = array<i32>} : memref<64x4xf32, #tpu.memory_space<vmem>>, vector<64x4xf32>,
    } else {
    }
    %get3A_30 = arith.constant 0 : index
    %get3A_31 = arith.constant 0 : index
    %get3A_32 = vector.load %arg3[%get3A_30, %get3A_31] : memref<64x4xf32, #tpu.memory_space<vmem>>, vector<64x4xf32>
    %add3A_33 = arith.addf %get3A_32, %dot_general3A_25 : vector<64x4xf32>
    %swap3A = arith.constant 0 : index
    %swap3A_34 = arith.constant 0 : index
    %swap3A_35 = vector.load %arg3[%swap3A, %swap3A_34] : memref<64x4xf32, #tpu.memory_space<vmem>>, vector<64x4xf32>
    tpu.vector_store %arg3[%swap3A, %swap3A_34], %add3A_33 {strides = array<i32>} : memref<64x4xf32, #tpu.memory_space<vmem>>, vector<64x4xf32>,
    return
  }
  func.func @transform_0(%arg0: i32) -> (i32, i32) {
    %c0_i32 = arith.constant 0 : i32
    %c0_i32_0 = arith.constant 0 : i32
    return %arg0, %c0_i32 : i32, i32
  }
  func.func @transform_1(%arg0: i32) -> (i32, i32, i32) {
    %c0_i32 = arith.constant 0 : i32
    %c0_i32_0 = arith.constant 0 : i32
    %c0_i32_1 = arith.constant 0 : i32
    return %c0_i32, %arg0, %c0_i32_0 : i32, i32, i32
  }
  func.func @transform_2(%arg0: i32) -> (i32, i32) {
    %c0_i32 = arith.constant 0 : i32
    %c0_i32_0 = arith.constant 0 : i32
    %c0_i32_1 = arith.constant 0 : i32
    return %c0_i32, %c0_i32_0 : i32, i32
  }
}

module attributes {stable_mosaic.version = 14 : i64} {
  func.func @_finalize_body(%arg0: i32, %arg1: memref<2000x128xf32, #tpu.memory_space<vmem>>, %arg2: memref<2000x3xf32, #tpu.memory_space<vmem>>, %arg3: memref<2000x1xf32, #tpu.memory_space<vmem>>, %arg4: memref<2000x1xi32, #tpu.memory_space<vmem>>, %arg5: memref<2x2000x144xf32, #tpu.memory_space<vmem>>, %arg6: memref<64x4xf32, #tpu.memory_space<vmem>>, %arg7: memref<128x128xf32, #tpu.memory_space<vmem>>, %arg8: memref<1x128xf32, #tpu.memory_space<vmem>>, %arg9: memref<128x128xf32, #tpu.memory_space<vmem>>, %arg10: memref<2000x128xf32, #tpu.memory_space<vmem>>, %arg11: memref<2000x3xf32, #tpu.memory_space<vmem>>) attributes {dimension_semantics = [#tpu.dimension_semantics<arbitrary>], iteration_bounds = array<i64: 5>, scalar_prefetch = 0 : i64, scratch_operands = 0 : i64, tpu.core_type = #tpu.core_type<tc>, window_params = [{transform_indices = @transform_0, window_bounds = array<i64: 2000, 128>}, {transform_indices = @transform_1, window_bounds = array<i64: 2000, 3>}, {transform_indices = @transform_2, window_bounds = array<i64: 2000, 1>}, {transform_indices = @transform_3, window_bounds = array<i64: 2000, 1>}, {transform_indices = @transform_4, window_bounds = array<i64: 2, 2000, 144>}, {pipeline_mode = #tpu.pipeline_mode<synchronous>, transform_indices = @transform_5, window_bounds = array<i64: 64, 4>}, {pipeline_mode = #tpu.pipeline_mode<synchronous>, transform_indices = @transform_6, window_bounds = array<i64: 128, 128>}, {pipeline_mode = #tpu.pipeline_mode<synchronous>, transform_indices = @transform_7, window_bounds = array<i64: 1, 128>}, {pipeline_mode = #tpu.pipeline_mode<synchronous>, transform_indices = @transform_8, window_bounds = array<i64: 128, 128>}, {transform_indices = @transform_9, window_bounds = array<i64: 2000, 128>}, {transform_indices = @transform_10, window_bounds = array<i64: 2000, 3>}]} {
    %get3A = arith.constant 0 : index
    %get3A_0 = arith.constant 0 : index
    %get3A_1 = vector.load %arg3[%get3A, %get3A_0] : memref<2000x1xf32, #tpu.memory_space<vmem>>, vector<2000x1xf32>
    %mul3A = arith.mulf %get3A_1, %get3A_1 : vector<2000x1xf32>
    %add3A = arith.constant 2.500000e-01 : f32
    %add3A_2 = vector.broadcast %add3A : f32 to vector<2000x1xf32>
    %add3A_3 = arith.addf %mul3A, %add3A_2 : vector<2000x1xf32>
    %div3A = arith.constant 2.500000e-01 : f32
    %div3A_4 = vector.broadcast %div3A : f32 to vector<2000x1xf32>
    %div3A_5 = arith.divf %div3A_4, %add3A_3 : vector<2000x1xf32>
    %mul3A_6 = arith.constant 5.000000e-01 : f32
    %mul3A_7 = vector.broadcast %mul3A_6 : f32 to vector<2000x1xf32>
    %mul3A_8 = arith.mulf %get3A_1, %mul3A_7 : vector<2000x1xf32>
    %add3A_9 = arith.constant 2.500000e-01 : f32
    %add3A_10 = vector.broadcast %add3A_9 : f32 to vector<2000x1xf32>
    %add3A_11 = arith.addf %mul3A, %add3A_10 : vector<2000x1xf32>
    %sqrt3A = math.sqrt %add3A_11 : vector<2000x1xf32>
    %div3A_12 = arith.divf %mul3A_8, %sqrt3A : vector<2000x1xf32>
    %add3A_13 = arith.constant 2.500000e-01 : f32
    %add3A_14 = vector.broadcast %add3A_13 : f32 to vector<2000x1xf32>
    %add3A_15 = arith.addf %add3A_14, %mul3A : vector<2000x1xf32>
    %sqrt3A_16 = math.sqrt %add3A_15 : vector<2000x1xf32>
    %div3A_17 = arith.constant 1.000000e+00 : f32
    %div3A_18 = vector.broadcast %div3A_17 : f32 to vector<2000x1xf32>
    %div3A_19 = arith.divf %div3A_18, %sqrt3A_16 : vector<2000x1xf32>
    %log3A = math.log %get3A_1 : vector<2000x1xf32>
    %div3A_20 = arith.constant 4.000000e+00 : f32
    %div3A_21 = vector.broadcast %div3A_20 : f32 to vector<2000x1xf32>
    %div3A_22 = arith.divf %log3A, %div3A_21 : vector<2000x1xf32>
    %get3A_23 = arith.constant 0 : index
    %get3A_24 = arith.constant 0 : index
    %get3A_25 = arith.constant 0 : index
    %get3A_26 = vector.load %arg5[%get3A_23, %get3A_24, %get3A_25] : memref<2x2000x144xf32, #tpu.memory_space<vmem>>, vector<1x2000x144xf32>
    %get3A_27 = vector.shape_cast %get3A_26 : vector<1x2000x144xf32> to vector<2000x144xf32>
    %get3A_28 = arith.constant 1 : index
    %get3A_29 = arith.constant 0 : index
    %get3A_30 = arith.constant 0 : index
    %get3A_31 = vector.load %arg5[%get3A_28, %get3A_29, %get3A_30] : memref<2x2000x144xf32, #tpu.memory_space<vmem>>, vector<1x2000x144xf32>
    %get3A_32 = vector.shape_cast %get3A_31 : vector<1x2000x144xf32> to vector<2000x144xf32>
    %slice3A = vector.extract_strided_slice %get3A_27 {offsets = [0, 0], sizes = [2000, 128], strides = [1, 1]} : vector<2000x144xf32> to vector<2000x128xf32>
    %slice3A_33 = vector.extract_strided_slice %get3A_32 {offsets = [0, 0], sizes = [2000, 128], strides = [1, 1]} : vector<2000x144xf32> to vector<2000x128xf32>
    %add3A_34 = arith.addf %slice3A, %slice3A_33 : vector<2000x128xf32>
    %get3A_35 = arith.constant 0 : index
    %get3A_36 = arith.constant 0 : index
    %get3A_37 = vector.load %arg1[%get3A_35, %get3A_36] : memref<2000x128xf32, #tpu.memory_space<vmem>>, vector<2000x128xf32>
    %mul3A_38 = vector.broadcast %div3A_19 : vector<2000x1xf32> to vector<2000x128xf32>
    %mul3A_39 = arith.mulf %mul3A_38, %get3A_37 : vector<2000x128xf32>
    %get3A_40 = arith.constant 0 : index
    %get3A_41 = arith.constant 0 : index
    %get3A_42 = vector.load %arg7[%get3A_40, %get3A_41] : memref<128x128xf32, #tpu.memory_space<vmem>>, vector<128x128xf32>
    %dot_general3A = arith.constant dense<0.000000e+00> : vector<2000x128xf32>
    %dot_general3A_43 = tpu.matmul %mul3A_39, %get3A_42, %dot_general3A {dimension_numbers = #tpu.dot_dimension_numbers<[1], [0], [0], [1], [0, 0, 1, 1], [], []>, transpose_lhs_hint = false} : vector<2000x128xf32>, vector<128x128xf32>, vector<2000x128xf32> -> vector<2000x128xf32>
    %get3A_44 = arith.constant 0 : index
    %get3A_45 = arith.constant 0 : index
    %get3A_46 = vector.load %arg8[%get3A_44, %get3A_45] : memref<1x128xf32, #tpu.memory_space<vmem>>, vector<1x128xf32>
    %mul3A_47 = vector.broadcast %div3A_22 : vector<2000x1xf32> to vector<2000x128xf32>
    %mul3A_48 = vector.broadcast %get3A_46 : vector<1x128xf32> to vector<2000x128xf32>
    %mul3A_49 = arith.mulf %mul3A_47, %mul3A_48 : vector<2000x128xf32>
    %add3A_50 = arith.addf %dot_general3A_43, %mul3A_49 : vector<2000x128xf32>
    %get3A_51 = arith.constant 0 : index
    %get3A_52 = arith.constant 0 : index
    %get3A_53 = vector.load %arg9[%get3A_51, %get3A_52] : memref<128x128xf32, #tpu.memory_space<vmem>>, vector<128x128xf32>
    %dot_general3A_54 = arith.constant dense<0.000000e+00> : vector<2000x128xf32>
    %dot_general3A_55 = tpu.matmul %add3A_34, %get3A_53, %dot_general3A_54 {dimension_numbers = #tpu.dot_dimension_numbers<[1], [0], [0], [1], [0, 0, 1, 1], [], []>, transpose_lhs_hint = false} : vector<2000x128xf32>, vector<128x128xf32>, vector<2000x128xf32> -> vector<2000x128xf32>
    %add3A_56 = arith.addf %add3A_50, %dot_general3A_55 : vector<2000x128xf32>
    %sub3A = arith.subf %mul3A_39, %add3A_56 : vector<2000x128xf32>
    %get3A_57 = arith.constant 0 : index
    %get3A_58 = arith.constant 0 : index
    %get3A_59 = arith.constant 0 : index
    %get3A_60 = vector.load %arg5[%get3A_57, %get3A_58, %get3A_59] : memref<2x2000x144xf32, #tpu.memory_space<vmem>>, vector<1x2000x144xf32>
    %get3A_61 = vector.shape_cast %get3A_60 : vector<1x2000x144xf32> to vector<2000x144xf32>
    %get3A_62 = arith.constant 1 : index
    %get3A_63 = arith.constant 0 : index
    %get3A_64 = arith.constant 0 : index
    %get3A_65 = vector.load %arg5[%get3A_62, %get3A_63, %get3A_64] : memref<2x2000x144xf32, #tpu.memory_space<vmem>>, vector<1x2000x144xf32>
    %get3A_66 = vector.shape_cast %get3A_65 : vector<1x2000x144xf32> to vector<2000x144xf32>
    %slice3A_67 = vector.extract_strided_slice %get3A_61 {offsets = [0, 128], sizes = [2000, 3], strides = [1, 1]} : vector<2000x144xf32> to vector<2000x3xf32>
    %slice3A_68 = vector.extract_strided_slice %get3A_66 {offsets = [0, 128], sizes = [2000, 3], strides = [1, 1]} : vector<2000x144xf32> to vector<2000x3xf32>
    %add3A_69 = arith.addf %slice3A_67, %slice3A_68 : vector<2000x3xf32>
    %slice3A_70 = vector.extract_strided_slice %get3A_61 {offsets = [0, 131], sizes = [2000, 1], strides = [1, 1]} : vector<2000x144xf32> to vector<2000x1xf32>
    %slice3A_71 = vector.extract_strided_slice %get3A_66 {offsets = [0, 131], sizes = [2000, 1], strides = [1, 1]} : vector<2000x144xf32> to vector<2000x1xf32>
    %add3A_72 = arith.addf %slice3A_70, %slice3A_71 : vector<2000x1xf32>
    %eq3A = arith.constant 0.000000e+00 : f32
    %eq3A_73 = vector.broadcast %eq3A : f32 to vector<2000x1xf32>
    %eq3A_74 = arith.cmpf oeq, %add3A_72, %eq3A_73 : vector<2000x1xf32>
    %jit3A = arith.constant 1.000000e+00 : f32
    %broadcast_in_dim3A = vector.broadcast %jit3A : f32 to vector<2000x1xf32>
    %select_n3A = arith.select %eq3A_74, %broadcast_in_dim3A, %add3A_72 : vector<2000x1xi1>, vector<2000x1xf32>
    %div3A_75 = vector.broadcast %select_n3A : vector<2000x1xf32> to vector<2000x3xf32>
    %div3A_76 = arith.divf %add3A_69, %div3A_75 : vector<2000x3xf32>
    %get3A_77 = arith.constant 0 : index
    %get3A_78 = arith.constant 0 : index
    %get3A_79 = vector.load %arg6[%get3A_77, %get3A_78] : memref<64x4xf32, #tpu.memory_space<vmem>>, vector<64x4xf32>
    %slice3A_80 = vector.extract_strided_slice %get3A_79 {offsets = [0, 0], sizes = [64, 3], strides = [1, 1]} : vector<64x4xf32> to vector<64x3xf32>
    %slice3A_81 = vector.extract_strided_slice %get3A_79 {offsets = [0, 3], sizes = [64, 1], strides = [1, 1]} : vector<64x4xf32> to vector<64x1xf32>
    %eq3A_82 = arith.constant 0.000000e+00 : f32
    %eq3A_83 = vector.broadcast %eq3A_82 : f32 to vector<64x1xf32>
    %eq3A_84 = arith.cmpf oeq, %slice3A_81, %eq3A_83 : vector<64x1xf32>
    %slice3A_85 = vector.extract_strided_slice %get3A_79 {offsets = [0, 3], sizes = [64, 1], strides = [1, 1]} : vector<64x4xf32> to vector<64x1xf32>
    %jit3A_86 = arith.constant 1.000000e+00 : f32
    %broadcast_in_dim3A_87 = vector.broadcast %jit3A_86 : f32 to vector<64x1xf32>
    %select_n3A_88 = arith.select %eq3A_84, %broadcast_in_dim3A_87, %slice3A_85 : vector<64x1xi1>, vector<64x1xf32>
    %div3A_89 = vector.broadcast %select_n3A_88 : vector<64x1xf32> to vector<64x3xf32>
    %div3A_90 = arith.divf %slice3A_80, %div3A_89 : vector<64x3xf32>
    %get3A_91 = arith.constant 0 : index
    %get3A_92 = arith.constant 0 : index
    %get3A_93 = vector.load %arg4[%get3A_91, %get3A_92] : memref<2000x1xi32, #tpu.memory_space<vmem>>, vector<2000x1xi32>
    %iota3A = tpu.iota {dimensions = array<i32: 1>} : vector<1x64xi32>
    %eq3A_94 = vector.broadcast %get3A_93 : vector<2000x1xi32> to vector<2000x64xi32>
    %eq3A_95 = vector.broadcast %iota3A : vector<1x64xi32> to vector<2000x64xi32>
    %eq3A_96 = arith.cmpi eq, %eq3A_94, %eq3A_95 : vector<2000x64xi32>
    %convert_element_type3A = arith.extui %eq3A_96 : vector<2000x64xi1> to vector<2000x64xi32>
    %convert_element_type3A_97 = arith.sitofp %convert_element_type3A : vector<2000x64xi32> to vector<2000x64xf32>
    %dot_general3A_98 = arith.constant dense<0.000000e+00> : vector<2000x3xf32>
    %dot_general3A_99 = tpu.matmul %convert_element_type3A_97, %div3A_90, %dot_general3A_98 {dimension_numbers = #tpu.dot_dimension_numbers<[1], [0], [0], [1], [0, 0, 1, 1], [], []>, transpose_lhs_hint = false} : vector<2000x64xf32>, vector<64x3xf32>, vector<2000x3xf32> -> vector<2000x3xf32>
    %sub3A_100 = arith.subf %div3A_76, %dot_general3A_99 : vector<2000x3xf32>
    %get3A_101 = arith.constant 0 : index
    %get3A_102 = arith.constant 0 : index
    %get3A_103 = vector.load %arg2[%get3A_101, %get3A_102] : memref<2000x3xf32, #tpu.memory_space<vmem>>, vector<2000x3xf32>
    %mul3A_104 = vector.broadcast %div3A_19 : vector<2000x1xf32> to vector<2000x3xf32>
    %mul3A_105 = arith.mulf %mul3A_104, %get3A_103 : vector<2000x3xf32>
    %add3A_106 = arith.addf %mul3A_105, %sub3A_100 : vector<2000x3xf32>
    %get3A_107 = arith.constant 0 : index
    %get3A_108 = arith.constant 0 : index
    %get3A_109 = vector.load %arg1[%get3A_107, %get3A_108] : memref<2000x128xf32, #tpu.memory_space<vmem>>, vector<2000x128xf32>
    %mul3A_110 = vector.broadcast %div3A_5 : vector<2000x1xf32> to vector<2000x128xf32>
    %mul3A_111 = arith.mulf %mul3A_110, %get3A_109 : vector<2000x128xf32>
    %mul3A_112 = vector.broadcast %div3A_12 : vector<2000x1xf32> to vector<2000x128xf32>
    %mul3A_113 = arith.mulf %mul3A_112, %sub3A : vector<2000x128xf32>
    %add3A_114 = arith.addf %mul3A_111, %mul3A_113 : vector<2000x128xf32>
    %swap3A = arith.constant 0 : index
    %swap3A_115 = arith.constant 0 : index
    %swap3A_116 = vector.load %arg10[%swap3A, %swap3A_115] : memref<2000x128xf32, #tpu.memory_space<vmem>>, vector<2000x128xf32>
    tpu.vector_store %arg10[%swap3A, %swap3A_115], %add3A_114 {strides = array<i32>} : memref<2000x128xf32, #tpu.memory_space<vmem>>, vector<2000x128xf32>,
    %get3A_117 = arith.constant 0 : index
    %get3A_118 = arith.constant 0 : index
    %get3A_119 = vector.load %arg2[%get3A_117, %get3A_118] : memref<2000x3xf32, #tpu.memory_space<vmem>>, vector<2000x3xf32>
    %mul3A_120 = vector.broadcast %div3A_5 : vector<2000x1xf32> to vector<2000x3xf32>
    %mul3A_121 = arith.mulf %mul3A_120, %get3A_119 : vector<2000x3xf32>
    %mul3A_122 = vector.broadcast %div3A_12 : vector<2000x1xf32> to vector<2000x3xf32>
    %mul3A_123 = arith.mulf %mul3A_122, %add3A_106 : vector<2000x3xf32>
    %add3A_124 = arith.addf %mul3A_121, %mul3A_123 : vector<2000x3xf32>
    %swap3A_125 = arith.constant 0 : index
    %swap3A_126 = arith.constant 0 : index
    %swap3A_127 = vector.load %arg11[%swap3A_125, %swap3A_126] : memref<2000x3xf32, #tpu.memory_space<vmem>>, vector<2000x3xf32>
    tpu.vector_store %arg11[%swap3A_125, %swap3A_126], %add3A_124 {strides = array<i32>} : memref<2000x3xf32, #tpu.memory_space<vmem>>, vector<2000x3xf32>,
    return
  }
  func.func @transform_0(%arg0: i32) -> (i32, i32) {
    %c0_i32 = arith.constant 0 : i32
    %c0_i32_0 = arith.constant 0 : i32
    return %arg0, %c0_i32 : i32, i32
  }
  func.func @transform_1(%arg0: i32) -> (i32, i32) {
    %c0_i32 = arith.constant 0 : i32
    %c0_i32_0 = arith.constant 0 : i32
    return %arg0, %c0_i32 : i32, i32
  }
  func.func @transform_2(%arg0: i32) -> (i32, i32) {
    %c0_i32 = arith.constant 0 : i32
    %c0_i32_0 = arith.constant 0 : i32
    return %arg0, %c0_i32 : i32, i32
  }
  func.func @transform_3(%arg0: i32) -> (i32, i32) {
    %c0_i32 = arith.constant 0 : i32
    %c0_i32_0 = arith.constant 0 : i32
    return %arg0, %c0_i32 : i32, i32
  }
  func.func @transform_4(%arg0: i32) -> (i32, i32, i32) {
    %c0_i32 = arith.constant 0 : i32
    %c0_i32_0 = arith.constant 0 : i32
    %c0_i32_1 = arith.constant 0 : i32
    return %c0_i32, %arg0, %c0_i32_0 : i32, i32, i32
  }
  func.func @transform_5(%arg0: i32) -> (i32, i32) {
    %c0_i32 = arith.constant 0 : i32
    %c0_i32_0 = arith.constant 0 : i32
    %c0_i32_1 = arith.constant 0 : i32
    return %c0_i32, %c0_i32_0 : i32, i32
  }
  func.func @transform_6(%arg0: i32) -> (i32, i32) {
    %c0_i32 = arith.constant 0 : i32
    %c0_i32_0 = arith.constant 0 : i32
    %c0_i32_1 = arith.constant 0 : i32
    return %c0_i32, %c0_i32_0 : i32, i32
  }
  func.func @transform_7(%arg0: i32) -> (i32, i32) {
    %c0_i32 = arith.constant 0 : i32
    %c0_i32_0 = arith.constant 0 : i32
    %c0_i32_1 = arith.constant 0 : i32
    return %c0_i32, %c0_i32_0 : i32, i32
  }
  func.func @transform_8(%arg0: i32) -> (i32, i32) {
    %c0_i32 = arith.constant 0 : i32
    %c0_i32_0 = arith.constant 0 : i32
    %c0_i32_1 = arith.constant 0 : i32
    return %c0_i32, %c0_i32_0 : i32, i32
  }
  func.func @transform_9(%arg0: i32) -> (i32, i32) {
    %c0_i32 = arith.constant 0 : i32
    %c0_i32_0 = arith.constant 0 : i32
    return %arg0, %c0_i32 : i32, i32
  }
  func.func @transform_10(%arg0: i32) -> (i32, i32) {
    %c0_i32 = arith.constant 0 : i32
    %c0_i32_0 = arith.constant 0 : i32
    return %arg0, %c0_i32 : i32, i32
  }
}

</mosaic_0001>

<sc_bundles>
// kernel: kernel.11.cloned.1.call-start
scs
__scs_entry_jumppad:
0x0: {  	(pc) =	sbr.rel $0x88, $3  }
0x1: {  	(tag) =	ssettag $0x0;
	lr =	simm.s32 $0x1  }
0x2: {  	[smem:$0x3F98] =	sst lr;
	_ =	strace $0xD0000000  }
0x3: {  	_ = 	snop  }
0x4: {  	_ = 	snop  }
0x5: {  	_ = 	snop  }
0x6: {  	_ = 	snop  }
0x7: {  	_ = 	snop  }
__scs_overlays_trampoline_lowered:
0x8: {  	[smem:$0x3FA7] =	sst s0  }
0x9: {  	[smem:$0x3FA8] =	sst s1  }
0xa: {  	[smem:$0x3FA9] =	sst s2  }
0xb: {  	[smem:$0x3FAA] =	sst s3  }
0xc: {  	[smem:$0x3FAB] =	sst s4  }
0xd: {  	[smem:$0x3FAC] =	sst s5  }
0xe: {  	[smem:$0x3FAD] =	sst s6  }
0xf: {  	[smem:$0x3FAE] =	sst s7  }
0x10: {  	[smem:$0x3FAF] =	sst s8  }
0x11: {  	[smem:$0x3FB0] =	sst s9;
	s0 =	simm.s32 @!p0 $0x0  }
0x12: {  	s1 =	sld [smem:$0x3F96];
	s0 =	simm.s32 @p0 $0x1  }
0x13: {  	[smem:$0x3FB1] =	sst s0;
	s0 =	simm.s32 @!p1 $0x0  }
0x14: {  	s2 =	sld [smem:$0x3F95];
	s0 =	simm.s32 @p1 $0x1  }
0x15: {  	[smem:$0x3FB2] =	sst s0;
	s0 =	simm.s32 @!p2 $0x0  }
0x16: {  	s3 =	sld [smem:$0x3FDB];
	s0 =	simm.s32 @p2 $0x1  }
0x17: {  	s4 =	simm.s32 $0x1BF5;
	[smem:$0x3FB4] =	sst s0  }
0x18: {  	s0 =	sld [smem:$0x3F97];
	_ =	swait.ge [sflag:s4], $0x0  }
0x19: {  	s7 =	sld [smem:$0x3F98]  }
0x1a: {  	s8 =	sadd.s32 $0xFFFFE003, lr  }
0x1b: {  	s9 =	sadd.s32 $0xFFFFFEF7, lr;
	s5 =	simm.s32 $0xFFFFFFFF;
	p2 =	slt.u32 s8, $0xFFFFF086  }
0x1c: {  	p1 =	slt.u32 s9, $0xF7A;
	s5 =	simm.s32 @!p2 $0x0  }
0x1d: {  	s5 =	simm.s32 @p1 $0x1;
	p0 =	seq.s32 s7, s2  }
0x1e: {  	s7 =	smul.u32 @!p0 $0xF7A, s2;
	p2 =	seq.s32 @!p0 s5, $0x0  }
0x1f: {  	s9 =	smul.u32 $0xF7A, s1;
	s8 =	simm.s32 @!p0 $0x1BF5;
	p2 =	por !p2, p0  }
0x20: {  	[sflag:s8] =	ssyncset.s32 @!p0 $0xFFFFF086;
	s6 =	sadd.s32 @!p0 s3, s7;
	s7 =	simm.s32 @!p0 $0x108  }
0x21: {  	s3 =	sadd.s32 s3, s9;
	s6 =	sadd.s32 @!p0 $0x88, s6;
	s7 =	simm.s32 @p2 $0x1082  }
0x22: {  	[simem:s7], [sflag:s8] =	dma.local @!p0 [hbm:s6], $0xF7A  }
0x23: {  	s9 =	sor.u32 $0xD0000000, s2;
	s6 =	simm.s32 $0x108;
	_ =	swait.ge @!p0 [sflag:s8], $0x0  }
0x24: {  	s3 =	sadd.s32 $0x88, s3;
	s6 =	simm.s32 @!p1 $0x1082;
	[sflag:s4] =	ssyncset.s32 $0xFFFFF086  }
0x25: {  	[simem:s6], [sflag:s4] =	dma.local [hbm:s3], $0xF7A  }
0x26: {  	[smem:$0x3F98] =	sst s1;
	(tag) =	ssettag s2;
	_ =	strace s9  }
0x27: {  	s1 =	sld [smem:$0x3FA8]  }
0x28: {  	s2 =	sld [smem:$0x3FA9]  }
0x29: {  	s4 =	sld [smem:$0x3FAB]  }
0x2a: {  	p0 =	seq.s32 s5, $0x0;
	s5 =	sld [smem:$0x3FAC]  }
0x2b: {  	s6 =	sld [smem:$0x3FAD]  }
0x2c: {  	s7 =	sld [smem:$0x3FAE]  }
0x2d: {  	s3 =	simm.s32 $0x108;
	s8 =	sld [smem:$0x3FAF]  }
0x2e: {  	s3 =	simm.s32 @!p0 $0x1082;
	s9 =	sld [smem:$0x3FB0]  }
0x2f: {  	lr =	sadd.s32 s0, s3;
	s0 =	sld [smem:$0x3FA7]  }
0x30: {  	s3 =	sld [smem:$0x3FAA]  }
0x31: {  	[smem:$0x3FB3] =	sst s10  }
0x32: {  	s10 =	sld [smem:$0x3FB1];
	_ =	sdelay $0x3  }
0x33: {  	p0 =	seq.s32 s10, $0x1;
	s10 =	sld [smem:$0x3FB3];
	_ =	sdelay $0x3  }
0x34: {  	[smem:$0x3FB3] =	sst s10  }
0x35: {  	s10 =	sld [smem:$0x3FB2];
	_ =	sdelay $0x3  }
0x36: {  	p1 =	seq.s32 s10, $0x1;
	s10 =	sld [smem:$0x3FB3];
	_ =	sdelay $0x3  }
0x37: {  	[smem:$0x3FB3] =	sst s10  }
0x38: {  	s10 =	sld [smem:$0x3FB4]  }
0x39: {  	_ = 	snop;
	(pc) =	sbr.ind lr, $3  }
0x3a: {  	_ = 	snop  }
0x3b: {  	_ = 	snop  }
0x3c: {  	p2 =	seq.s32 s10, $0x1;
	s10 =	sld [smem:$0x3FB3]  }
0x3d: {  	_ =	shalt  }
0x3e: {  	_ =	shalt  }
0x3f: {  	_ =	shalt  }
0x40: {  	_ =	shalt  }
0x41: {  	_ =	shalt  }
0x42: {  	_ =	shalt  }
0x43: {  	_ =	shalt  }
0x44: {  	_ =	shalt  }
0x45: {  	_ =	shalt  }
0x46: {  	_ =	shalt  }
0x47: {  	_ =	shalt  }
0x48: {  	_ =	shalt  }
0x49: {  	_ =	shalt  }
0x4a: {  	_ =	shalt  }
0x4b: {  	_ =	shalt  }
0x4c: {  	_ =	shalt  }
0x4d: {  	_ =	shalt  }
0x4e: {  	_ =	shalt  }
0x4f: {  	_ =	shalt  }
0x50: {  	_ =	shalt  }
0x51: {  	_ =	shalt  }
0x52: {  	_ =	shalt  }
0x53: {  	_ =	shalt  }
0x54: {  	_ =	shalt  }
0x55: {  	_ =	shalt  }
0x56: {  	_ =	shalt  }
0x57: {  	_ =	shalt  }
0x58: {  	_ =	shalt  }
0x59: {  	_ =	shalt  }
0x5a: {  	_ =	shalt  }
0x5b: {  	_ =	shalt  }
0x5c: {  	_ =	shalt  }
0x5d: {  	_ =	shalt  }
0x5e: {  	_ =	shalt  }
0x5f: {  	_ =	shalt  }
0x60: {  	_ =	shalt  }
0x61: {  	_ =	shalt  }
0x62: {  	_ =	shalt  }
0x63: {  	_ =	shalt  }
0x64: {  	_ =	shalt  }
0x65: {  	_ =	shalt  }
0x66: {  	_ =	shalt  }
0x67: {  	_ =	shalt  }
0x68: {  	_ =	shalt  }
0x69: {  	_ =	shalt  }
0x6a: {  	_ =	shalt  }
0x6b: {  	_ =	shalt  }
0x6c: {  	_ =	shalt  }
0x6d: {  	_ =	shalt  }
0x6e: {  	_ =	shalt  }
0x6f: {  	_ =	shalt  }
0x70: {  	_ =	shalt  }
0x71: {  	_ =	shalt  }
0x72: {  	_ =	shalt  }
0x73: {  	_ =	shalt  }
0x74: {  	_ =	shalt  }
0x75: {  	_ =	shalt  }
0x76: {  	_ =	shalt  }
0x77: {  	_ =	shalt  }
0x78: {  	_ =	shalt  }
0x79: {  	_ =	shalt  }
0x7a: {  	_ =	shalt  }
0x7b: {  	_ =	shalt  }
0x7c: {  	_ =	shalt  }
0x7d: {  	_ =	shalt  }
0x7e: {  	_ =	shalt  }
0x7f: {  	_ =	shalt  }
0x80: {  	_ =	shalt  }
0x81: {  	_ =	shalt  }
0x82: {  	_ =	shalt  }
0x83: {  	_ =	shalt  }
0x84: {  	_ =	shalt  }
0x85: {  	_ =	shalt  }
0x86: {  	_ =	shalt  }
0x87: {  	_ =	shalt  }
.Lfunc_end0:
.L_simem_size_0:
called_computation.1_lowered:
.L_overlay_start_0:
0x88: {  	s2 =	sld [smem:$0x3FD9]  }
0x89: {  	s3 =	sld [smem:$0x3FFE];
	_ =	sdelay $0x1  }
0x8a: {  	s1 =	srdreg.scid  }
0x8b: {  	s0 =	sand.u32 $0x1, s1  }
0x8c: {  	s16 =	sshll.u32 s0, $0xA;
	s2 =	sadd.s32 s3, s2  }
0x8d: {  	s2 =	sadd.s32 s2, s16  }
0x8e: {  	[smem:$0x3FBF] =	sst s2  }
0x8f: {  	_ = 	snop  }
0x90: {  	(tm) =	ssettm $0x1  }
0x91: {  	s17 =	sld [smem:$0x3FFB];
	_ =	sdelay $0x3  }
0x92: {  	_ =	strace s17  }
0x93: {  	s2 =	sld [smem:$0x3FFC];
	_ =	sdelay $0x3  }
0x94: {  	_ =	strace s2  }
0x95: {  	s2 =	sld [smem:$0x3FFD];
	_ =	sdelay $0x3  }
0x96: {  	_ =	strace s2  }
0x97: {  	_ =	strace $0x8FFFFFFF  }
0x98: {  	s18 =	sld [smem:$0x3FDB];
	_ =	sdelay $0x1  }
0x99: {  	s19 =	simm.s32 $_scs_section_size  }
0x9a: {  	s4 =	simm.s32 $_size__tile_overlayer_lowered;
	s5 =	simm.s32 $_tile_overlayer_lowered  }
0x9b: {  	s22 =	simm.s32 $0x1BFF;
	s21 =	sshll.u32 s5, $0x1;
	s2 =	sadd.s32 s19, s18  }
0x9c: {  	s6 =	simm.s32 $0x0;
	s20 =	sshll.u32 s4, $0x1;
	s4 =	sadd.s32 s21, s2  }
0x9d: {  	[timem:s6], [sflag:s22] =	dma.local [hbm:s4], s20  }
0x9e: {  	_ =	swait.ge [sflag:s22], s20  }
0x9f: {  	s3 =	ssub.s32 $0x0, s20;
	[sflag:s22] =	ssyncset.done $0x0  }
0xa0: {  	[sflag:s22] =	ssyncadd.s32 s3;
	_ =	sdelay $0x1  }
0xa1: {  	s23 =	simm.s32 $0x1B8B  }
0xa2: {  	_ =	swait.ge [sflag:s23], $0x1  }
0xa3: {  	[sflag:s23] =	ssyncset.done $0x0  }
0xa4: {  	s25 =	simm.s32 $0x1B8E;
	s24 =	sld [smem:$0x3FFE];
	[sflag:s23] =	ssyncadd.s32 $0xFFFFFFFF  }
0xa5: {  	s26 =	simm.s32 $execute0_lowered;
	[smem:$0x3FD2] =	sst s25  }
0xa6: {  	s4 =	sshll.u32 s26, $0x1;
	_ =	strace $0x80000049;
	[dreg:$0x1] =	wrdreg $0xFFFFFFFF  }
0xa7: {  	s28 =	simm.s32 $_size_execute0_lowered;
	s2 =	sadd.s32 s2, s4;
	[dreg:$0x0] =	wrdreg $0x0  }
0xa8: {  	s4 =	sshll.u32 s28, $0x1;
	[dreg:$0x2] =	wrdreg s2  }
0xa9: {  	[dreg:$0x3] =	wrdreg s4  }
0xaa: {  	[dreg:$0x4] =	wrdreg $0xC0  }
0xab: {  	_ =	task [dreg:s6], $0x5FFFF  }
0xac: {  	[dreg:$0x1] =	wrdreg $0xFFFFFFFF  }
0xad: {  	[dreg:$0x0] =	wrdreg $0x60  }
0xae: {  	[dreg:$0x2] =	wrdreg s24  }
0xaf: {  	[dreg:$0x3] =	wrdreg $0x8F200  }
0xb0: {  	[dreg:$0x4] =	wrdreg $0x9  }
0xb1: {  	_ =	task.clear_ibuf [dreg:s6], $0x5FFFF;
	_ =	strace $0x90000049  }
0xb2: {  	s29 =	simm.s32 $0x9;
	_ =	strace $0x8000004B  }
0xb3: {  	_ =	swait.ge [sflag:s29], $0x1  }
0xb4: {  	[sflag:s29] =	ssyncadd.s32 $0xFFFFFFFF  }
0xb5: {  	_ =	strace $0x9000004B  }
0xb6: {  	_ =	sfence  }
0xb7: {  	s30 =	sld [smem:$0x0];
	_ =	sdelay $0x2  }
0xb8: {  	s31 =	sshll.u32 s1, $0xD;
	s1 =	sshrl.u32 s1, $0x2  }
0xb9: {  	s3 =	sand.u32 $0x4000, s31;
	s1 =	sadd.s32 s1, s30  }
0xba: {  	s0 =	sor.u32 s3, s0;
	s1 =	sshll.u32 s1, $0x11  }
0xbb: {  	s0 =	sor.u32 s1, s0  }
0xbc: {  	s0 =	sadd.s32 $0x8F2B, s0  }
0xbd: {  	[sflag:s0] =	ssyncadd.remote.s32 $0x1  }
0xbe: {  	_ =	sfence.sel $0xFFFF  }
0xbf: {  	[dreg:$0x0] =	wrdreg $0xFFFFFFFF;
	(pc) =	sbr.abs _section_cstart, $3  }
0xc0: {  	[dreg:$0x1] =	wrdreg $0xFFFFFFFF  }
0xc1: {  	_ =	task.clear_ibuf [dreg:s6], $0x2FFFF;
	_ =	strace $0x9FFFFFFF  }
0xc2: {  	(tm) =	ssettm $0x7FFFFFFF  }
0xc3: {  	_ =	shalt  }
tec
execute0_lowered:
.L_overlay_start_1:
0x0: {  	(tag) =	ssettag $0x1  }
0x1: {  	s5 =	rddreg [dreg:$0x0]  }
0x2: {  	s0 =	srdreg.scid;
	s2 =	rddreg [dreg:$0x1];
	s3 =	simm.s32 $0x0  }
0x3: {  	s15 =	simm.s32 $0x5410;
	s16 =	simm.s32 $0x1;
	s4 =	sand.u32 $0x1, s0  }
0x4: {  	s17 =	simm.s32 $0x50;
	s0 =	stileid.u32;
	s8 =	smul.u32 $0x15F900, s4  }
0x5: {  	s18 =	simm.s32 $0x2;
	s19 =	simm.s32 $0x2620;
	s9 =	smul.u32 $0x15F90, s0  }
0x6: {  	s20 =	simm.s32 $0x2670;
	s21 =	simm.s32 $0x26C0;
	s26 =	smul.u32 $0x57E40, s0  }
0x7: {  	s22 =	simm.s32 $0x0;
	s1 =	sshll.u32 s4, $0x4;
	s13 =	smul.u32 $0x2BF200, s4  }
0x8: {  	[smem:$0x7FF] =	sst s3;
	s14 =	smul.u32 $0x2BF20, s0;
	s6 =	sor.u32 s0, s1  }
0x9: {  	s10 =	sadd.s32 $0x6AC00, s5;
	s11 =	ssub.s32 $0x2, s4;
	s7 =	smul.u32 $0x2710, s6  }
0xa: {  	s1 =	rddreg [dreg:$0x2];
	_ =	strace $0x8000004A;
	s24 =	smul.u32 $0x2BF20, s6  }
0xb: {  	s25 =	sshrl.u32 s11, $0x1;
	s8 =	sadd.s32 s9, s8;
	s6 =	smul.u32 $0x15F900, s6  }
0xc: {  	s11 =	ssub.s32 s11, s25;
	s29 =	sadd.s32 s13, s10;
	s30 =	sshrl.u32 s26, $0x2  }
0xd: {  	s13 =	simm.s32 $0x3;
	s8 =	sshrl.u32 s8, $0x3;
	s31 =	sadd.s32 s14, s29  }
0xe: {  	s9 =	sadd.s32 s30, s2;
	s14 =	simm.s32 $0x2710;
	s7 =	sshrl.u32 s7, $0x3  }
0xf: {  	s12 =	sadd.s32 s8, s5;
	s28 =	sshrl.u32 s6, $0x3;
	s7 =	sadd.s32 s7, s5  }
0x10: {  	s6 =	sadd.s32 s10, s28;
	s5 =	sadd.s32 s10, s24;
	s10 =	sadd.s32 $0x10E0, s31  }
0x11: {  	s4 =	sadd.s32 $0x60E00, s7;
	s6 =	sadd.s32 $0x5A0, s6;
	s7 =	smax.u32 s11, $0x1  }
0x12: {  	v0 =	vimm.f32 $0.0e+00;
	s8 =	sadd.s32 $0x2B980, s5;
	s11 =	sadd.s32 $0x5E9000, s12;
	s12 =	simm.s32 $0x8110  }
.LBB2_1:
0x13: {  	s23 =	simm.s32 $0x0;
	s24 =	simm.s32 $0x240  }
.LBB2_2:
0x14: {  	p0 =	sne.s32 s24, $0x3600;
	[tilespmem:s23+$0x8190] =	vst v0  }
0x15: {  	[tilespmem:s23+$0x8110] =	vst v0  }
0x16: {  	[tilespmem:s23+$0x8120] =	vst v0  }
0x17: {  	[tilespmem:s23+$0x8130] =	vst v0  }
.Ltmp0:
0x18: {  	[tilespmem:s23+$0x8140] =	vst v0;
	(pc) =	sbr.rel @p0 .LBB2_2-.Ltmp0, $4  }
0x19: {  	[tilespmem:s23+$0x8150] =	vst v0  }
0x1a: {  	[tilespmem:s23+$0x8160] =	vst v0  }
0x1b: {  	[tilespmem:s23+$0x8170] =	vst v0  }
0x1c: {  	[tilespmem:s23+$0x8180] =	vst v0;
	s23 =	sshra.s32 s24, $0x2;
	s24 =	sadd.s32 $0x240, s24  }
0x1d: {  	[tilespmem:s23+$0x8190] =	vst v0  }
0x1e: {  	[tilespmem:s23+$0x8110] =	vst v0  }
0x1f: {  	[tilespmem:s23+$0x8120] =	vst v0  }
0x20: {  	[tilespmem:s23+$0x8130] =	vst v0  }
0x21: {  	[tilespmem:s23+$0x8140] =	vst v0  }
0x22: {  	[tilespmem:s23+$0x8150] =	vst v0  }
0x23: {  	[tilespmem:s23+$0x8160] =	vst v0  }
0x24: {  	[tilespmem:s23+$0x8170] =	vst v0  }
0x25: {  	[tilespmem:s23+$0x8180] =	vst v0;
	s31 =	sadd.s32 $0x0, s9  }
0x26: {  	[spmem:s31] =	stream.linear.scatter [tilespmem:s12], [sflag:$0x3], $0xE10, $0x38;
	[tilespmem:$0x1EEB0] =	vst v63  }
0x27: {  	s23 =	simm.s32 $0x3840;
	_ =	swait.ge [sflag:s13], $0xE10  }
.LBB2_4:
0x28: {  	s24 =	sshra.s32 s23, $0x2;
	[sflag:s13] =	ssyncset.done $0x0;
	p0 =	sne.s32 s23, $0x54600  }
.Ltmp1:
0x29: {  	s24 =	sadd.s32 s24, s9;
	[sflag:s13] =	ssyncadd.s32 $0xFFFFF1F0;
	(pc) =	sbr.rel @p0 .LBB2_4-.Ltmp1, $3  }
0x2a: {  	[spmem:s24] =	stream.linear.scatter [tilespmem:s12], [sflag:$0x3], $0xE10, $0x38;
	[tilespmem:$0x1EEB0] =	vst v63  }
0x2b: {  	s23 =	sadd.s32 $0x3840, s23;
	_ =	sdelay $0x1  }
0x2c: {  	_ =	swait.ge [sflag:s13], $0xE10  }
0x2d: {  	[sflag:s13] =	ssyncset.done $0x0  }
0x2e: {  	s23 =	simm.s32 $0x0;
	[sflag:s13] =	ssyncadd.s32 $0xFFFFF1F0  }
0x2f: {  	[tilespmem:s23], [sflag:$0x3] =	stream.linear.gather [hbm4b:s4+s23], $0x2710, $0x38;
	[tilespmem:$0x1EEB0] =	vst v63  }
0x30: {  	_ =	swait.ge [sflag:s13], $0x2710  }
0x31: {  	[sflag:s13] =	ssyncset.done $0x0  }
0x32: {  	[sflag:s13] =	ssyncadd.s32 $0xFFFFD8F0  }
0x33: {  	[bflag:$0x0] =	sbarrier.arrive $0xFFFF  }
0x34: {  	[tilespmem:s14], [sflag:$0x1] =	stream.linear.gather [hbm4b:s5+s23], $0x2D00, $0x38;
	[tilespmem:$0x1EEB0] =	vst v63  }
0x35: {  	_ = 	snop  }
0x36: {  	[tilespmem:s15], [sflag:$0x2] =	stream.linear.gather [hbm4b:s6+s23], $0x2D00, $0x38;
	[tilespmem:$0x1EEB0] =	vst v63  }
0x37: {  	_ =	swait.ge [sflag:s16], $0x2D00  }
0x38: {  	[sflag:s16] =	ssyncset.done $0x0  }
0x39: {  	s29 =	simm.s32 $0x0;
	[sflag:s16] =	ssyncadd.s32 $0xFFFFD300  }
0x3a: {  	[spmem:s2] =	stream.indirect.scatter.add.f32 [tilespmem:s14], [sflag:$0x3], $0x90, s29, s17, $0xb8;
	[tilespmem:$0x1EEB0] =	vst v63  }
0x3b: {  	_ =	swait.ge [sflag:s13], $0x2D00  }
0x3c: {  	[sflag:s13] =	ssyncset.done $0x0  }
0x3d: {  	s30 =	sadd.s32 $0xFFFFFA60, s10;
	[sflag:s13] =	ssyncadd.s32 $0xFFFFD300  }
0x3e: {  	[tilespmem:s14], [sflag:$0x1] =	stream.linear.gather [hbm4b:s30+s3], $0x2D00, $0x38;
	[tilespmem:$0x1EEB0] =	vst v63  }
0x3f: {  	_ =	swait.ge [sflag:s18], $0x2D00  }
0x40: {  	[sflag:s18] =	ssyncset.done $0x0  }
0x41: {  	s31 =	simm.s32 $0x50;
	[sflag:s18] =	ssyncadd.s32 $0xFFFFD300  }
0x42: {  	[spmem:s2] =	stream.indirect.scatter.add.f32 [tilespmem:s15], [sflag:$0x3], $0x90, s31, s17, $0xb8;
	[tilespmem:$0x1EEB0] =	vst v63  }
0x43: {  	_ =	swait.ge [sflag:s13], $0x2D00  }
0x44: {  	s24 =	sadd.s32 $0xB40, s10;
	[sflag:s13] =	ssyncset.done $0x0  }
0x45: {  	s25 =	smov.u32 s10;
	s23 =	simm.s32 $0x280;
	[sflag:s13] =	ssyncadd.s32 $0xFFFFD300  }
.LBB2_6:
0x46: {  	[tilespmem:s15], [sflag:$0x2] =	stream.linear.gather [hbm4b:s25+s3], $0x2D00, $0x38;
	[tilespmem:$0x1EEB0] =	vst v63  }
0x47: {  	s26 =	smov.u32 s23;
	s25 =	smov.u32 s24  }
0x48: {  	p0 =	sne.s32 s23, $0x9600;
	s23 =	sadd.s32 $0x280, s23;
	_ =	swait.ge [sflag:s16], $0x2D00  }
0x49: {  	[sflag:s16] =	ssyncset.done $0x0  }
0x4a: {  	s26 =	sshra.s32 s26, $0x2;
	[sflag:s16] =	ssyncadd.s32 $0xFFFFD300  }
0x4b: {  	[spmem:s2] =	stream.indirect.scatter.add.f32 [tilespmem:s14], [sflag:$0x3], $0x90, s26, s17, $0xb8;
	[tilespmem:$0x1EEB0] =	vst v63  }
0x4c: {  	_ =	swait.ge [sflag:s13], $0x2D00  }
0x4d: {  	[sflag:s13] =	ssyncset.done $0x0  }
0x4e: {  	s28 =	sadd.s32 $0xFFFFFA60, s24;
	[sflag:s13] =	ssyncadd.s32 $0xFFFFD300  }
0x4f: {  	[tilespmem:s14], [sflag:$0x1] =	stream.linear.gather [hbm4b:s28+s3], $0x2D00, $0x38;
	[tilespmem:$0x1EEB0] =	vst v63  }
0x50: {  	_ =	swait.ge [sflag:s18], $0x2D00  }
0x51: {  	[sflag:s18] =	ssyncset.done $0x0  }
.Ltmp2:
0x52: {  	s26 =	sadd.s32 $0x50, s26;
	[sflag:s18] =	ssyncadd.s32 $0xFFFFD300;
	(pc) =	sbr.rel @p0 .LBB2_6-.Ltmp2, $4  }
0x53: {  	[spmem:s2] =	stream.indirect.scatter.add.f32 [tilespmem:s15], [sflag:$0x3], $0x90, s26, s17, $0xb8;
	[tilespmem:$0x1EEB0] =	vst v63  }
0x54: {  	_ =	swait.ge [sflag:s13], $0x2D00  }
0x55: {  	[sflag:s13] =	ssyncset.done $0x0  }
0x56: {  	s24 =	sadd.s32 $0xB40, s24;
	[sflag:s13] =	ssyncadd.s32 $0xFFFFD300  }
0x57: {  	[tilespmem:s15], [sflag:$0x2] =	stream.linear.gather [hbm4b:s25+s3], $0x2D00, $0x38;
	[tilespmem:$0x1EEB0] =	vst v63  }
0x58: {  	_ =	swait.ge [sflag:s16], $0x2D00  }
0x59: {  	[sflag:s16] =	ssyncset.done $0x0  }
0x5a: {  	[sflag:s16] =	ssyncadd.s32 $0xFFFFD300  }
0x5b: {  	[spmem:s2] =	stream.indirect.scatter.add.f32 [tilespmem:s14], [sflag:$0x3], $0x90, s19, s17, $0xb8;
	[tilespmem:$0x1EEB0] =	vst v63  }
0x5c: {  	_ =	swait.ge [sflag:s13], $0x2D00  }
0x5d: {  	[sflag:s13] =	ssyncset.done $0x0  }
0x5e: {  	s23 =	simm.s32 $0x0;
	[sflag:s13] =	ssyncadd.s32 $0xFFFFD300  }
0x5f: {  	[tilespmem:s14], [sflag:$0x1] =	stream.linear.gather [hbm4b:s8+s23], $0x2D00, $0x38;
	[tilespmem:$0x1EEB0] =	vst v63  }
0x60: {  	_ =	swait.ge [sflag:s18], $0x2D00  }
0x61: {  	[sflag:s18] =	ssyncset.done $0x0  }
0x62: {  	[sflag:s18] =	ssyncadd.s32 $0xFFFFD300  }
0x63: {  	[spmem:s2] =	stream.indirect.scatter.add.f32 [tilespmem:s15], [sflag:$0x3], $0x90, s20, s17, $0xb8;
	[tilespmem:$0x1EEB0] =	vst v63  }
0x64: {  	_ =	swait.ge [sflag:s13], $0x2D00  }
0x65: {  	[sflag:s13] =	ssyncset.done $0x0  }
0x66: {  	[sflag:s13] =	ssyncadd.s32 $0xFFFFD300  }
0x67: {  	_ =	swait.ge [sflag:s16], $0x2D00  }
0x68: {  	[sflag:s16] =	ssyncset.done $0x0  }
0x69: {  	[sflag:s16] =	ssyncadd.s32 $0xFFFFD300  }
0x6a: {  	[spmem:s2] =	stream.indirect.scatter.add.f32 [tilespmem:s14], [sflag:$0x3], $0x90, s21, s17, $0xb8;
	[tilespmem:$0x1EEB0] =	vst v63  }
0x6b: {  	_ =	swait.ge [sflag:s13], $0x2D00  }
0x6c: {  	[sflag:s13] =	ssyncset.done $0x0  }
0x6d: {  	s30 =	sshll.u32 s0, $0x6;
	s24 =	sadd.s32 $0x0, s11;
	[sflag:s13] =	ssyncadd.s32 $0xFFFFD300  }
0x6e: {  	s31 =	sshrl.u32 s9, $0x3;
	s23 =	sor.u32 $0x1C03, s30;
	[bflag:$0x0] =	sbarrier.arrive $0xFFFF  }
0x6f: {  	[hbm:s24], [sflag:s23] =	dma.local [spmem:s31], $0x1C2  }
0x70: {  	s25 =	sadd.s32 $0xE10, s9;
	s24 =	simm.s32 $0x1C2;
	_ =	swait.ge [sflag:s13], $0x1C2  }
.LBB2_8:
0x71: {  	s26 =	sadd.s32 s24, s11;
	[sflag:s13] =	ssyncset.done $0x0;
	p0 =	sne.s32 s24, $0x2A30  }
.Ltmp3:
0x72: {  	s28 =	sshrl.u32 s25, $0x3;
	[sflag:s13] =	ssyncadd.s32 $0xFFFFFE3E;
	(pc) =	sbr.rel @p0 .LBB2_8-.Ltmp3, $3  }
0x73: {  	[hbm:s26], [sflag:s23] =	dma.local [spmem:s28], $0x1C2  }
0x74: {  	s24 =	sadd.s32 $0x1C2, s24;
	_ =	sdelay $0x1  }
0x75: {  	s25 =	sadd.s32 $0xE10, s25;
	_ =	swait.ge [sflag:s13], $0x1C2  }
0x76: {  	s22 =	sadd.s32 $0x1, s22  }
0x77: {  	p0 =	sne.s32 s22, s7  }
.Ltmp4:
0x78: {  	_ = 	snop;
	(pc) =	sbr.rel @p0 .LBB2_1-.Ltmp4, $3  }
0x79: {  	_ =	sdelay $0x1  }
0x7a: {  	[sflag:s13] =	ssyncset.done $0x0  }
0x7b: {  	[sflag:s13] =	ssyncadd.s32 $0xFFFFFE3E  }
0x7c: {  	_ =	sfence.sel $0x180000  }
0x7d: {  	[bflag:$0x0] =	sbarrier.arrive $0xFFFF  }
0x7e: {  	p0 =	sne.s32 s0, $0x0;
	_ =	strace $0x9000004A  }
0x7f: {  	s0 =	sadd.s32 @!p0 $0x100000, s1;
	[bflag:$0x2] =	sbarrier.arrive $0xFFFF  }
0x80: {  	[sflag:s0] =	ssyncadd.tile.s32 @!p0 $0x1;
	_ =	shalt  }
.Lfunc_end2:
_tile_overlayer_lowered:
.L_overlay_start_2:
0x81: {  	(tag) =	ssettag $0x2  }
0x82: {  	s0 =	rddreg [dreg:$0x0];
	s2 =	stileid.u32  }
0x83: {  	s1 =	rddreg [dreg:$0x1];
	p0 =	sne.s32 s2, $0x0  }
0x84: {  	s3 =	rddreg [dreg:$0x2];
	[bflag:$0x3] =	sbarrier.arrive $0xFFFF;
	s2 =	simm.s32 @!p0 $0x1C03  }
0x85: {  	[timem:s3], [sflag:s2] =	dma.local @!p0 [hbm:s0], s1  }
0x86: {  	s0 =	simm.s32 @!p0 $0x3  }
0x87: {  	_ =	swait.ge @!p0 [sflag:s0], s1  }
0x88: {  	s1 =	ssub.s32 @!p0 $0x0, s1;
	[sflag:s0] =	ssyncset.done @!p0 $0x0  }
0x89: {  	[sflag:s0] =	ssyncadd.s32 @!p0 s1  }
0x8a: {  	[bflag:$0x3] =	sbarrier.arrive $0xFFFF  }
0x8b: {  	_ =	shalt  }

// kernel: kernel.8.cloned.1.call-start
scs
__scs_entry_jumppad:
0x0: {  	(pc) =	sbr.rel $0x88, $3  }
0x1: {  	(tag) =	ssettag $0x0;
	lr =	simm.s32 $0x1  }
0x2: {  	[smem:$0x3F98] =	sst lr;
	_ =	strace $0xD0000000  }
0x3: {  	_ = 	snop  }
0x4: {  	_ = 	snop  }
0x5: {  	_ = 	snop  }
0x6: {  	_ = 	snop  }
0x7: {  	_ = 	snop  }
__scs_overlays_trampoline_lowered:
0x8: {  	[smem:$0x3FA7] =	sst s0  }
0x9: {  	[smem:$0x3FA8] =	sst s1  }
0xa: {  	[smem:$0x3FA9] =	sst s2  }
0xb: {  	[smem:$0x3FAA] =	sst s3  }
0xc: {  	[smem:$0x3FAB] =	sst s4  }
0xd: {  	[smem:$0x3FAC] =	sst s5  }
0xe: {  	[smem:$0x3FAD] =	sst s6  }
0xf: {  	[smem:$0x3FAE] =	sst s7  }
0x10: {  	[smem:$0x3FAF] =	sst s8  }
0x11: {  	[smem:$0x3FB0] =	sst s9;
	s0 =	simm.s32 @!p0 $0x0  }
0x12: {  	s1 =	sld [smem:$0x3F96];
	s0 =	simm.s32 @p0 $0x1  }
0x13: {  	[smem:$0x3FB1] =	sst s0;
	s0 =	simm.s32 @!p1 $0x0  }
0x14: {  	s2 =	sld [smem:$0x3F95];
	s0 =	simm.s32 @p1 $0x1  }
0x15: {  	[smem:$0x3FB2] =	sst s0;
	s0 =	simm.s32 @!p2 $0x0  }
0x16: {  	s3 =	sld [smem:$0x3FDB];
	s0 =	simm.s32 @p2 $0x1  }
0x17: {  	s4 =	simm.s32 $0x1BF5;
	[smem:$0x3FB4] =	sst s0  }
0x18: {  	s0 =	sld [smem:$0x3F97];
	_ =	swait.ge [sflag:s4], $0x0  }
0x19: {  	s7 =	sld [smem:$0x3F98]  }
0x1a: {  	s8 =	sadd.s32 $0xFFFFE003, lr  }
0x1b: {  	s9 =	sadd.s32 $0xFFFFFEF7, lr;
	s5 =	simm.s32 $0xFFFFFFFF;
	p2 =	slt.u32 s8, $0xFFFFF086  }
0x1c: {  	p1 =	slt.u32 s9, $0xF7A;
	s5 =	simm.s32 @!p2 $0x0  }
0x1d: {  	s5 =	simm.s32 @p1 $0x1;
	p0 =	seq.s32 s7, s2  }
0x1e: {  	s7 =	smul.u32 @!p0 $0xF7A, s2;
	p2 =	seq.s32 @!p0 s5, $0x0  }
0x1f: {  	s9 =	smul.u32 $0xF7A, s1;
	s8 =	simm.s32 @!p0 $0x1BF5;
	p2 =	por !p2, p0  }
0x20: {  	[sflag:s8] =	ssyncset.s32 @!p0 $0xFFFFF086;
	s6 =	sadd.s32 @!p0 s3, s7;
	s7 =	simm.s32 @!p0 $0x108  }
0x21: {  	s3 =	sadd.s32 s3, s9;
	s6 =	sadd.s32 @!p0 $0x88, s6;
	s7 =	simm.s32 @p2 $0x1082  }
0x22: {  	[simem:s7], [sflag:s8] =	dma.local @!p0 [hbm:s6], $0xF7A  }
0x23: {  	s9 =	sor.u32 $0xD0000000, s2;
	s6 =	simm.s32 $0x108;
	_ =	swait.ge @!p0 [sflag:s8], $0x0  }
0x24: {  	s3 =	sadd.s32 $0x88, s3;
	s6 =	simm.s32 @!p1 $0x1082;
	[sflag:s4] =	ssyncset.s32 $0xFFFFF086  }
0x25: {  	[simem:s6], [sflag:s4] =	dma.local [hbm:s3], $0xF7A  }
0x26: {  	[smem:$0x3F98] =	sst s1;
	(tag) =	ssettag s2;
	_ =	strace s9  }
0x27: {  	s1 =	sld [smem:$0x3FA8]  }
0x28: {  	s2 =	sld [smem:$0x3FA9]  }
0x29: {  	s4 =	sld [smem:$0x3FAB]  }
0x2a: {  	p0 =	seq.s32 s5, $0x0;
	s5 =	sld [smem:$0x3FAC]  }
0x2b: {  	s6 =	sld [smem:$0x3FAD]  }
0x2c: {  	s7 =	sld [smem:$0x3FAE]  }
0x2d: {  	s3 =	simm.s32 $0x108;
	s8 =	sld [smem:$0x3FAF]  }
0x2e: {  	s3 =	simm.s32 @!p0 $0x1082;
	s9 =	sld [smem:$0x3FB0]  }
0x2f: {  	lr =	sadd.s32 s0, s3;
	s0 =	sld [smem:$0x3FA7]  }
0x30: {  	s3 =	sld [smem:$0x3FAA]  }
0x31: {  	[smem:$0x3FB3] =	sst s10  }
0x32: {  	s10 =	sld [smem:$0x3FB1];
	_ =	sdelay $0x3  }
0x33: {  	p0 =	seq.s32 s10, $0x1;
	s10 =	sld [smem:$0x3FB3];
	_ =	sdelay $0x3  }
0x34: {  	[smem:$0x3FB3] =	sst s10  }
0x35: {  	s10 =	sld [smem:$0x3FB2];
	_ =	sdelay $0x3  }
0x36: {  	p1 =	seq.s32 s10, $0x1;
	s10 =	sld [smem:$0x3FB3];
	_ =	sdelay $0x3  }
0x37: {  	[smem:$0x3FB3] =	sst s10  }
0x38: {  	s10 =	sld [smem:$0x3FB4]  }
0x39: {  	_ = 	snop;
	(pc) =	sbr.ind lr, $3  }
0x3a: {  	_ = 	snop  }
0x3b: {  	_ = 	snop  }
0x3c: {  	p2 =	seq.s32 s10, $0x1;
	s10 =	sld [smem:$0x3FB3]  }
0x3d: {  	_ =	shalt  }
0x3e: {  	_ =	shalt  }
0x3f: {  	_ =	shalt  }
0x40: {  	_ =	shalt  }
0x41: {  	_ =	shalt  }
0x42: {  	_ =	shalt  }
0x43: {  	_ =	shalt  }
0x44: {  	_ =	shalt  }
0x45: {  	_ =	shalt  }
0x46: {  	_ =	shalt  }
0x47: {  	_ =	shalt  }
0x48: {  	_ =	shalt  }
0x49: {  	_ =	shalt  }
0x4a: {  	_ =	shalt  }
0x4b: {  	_ =	shalt  }
0x4c: {  	_ =	shalt  }
0x4d: {  	_ =	shalt  }
0x4e: {  	_ =	shalt  }
0x4f: {  	_ =	shalt  }
0x50: {  	_ =	shalt  }
0x51: {  	_ =	shalt  }
0x52: {  	_ =	shalt  }
0x53: {  	_ =	shalt  }
0x54: {  	_ =	shalt  }
0x55: {  	_ =	shalt  }
0x56: {  	_ =	shalt  }
0x57: {  	_ =	shalt  }
0x58: {  	_ =	shalt  }
0x59: {  	_ =	shalt  }
0x5a: {  	_ =	shalt  }
0x5b: {  	_ =	shalt  }
0x5c: {  	_ =	shalt  }
0x5d: {  	_ =	shalt  }
0x5e: {  	_ =	shalt  }
0x5f: {  	_ =	shalt  }
0x60: {  	_ =	shalt  }
0x61: {  	_ =	shalt  }
0x62: {  	_ =	shalt  }
0x63: {  	_ =	shalt  }
0x64: {  	_ =	shalt  }
0x65: {  	_ =	shalt  }
0x66: {  	_ =	shalt  }
0x67: {  	_ =	shalt  }
0x68: {  	_ =	shalt  }
0x69: {  	_ =	shalt  }
0x6a: {  	_ =	shalt  }
0x6b: {  	_ =	shalt  }
0x6c: {  	_ =	shalt  }
0x6d: {  	_ =	shalt  }
0x6e: {  	_ =	shalt  }
0x6f: {  	_ =	shalt  }
0x70: {  	_ =	shalt  }
0x71: {  	_ =	shalt  }
0x72: {  	_ =	shalt  }
0x73: {  	_ =	shalt  }
0x74: {  	_ =	shalt  }
0x75: {  	_ =	shalt  }
0x76: {  	_ =	shalt  }
0x77: {  	_ =	shalt  }
0x78: {  	_ =	shalt  }
0x79: {  	_ =	shalt  }
0x7a: {  	_ =	shalt  }
0x7b: {  	_ =	shalt  }
0x7c: {  	_ =	shalt  }
0x7d: {  	_ =	shalt  }
0x7e: {  	_ =	shalt  }
0x7f: {  	_ =	shalt  }
0x80: {  	_ =	shalt  }
0x81: {  	_ =	shalt  }
0x82: {  	_ =	shalt  }
0x83: {  	_ =	shalt  }
0x84: {  	_ =	shalt  }
0x85: {  	_ =	shalt  }
0x86: {  	_ =	shalt  }
0x87: {  	_ =	shalt  }
.Lfunc_end0:
.L_simem_size_0:
called_computation_lowered:
.L_overlay_start_0:
0x88: {  	s2 =	sld [smem:$0x3FD9]  }
0x89: {  	s3 =	sld [smem:$0x3FFE];
	_ =	sdelay $0x1  }
0x8a: {  	s1 =	srdreg.scid  }
0x8b: {  	s0 =	sand.u32 $0x1, s1  }
0x8c: {  	s16 =	sshll.u32 s0, $0xA;
	s2 =	sadd.s32 s3, s2  }
0x8d: {  	s2 =	sadd.s32 s2, s16  }
0x8e: {  	[smem:$0x3FBF] =	sst s2  }
0x8f: {  	_ = 	snop  }
0x90: {  	(tm) =	ssettm $0x1  }
0x91: {  	s17 =	sld [smem:$0x3FFB];
	_ =	sdelay $0x3  }
0x92: {  	_ =	strace s17  }
0x93: {  	s2 =	sld [smem:$0x3FFC];
	_ =	sdelay $0x3  }
0x94: {  	_ =	strace s2  }
0x95: {  	s2 =	sld [smem:$0x3FFD];
	_ =	sdelay $0x3  }
0x96: {  	_ =	strace s2  }
0x97: {  	_ =	strace $0x8FFFFFFF  }
0x98: {  	s18 =	sld [smem:$0x3FDB];
	_ =	sdelay $0x1  }
0x99: {  	s19 =	simm.s32 $_scs_section_size  }
0x9a: {  	s4 =	simm.s32 $_size__tile_overlayer_lowered;
	s5 =	simm.s32 $_tile_overlayer_lowered  }
0x9b: {  	s22 =	simm.s32 $0x1BFF;
	s21 =	sshll.u32 s5, $0x1;
	s2 =	sadd.s32 s19, s18  }
0x9c: {  	s6 =	simm.s32 $0x0;
	s20 =	sshll.u32 s4, $0x1;
	s4 =	sadd.s32 s21, s2  }
0x9d: {  	[timem:s6], [sflag:s22] =	dma.local [hbm:s4], s20  }
0x9e: {  	_ =	swait.ge [sflag:s22], s20  }
0x9f: {  	s3 =	ssub.s32 $0x0, s20;
	[sflag:s22] =	ssyncset.done $0x0  }
0xa0: {  	[sflag:s22] =	ssyncadd.s32 s3;
	_ =	sdelay $0x1  }
0xa1: {  	s23 =	simm.s32 $0x1B8B  }
0xa2: {  	_ =	swait.ge [sflag:s23], $0x1  }
0xa3: {  	[sflag:s23] =	ssyncset.done $0x0  }
0xa4: {  	s25 =	simm.s32 $0x1B8E;
	s24 =	sld [smem:$0x3FFE];
	[sflag:s23] =	ssyncadd.s32 $0xFFFFFFFF  }
0xa5: {  	s26 =	simm.s32 $execute0_lowered;
	[smem:$0x3FD2] =	sst s25  }
0xa6: {  	s4 =	sshll.u32 s26, $0x1;
	_ =	strace $0x80000046;
	[dreg:$0x1] =	wrdreg $0xFFFFFFFF  }
0xa7: {  	s28 =	simm.s32 $_size_execute0_lowered;
	s2 =	sadd.s32 s2, s4;
	[dreg:$0x0] =	wrdreg $0x0  }
0xa8: {  	s4 =	sshll.u32 s28, $0x1;
	[dreg:$0x2] =	wrdreg s2  }
0xa9: {  	[dreg:$0x3] =	wrdreg s4  }
0xaa: {  	[dreg:$0x4] =	wrdreg $0xC0  }
0xab: {  	_ =	task [dreg:s6], $0x5FFFF  }
0xac: {  	[dreg:$0x1] =	wrdreg $0xFFFFFFFF  }
0xad: {  	[dreg:$0x0] =	wrdreg $0x60  }
0xae: {  	[dreg:$0x2] =	wrdreg s24  }
0xaf: {  	[dreg:$0x3] =	wrdreg $0x9  }
0xb0: {  	_ =	task.clear_ibuf [dreg:s6], $0x4FFFF;
	_ =	strace $0x90000046  }
0xb1: {  	s29 =	simm.s32 $0x9;
	_ =	strace $0x80000048  }
0xb2: {  	_ =	swait.ge [sflag:s29], $0x1  }
0xb3: {  	[sflag:s29] =	ssyncadd.s32 $0xFFFFFFFF  }
0xb4: {  	_ =	strace $0x90000048  }
0xb5: {  	_ =	sfence  }
0xb6: {  	s30 =	sld [smem:$0x0];
	_ =	sdelay $0x2  }
0xb7: {  	s31 =	sshll.u32 s1, $0xD;
	s1 =	sshrl.u32 s1, $0x2  }
0xb8: {  	s3 =	sand.u32 $0x4000, s31;
	s1 =	sadd.s32 s1, s30  }
0xb9: {  	s0 =	sor.u32 s3, s0;
	s1 =	sshll.u32 s1, $0x11  }
0xba: {  	s0 =	sor.u32 s1, s0  }
0xbb: {  	s0 =	sadd.s32 $0x8F2B, s0  }
0xbc: {  	[sflag:s0] =	ssyncadd.remote.s32 $0x1  }
0xbd: {  	_ =	sfence.sel $0xFFFF  }
0xbe: {  	[dreg:$0x0] =	wrdreg $0xFFFFFFFF;
	(pc) =	sbr.abs _section_cstart, $3  }
0xbf: {  	[dreg:$0x1] =	wrdreg $0xFFFFFFFF  }
0xc0: {  	_ =	task.clear_ibuf [dreg:s6], $0x2FFFF;
	_ =	strace $0x9FFFFFFF  }
0xc1: {  	(tm) =	ssettm $0x7FFFFFFF  }
tec
execute0_lowered:
.L_overlay_start_1:
0x0: {  	(tag) =	ssettag $0x1  }
0x1: {  	s0 =	srdreg.scid  }
0x2: {  	s2 =	stileid.u32;
	s1 =	rddreg [dreg:$0x0];
	s12 =	simm.s32 $0x7  }
0x3: {  	s14 =	simm.s32 $0x50;
	s15 =	simm.s32 $0x4E20;
	s16 =	simm.s32 $0xA820  }
0x4: {  	s20 =	simm.s32 $0x1;
	s21 =	simm.s32 $0x3;
	s22 =	simm.s32 $0x10220  }
0x5: {  	s23 =	simm.s32 $0x2;
	s24 =	simm.s32 $0x4;
	s25 =	simm.s32 $0x12F20  }
0x6: {  	s28 =	simm.s32 $0x6;
	s0 =	sand.u32 $0x1, s0;
	s3 =	sshll.u32 s2, $0x1  }
0x7: {  	s29 =	simm.s32 $0x0;
	s2 =	simm.s32 $0x0;
	s5 =	sor.u32 s0, s3  }
0x8: {  	s4 =	sadd.s32 $0x2B000, s1;
	s0 =	ssub.s32 $0x2, s0;
	s3 =	smul.u32 $0x2710, s5  }
0x9: {  	[smem:$0x7FF] =	sst s2;
	s7 =	smul.u32 $0x15F900, s5;
	s26 =	sshrl.u32 s0, $0x1  }
0xa: {  	_ =	strace $0x80000047;
	s5 =	sadd.s32 $0xC7400, s1;
	s0 =	ssub.s32 s0, s26  }
0xb: {  	s26 =	simm.s32 $0x5;
	s6 =	sshrl.u32 s3, $0x3;
	s7 =	sshrl.u32 s7, $0x3  }
0xc: {  	s9 =	sadd.s32 $0x50, s3;
	s8 =	sadd.s32 s6, s1;
	s6 =	sadd.s32 $0xF3400, s1  }
0xd: {  	s11 =	smax.u32 s0, $0x1;
	s30 =	sadd.s32 $0x57000, s8;
	s31 =	sadd.s32 s6, s7  }
0xe: {  	s8 =	sadd.s32 $0x60E00, s8;
	[dreg:$0x2] =	wrdreg s30;
	s10 =	sadd.s32 $0x2B980, s31  }
.LBB2_1:
0xf: {  	s0 =	rddreg [dreg:$0x2]  }
0x10: {  	[tilespmem:s2], [sflag:$0x7] =	stream.linear.gather [hbm4b:s0+s2], $0x2710, $0x38;
	[tilespmem:$0x15C20] =	vst v63  }
0x11: {  	_ =	swait.ge [sflag:s12], $0x2710  }
0x12: {  	[sflag:s12] =	ssyncset.done $0x0  }
0x13: {  	s18 =	simm.s32 $0x2710;
	[sflag:s12] =	ssyncadd.s32 $0xFFFFD8F0  }
0x14: {  	[tilespmem:s18], [sflag:$0x7] =	stream.linear.gather [hbm4b:s8+s2], $0x2710, $0x38;
	[tilespmem:$0x15C20] =	vst v63  }
0x15: {  	_ =	swait.ge [sflag:s12], $0x2710  }
0x16: {  	[sflag:s12] =	ssyncset.done $0x0  }
0x17: {  	[sflag:s12] =	ssyncadd.s32 $0xFFFFD8F0  }
0x18: {  	[tilespmem:s15], [sflag:$0x1] =	stream.indirect.gather [hbm4b:s4+s14], $0x90, s2, s14, $0xb8;
	[tilespmem:$0x15C20] =	vst v63  }
0x19: {  	_ = 	snop  }
0x1a: {  	[tilespmem:s16], [sflag:$0x3] =	stream.indirect.gather [hbm4b:s5+s14], $0x90, s18, s14, $0xb8;
	[tilespmem:$0x15C20] =	vst v63  }
0x1b: {  	s19 =	simm.s32 $0x7B20  }
0x1c: {  	[tilespmem:s19], [sflag:$0x2] =	stream.indirect.gather [hbm4b:s4+s14], $0x90, s14, s14, $0xb8;
	[tilespmem:$0x15C20] =	vst v63  }
0x1d: {  	s31 =	simm.s32 $0x2760;
	s1 =	simm.s32 $0xD520;
	s30 =	simm.s32 $0x0  }
0x1e: {  	[tilespmem:s1], [sflag:$0x4] =	stream.indirect.gather [hbm4b:s5+s14], $0x90, s31, s14, $0xb8;
	[tilespmem:$0x15C20] =	vst v63  }
.LBB2_2:
0x1f: {  	_ =	swait.ge [sflag:s20], $0x2D00  }
0x20: {  	[sflag:s20] =	ssyncset.done $0x0  }
0x21: {  	[sflag:s20] =	ssyncadd.s32 $0xFFFFD300  }
0x22: {  	_ =	swait.ge [sflag:s21], $0x2D00  }
0x23: {  	p0 =	seq.s32 s30, $0x0;
	[sflag:s21] =	ssyncset.done $0x0  }
0x24: {  	s0 =	simm.s32 @!p0 $0x5;
	[sflag:s21] =	ssyncadd.s32 $0xFFFFD300  }
0x25: {  	_ =	swait.ge @!p0 [sflag:s0], $0x2D00  }
0x26: {  	[sflag:s0] =	ssyncset.done @!p0 $0x0  }
0x27: {  	s31 =	simm.s32 $0x4EB0;
	[sflag:s0] =	ssyncadd.s32 @!p0 $0xFFFFD300  }
0x28: {  	s0 =	simm.s32 $0xA8B0;
	v0 =	vld [tilespmem:s31+$0xFFFFFF70]  }
0x29: {  	v1 =	vld [tilespmem:s0+$0xFFFFFF70];
	_ =	sdelay $0x4  }
0x2a: {  	v0 =	vadd.f32 v1, v0  }
0x2b: {  	s1 =	simm.s32 $0x102B0  }
0x2c: {  	[tilespmem:s1+$0xFFFFFF70] =	vst v0  }
0x2d: {  	v0 =	vld [tilespmem:s0+$0xFFFFFF80]  }
0x2e: {  	v49 =	vld [tilespmem:s31+$0xFFFFFF80];
	_ =	sdelay $0x4  }
0x2f: {  	v0 =	vadd.f32 v0, v49;
	_ =	sdelay $0x1  }
0x30: {  	[tilespmem:s1+$0xFFFFFF80] =	vst v0  }
0x31: {  	v0 =	vld [tilespmem:s31+$0xFFFFFF90]  }
0x32: {  	v50 =	vld [tilespmem:s0+$0xFFFFFF90];
	_ =	sdelay $0x4  }
0x33: {  	v0 =	vadd.f32 v50, v0;
	_ =	sdelay $0x1  }
0x34: {  	[tilespmem:s1+$0xFFFFFF90] =	vst v0  }
0x35: {  	v0 =	vld [tilespmem:s31+$0xFFFFFFA0]  }
0x36: {  	v51 =	vld [tilespmem:s0+$0xFFFFFFA0];
	_ =	sdelay $0x4  }
0x37: {  	v0 =	vadd.f32 v51, v0;
	_ =	sdelay $0x1  }
0x38: {  	[tilespmem:s1+$0xFFFFFFA0] =	vst v0  }
0x39: {  	v0 =	vld [tilespmem:s31+$0xFFFFFFB0]  }
0x3a: {  	v52 =	vld [tilespmem:s0+$0xFFFFFFB0];
	_ =	sdelay $0x4  }
0x3b: {  	v0 =	vadd.f32 v52, v0;
	_ =	sdelay $0x1  }
0x3c: {  	[tilespmem:s1+$0xFFFFFFB0] =	vst v0  }
0x3d: {  	v0 =	vld [tilespmem:s31+$0xFFFFFFC0]  }
0x3e: {  	v53 =	vld [tilespmem:s0+$0xFFFFFFC0];
	_ =	sdelay $0x4  }
0x3f: {  	v0 =	vadd.f32 v53, v0;
	_ =	sdelay $0x1  }
0x40: {  	[tilespmem:s1+$0xFFFFFFC0] =	vst v0  }
0x41: {  	v0 =	vld [tilespmem:s31+$0xFFFFFFD0]  }
0x42: {  	v54 =	vld [tilespmem:s0+$0xFFFFFFD0];
	_ =	sdelay $0x4  }
0x43: {  	v0 =	vadd.f32 v54, v0;
	_ =	sdelay $0x1  }
0x44: {  	[tilespmem:s1+$0xFFFFFFD0] =	vst v0  }
0x45: {  	v0 =	vld [tilespmem:s31+$0xFFFFFFE0]  }
0x46: {  	v55 =	vld [tilespmem:s0+$0xFFFFFFE0];
	_ =	sdelay $0x4  }
0x47: {  	v0 =	vadd.f32 v55, v0;
	_ =	sdelay $0x1  }
0x48: {  	[tilespmem:s1+$0xFFFFFFE0] =	vst v0  }
0x49: {  	v0 =	vld [tilespmem:s31+$0xFFFFFFF0]  }
0x4a: {  	v56 =	vld [tilespmem:s0+$0xFFFFFFF0];
	_ =	sdelay $0x4  }
0x4b: {  	v0 =	vadd.f32 v56, v0;
	_ =	sdelay $0x1  }
0x4c: {  	[tilespmem:s1+$0xFFFFFFF0] =	vst v0  }
0x4d: {  	v0 =	vld [tilespmem:s31+$0x0]  }
0x4e: {  	v57 =	vld [tilespmem:s0+$0x0];
	_ =	sdelay $0x4  }
0x4f: {  	v0 =	vadd.f32 v57, v0;
	_ =	sdelay $0x1  }
0x50: {  	[tilespmem:s1+$0x0] =	vst v0  }
0x51: {  	v0 =	vld [tilespmem:s31+$0x10]  }
0x52: {  	v58 =	vld [tilespmem:s0+$0x10];
	_ =	sdelay $0x4  }
0x53: {  	v0 =	vadd.f32 v58, v0;
	_ =	sdelay $0x1  }
0x54: {  	[tilespmem:s1+$0x10] =	vst v0  }
0x55: {  	v0 =	vld [tilespmem:s31+$0x20]  }
0x56: {  	v59 =	vld [tilespmem:s0+$0x20];
	_ =	sdelay $0x4  }
0x57: {  	v0 =	vadd.f32 v59, v0;
	_ =	sdelay $0x1  }
0x58: {  	[tilespmem:s1+$0x20] =	vst v0  }
0x59: {  	v0 =	vld [tilespmem:s31+$0x30]  }
0x5a: {  	v60 =	vld [tilespmem:s0+$0x30];
	_ =	sdelay $0x4  }
0x5b: {  	v0 =	vadd.f32 v60, v0;
	_ =	sdelay $0x1  }
0x5c: {  	[tilespmem:s1+$0x30] =	vst v0  }
0x5d: {  	v0 =	vld [tilespmem:s31+$0x40]  }
0x5e: {  	v61 =	vld [tilespmem:s0+$0x40];
	_ =	sdelay $0x4  }
0x5f: {  	v0 =	vadd.f32 v61, v0;
	_ =	sdelay $0x1  }
0x60: {  	[tilespmem:s1+$0x40] =	vst v0  }
0x61: {  	v0 =	vld [tilespmem:s31+$0x50]  }
0x62: {  	v62 =	vld [tilespmem:s0+$0x50];
	_ =	sdelay $0x4  }
0x63: {  	v0 =	vadd.f32 v62, v0;
	_ =	sdelay $0x1  }
0x64: {  	[tilespmem:s1+$0x50] =	vst v0  }
0x65: {  	v0 =	vld [tilespmem:s31+$0x60]  }
0x66: {  	v63 =	vld [tilespmem:s0+$0x60];
	_ =	sdelay $0x4  }
0x67: {  	v0 =	vadd.f32 v63, v0  }
0x68: {  	s18 =	simm.s32 $0x0  }
0x69: {  	s19 =	simm.s32 $0x103D0;
	s13 =	simm.s32 $0x4EB0;
	s17 =	simm.s32 $0xA8B0;
	[tilespmem:s1+$0x60] =	vst v0  }
.LBB2_3:
0x6a: {  	s18 =	sadd.s32 $0x2, s18;
	v0 =	vld [tilespmem:s31+$0x70];
	s13 =	sadd.s32 $0x120, s13;
	s0 =	sadd.s32 $0x120, s0  }
0x6b: {  	p1 =	slt.u32 s18, $0x4E;
	v1 =	vld [tilespmem:s17+$0x70];
	_ =	sdelay $0x4  }
0x6c: {  	v0 =	vadd.f32 v1, v0;
	_ =	sdelay $0x1  }
0x6d: {  	[tilespmem:s1+$0x70] =	vst v0  }
0x6e: {  	v0 =	vld [tilespmem:s31+$0x80];
	s31 =	smov.u32 s13  }
0x6f: {  	v1 =	vld [tilespmem:s17+$0x80];
	s17 =	smov.u32 s0;
	_ =	sdelay $0x4  }
0x70: {  	v0 =	vadd.f32 v1, v0;
	_ =	sdelay $0x1  }
0x71: {  	[tilespmem:s1+$0x80] =	vst v0;
	s1 =	smov.u32 s19  }
0x72: {  	v0 =	vld [tilespmem:s13+$0xFFFFFF70]  }
0x73: {  	v1 =	vld [tilespmem:s0+$0xFFFFFF70];
	_ =	sdelay $0x4  }
0x74: {  	v0 =	vadd.f32 v1, v0;
	_ =	sdelay $0x1  }
0x75: {  	[tilespmem:s19+$0xFFFFFF70] =	vst v0  }
0x76: {  	v0 =	vld [tilespmem:s0+$0xFFFFFF80]  }
0x77: {  	v1 =	vld [tilespmem:s13+$0xFFFFFF80];
	_ =	sdelay $0x4  }
0x78: {  	v0 =	vadd.f32 v0, v1;
	_ =	sdelay $0x1  }
0x79: {  	[tilespmem:s19+$0xFFFFFF80] =	vst v0  }
0x7a: {  	v0 =	vld [tilespmem:s13+$0xFFFFFF90]  }
0x7b: {  	v1 =	vld [tilespmem:s0+$0xFFFFFF90];
	_ =	sdelay $0x4  }
0x7c: {  	v0 =	vadd.f32 v1, v0;
	_ =	sdelay $0x1  }
0x7d: {  	[tilespmem:s19+$0xFFFFFF90] =	vst v0  }
0x7e: {  	v0 =	vld [tilespmem:s13+$0xFFFFFFA0]  }
0x7f: {  	v1 =	vld [tilespmem:s0+$0xFFFFFFA0];
	_ =	sdelay $0x4  }
0x80: {  	v0 =	vadd.f32 v1, v0;
	_ =	sdelay $0x1  }
0x81: {  	[tilespmem:s19+$0xFFFFFFA0] =	vst v0  }
0x82: {  	v0 =	vld [tilespmem:s13+$0xFFFFFFB0]  }
0x83: {  	v1 =	vld [tilespmem:s0+$0xFFFFFFB0];
	_ =	sdelay $0x4  }
0x84: {  	v0 =	vadd.f32 v1, v0;
	_ =	sdelay $0x1  }
0x85: {  	[tilespmem:s19+$0xFFFFFFB0] =	vst v0  }
0x86: {  	v0 =	vld [tilespmem:s13+$0xFFFFFFC0]  }
0x87: {  	v1 =	vld [tilespmem:s0+$0xFFFFFFC0];
	_ =	sdelay $0x4  }
0x88: {  	v0 =	vadd.f32 v1, v0;
	_ =	sdelay $0x1  }
0x89: {  	[tilespmem:s19+$0xFFFFFFC0] =	vst v0  }
0x8a: {  	v0 =	vld [tilespmem:s13+$0xFFFFFFD0]  }
0x8b: {  	v1 =	vld [tilespmem:s0+$0xFFFFFFD0];
	_ =	sdelay $0x4  }
0x8c: {  	v0 =	vadd.f32 v1, v0;
	_ =	sdelay $0x1  }
0x8d: {  	[tilespmem:s19+$0xFFFFFFD0] =	vst v0  }
0x8e: {  	v0 =	vld [tilespmem:s13+$0xFFFFFFE0]  }
0x8f: {  	v1 =	vld [tilespmem:s0+$0xFFFFFFE0];
	_ =	sdelay $0x4  }
0x90: {  	v0 =	vadd.f32 v1, v0;
	_ =	sdelay $0x1  }
0x91: {  	[tilespmem:s19+$0xFFFFFFE0] =	vst v0  }
0x92: {  	v0 =	vld [tilespmem:s13+$0xFFFFFFF0]  }
0x93: {  	v1 =	vld [tilespmem:s0+$0xFFFFFFF0];
	_ =	sdelay $0x4  }
0x94: {  	v0 =	vadd.f32 v1, v0;
	_ =	sdelay $0x1  }
0x95: {  	[tilespmem:s19+$0xFFFFFFF0] =	vst v0  }
0x96: {  	v0 =	vld [tilespmem:s13+$0x0]  }
0x97: {  	v1 =	vld [tilespmem:s0+$0x0];
	_ =	sdelay $0x4  }
0x98: {  	v0 =	vadd.f32 v1, v0;
	_ =	sdelay $0x1  }
0x99: {  	[tilespmem:s19+$0x0] =	vst v0  }
0x9a: {  	v0 =	vld [tilespmem:s13+$0x10]  }
0x9b: {  	v1 =	vld [tilespmem:s0+$0x10];
	_ =	sdelay $0x4  }
0x9c: {  	v0 =	vadd.f32 v1, v0;
	_ =	sdelay $0x1  }
0x9d: {  	[tilespmem:s19+$0x10] =	vst v0  }
0x9e: {  	v0 =	vld [tilespmem:s13+$0x20]  }
0x9f: {  	v1 =	vld [tilespmem:s0+$0x20];
	_ =	sdelay $0x4  }
0xa0: {  	v0 =	vadd.f32 v1, v0;
	_ =	sdelay $0x1  }
0xa1: {  	[tilespmem:s19+$0x20] =	vst v0  }
0xa2: {  	v0 =	vld [tilespmem:s13+$0x30]  }
0xa3: {  	v1 =	vld [tilespmem:s0+$0x30];
	_ =	sdelay $0x4  }
0xa4: {  	v0 =	vadd.f32 v1, v0;
	_ =	sdelay $0x1  }
0xa5: {  	[tilespmem:s19+$0x30] =	vst v0  }
0xa6: {  	v0 =	vld [tilespmem:s13+$0x40]  }
0xa7: {  	v1 =	vld [tilespmem:s0+$0x40];
	_ =	sdelay $0x4  }
0xa8: {  	v0 =	vadd.f32 v1, v0;
	_ =	sdelay $0x1  }
0xa9: {  	[tilespmem:s19+$0x40] =	vst v0  }
0xaa: {  	v0 =	vld [tilespmem:s13+$0x50]  }
0xab: {  	v1 =	vld [tilespmem:s0+$0x50];
	_ =	sdelay $0x4  }
0xac: {  	v0 =	vadd.f32 v1, v0;
	_ =	sdelay $0x1  }
0xad: {  	[tilespmem:s19+$0x50] =	vst v0  }
0xae: {  	v0 =	vld [tilespmem:s13+$0x60]  }
0xaf: {  	v1 =	vld [tilespmem:s0+$0x60];
	_ =	sdelay $0x2  }
.Ltmp0:
0xb0: {  	(pc) =	sbr.rel @p1 .LBB2_3-.Ltmp0, $3  }
0xb1: {  	_ = 	snop  }
0xb2: {  	v0 =	vadd.f32 v1, v0;
	_ =	sdelay $0x1  }
0xb3: {  	s19 =	sadd.s32 $0x120, s19;
	[tilespmem:s1+$0x60] =	vst v0  }
0xb4: {  	v0 =	vld [tilespmem:s31+$0x70]  }
0xb5: {  	v1 =	vld [tilespmem:s17+$0x70];
	_ =	sdelay $0x4  }
0xb6: {  	v0 =	vadd.f32 v1, v0;
	_ =	sdelay $0x1  }
0xb7: {  	[tilespmem:s1+$0x70] =	vst v0  }
0xb8: {  	v0 =	vld [tilespmem:s31+$0x80]  }
0xb9: {  	v46 =	vld [tilespmem:s17+$0x80];
	_ =	sdelay $0x4  }
0xba: {  	s31 =	smul.u32 $0xA0, s30;
	v0 =	vadd.f32 v46, v0;
	_ =	sdelay $0x1  }
0xbb: {  	s0 =	sadd.s32 $0xA0, s31;
	s18 =	sadd.s32 s3, s31;
	[tilespmem:s1+$0x80] =	vst v0  }
0xbc: {  	[tilespmem:s15], [sflag:$0x1] =	stream.indirect.gather [hbm4b:s4+s14], $0x90, s0, s14, $0xb8;
	[tilespmem:$0x15C20] =	vst v63  }
0xbd: {  	s19 =	sadd.s32 $0x27B0, s31;
	s0 =	smul.u32 $0x12, s18  }
0xbe: {  	[tilespmem:s16], [sflag:$0x3] =	stream.indirect.gather [hbm4b:s5+s14], $0x90, s19, s14, $0xb8;
	[tilespmem:$0x15C20] =	vst v63  }
0xbf: {  	s0 =	sadd.s32 s6, s0  }
0xc0: {  	[hbm4b:s0+s2] =	stream.linear.scatter [tilespmem:s22], [sflag:$0x5], $0x2D00, $0x38;
	[tilespmem:$0x15C20] =	vst v63  }
0xc1: {  	_ =	swait.ge [sflag:s23], $0x2D00  }
0xc2: {  	[sflag:s23] =	ssyncset.done $0x0  }
0xc3: {  	[sflag:s23] =	ssyncadd.s32 $0xFFFFD300  }
0xc4: {  	_ =	swait.ge [sflag:s24], $0x2D00  }
0xc5: {  	[sflag:s24] =	ssyncset.done $0x0  }
0xc6: {  	s0 =	simm.s32 @!p0 $0x6;
	[sflag:s24] =	ssyncadd.s32 $0xFFFFD300  }
0xc7: {  	_ =	swait.ge @!p0 [sflag:s0], $0x2D00  }
0xc8: {  	[sflag:s0] =	ssyncset.done @!p0 $0x0  }
0xc9: {  	s1 =	simm.s32 $0x7BB0;
	[sflag:s0] =	ssyncadd.s32 @!p0 $0xFFFFD300  }
0xca: {  	s17 =	simm.s32 $0xD5B0;
	v47 =	vld [tilespmem:s1+$0xFFFFFF70]  }
0xcb: {  	v48 =	vld [tilespmem:s17+$0xFFFFFF70];
	_ =	sdelay $0x4  }
0xcc: {  	v0 =	vadd.f32 v48, v47  }
0xcd: {  	s0 =	simm.s32 $0x12FB0  }
0xce: {  	[tilespmem:s0+$0xFFFFFF70] =	vst v0  }
0xcf: {  	v0 =	vld [tilespmem:s17+$0xFFFFFF80]  }
0xd0: {  	v49 =	vld [tilespmem:s1+$0xFFFFFF80];
	_ =	sdelay $0x4  }
0xd1: {  	v0 =	vadd.f32 v0, v49;
	_ =	sdelay $0x1  }
0xd2: {  	[tilespmem:s0+$0xFFFFFF80] =	vst v0  }
0xd3: {  	v0 =	vld [tilespmem:s1+$0xFFFFFF90]  }
0xd4: {  	v50 =	vld [tilespmem:s17+$0xFFFFFF90];
	_ =	sdelay $0x4  }
0xd5: {  	v0 =	vadd.f32 v50, v0;
	_ =	sdelay $0x1  }
0xd6: {  	[tilespmem:s0+$0xFFFFFF90] =	vst v0  }
0xd7: {  	v0 =	vld [tilespmem:s1+$0xFFFFFFA0]  }
0xd8: {  	v51 =	vld [tilespmem:s17+$0xFFFFFFA0];
	_ =	sdelay $0x4  }
0xd9: {  	v0 =	vadd.f32 v51, v0;
	_ =	sdelay $0x1  }
0xda: {  	[tilespmem:s0+$0xFFFFFFA0] =	vst v0  }
0xdb: {  	v0 =	vld [tilespmem:s1+$0xFFFFFFB0]  }
0xdc: {  	v52 =	vld [tilespmem:s17+$0xFFFFFFB0];
	_ =	sdelay $0x4  }
0xdd: {  	v0 =	vadd.f32 v52, v0;
	_ =	sdelay $0x1  }
0xde: {  	[tilespmem:s0+$0xFFFFFFB0] =	vst v0  }
0xdf: {  	v0 =	vld [tilespmem:s1+$0xFFFFFFC0]  }
0xe0: {  	v53 =	vld [tilespmem:s17+$0xFFFFFFC0];
	_ =	sdelay $0x4  }
0xe1: {  	v0 =	vadd.f32 v53, v0;
	_ =	sdelay $0x1  }
0xe2: {  	[tilespmem:s0+$0xFFFFFFC0] =	vst v0  }
0xe3: {  	v0 =	vld [tilespmem:s1+$0xFFFFFFD0]  }
0xe4: {  	v54 =	vld [tilespmem:s17+$0xFFFFFFD0];
	_ =	sdelay $0x4  }
0xe5: {  	v0 =	vadd.f32 v54, v0;
	_ =	sdelay $0x1  }
0xe6: {  	[tilespmem:s0+$0xFFFFFFD0] =	vst v0  }
0xe7: {  	v0 =	vld [tilespmem:s1+$0xFFFFFFE0]  }
0xe8: {  	v55 =	vld [tilespmem:s17+$0xFFFFFFE0];
	_ =	sdelay $0x4  }
0xe9: {  	v0 =	vadd.f32 v55, v0;
	_ =	sdelay $0x1  }
0xea: {  	[tilespmem:s0+$0xFFFFFFE0] =	vst v0  }
0xeb: {  	v0 =	vld [tilespmem:s1+$0xFFFFFFF0]  }
0xec: {  	v56 =	vld [tilespmem:s17+$0xFFFFFFF0];
	_ =	sdelay $0x4  }
0xed: {  	v0 =	vadd.f32 v56, v0;
	_ =	sdelay $0x1  }
0xee: {  	[tilespmem:s0+$0xFFFFFFF0] =	vst v0  }
0xef: {  	v0 =	vld [tilespmem:s1+$0x0]  }
0xf0: {  	v57 =	vld [tilespmem:s17+$0x0];
	_ =	sdelay $0x4  }
0xf1: {  	v0 =	vadd.f32 v57, v0;
	_ =	sdelay $0x1  }
0xf2: {  	[tilespmem:s0+$0x0] =	vst v0  }
0xf3: {  	v0 =	vld [tilespmem:s1+$0x10]  }
0xf4: {  	v58 =	vld [tilespmem:s17+$0x10];
	_ =	sdelay $0x4  }
0xf5: {  	v0 =	vadd.f32 v58, v0;
	_ =	sdelay $0x1  }
0xf6: {  	[tilespmem:s0+$0x10] =	vst v0  }
0xf7: {  	v0 =	vld [tilespmem:s1+$0x20]  }
0xf8: {  	v59 =	vld [tilespmem:s17+$0x20];
	_ =	sdelay $0x4  }
0xf9: {  	v0 =	vadd.f32 v59, v0;
	_ =	sdelay $0x1  }
0xfa: {  	[tilespmem:s0+$0x20] =	vst v0  }
0xfb: {  	v0 =	vld [tilespmem:s1+$0x30]  }
0xfc: {  	v60 =	vld [tilespmem:s17+$0x30];
	_ =	sdelay $0x4  }
0xfd: {  	v0 =	vadd.f32 v60, v0;
	_ =	sdelay $0x1  }
0xfe: {  	[tilespmem:s0+$0x30] =	vst v0  }
0xff: {  	v0 =	vld [tilespmem:s1+$0x40]  }
0x100: {  	v61 =	vld [tilespmem:s17+$0x40];
	_ =	sdelay $0x4  }
0x101: {  	v0 =	vadd.f32 v61, v0;
	_ =	sdelay $0x1  }
0x102: {  	[tilespmem:s0+$0x40] =	vst v0  }
0x103: {  	v0 =	vld [tilespmem:s1+$0x50]  }
0x104: {  	v62 =	vld [tilespmem:s17+$0x50];
	_ =	sdelay $0x4  }
0x105: {  	v0 =	vadd.f32 v62, v0;
	_ =	sdelay $0x1  }
0x106: {  	[tilespmem:s0+$0x50] =	vst v0  }
0x107: {  	v0 =	vld [tilespmem:s1+$0x60]  }
0x108: {  	v63 =	vld [tilespmem:s17+$0x60];
	_ =	sdelay $0x4  }
0x109: {  	v0 =	vadd.f32 v63, v0  }
0x10a: {  	s13 =	simm.s32 $0x130D0  }
0x10b: {  	s7 =	simm.s32 $0x7BB0;
	s18 =	simm.s32 $0xD5B0;
	s19 =	simm.s32 $0x0;
	[tilespmem:s0+$0x60] =	vst v0  }
.LBB2_5:
0x10c: {  	s19 =	sadd.s32 $0x2, s19;
	v0 =	vld [tilespmem:s1+$0x70];
	s7 =	sadd.s32 $0x120, s7;
	s17 =	sadd.s32 $0x120, s17  }
0x10d: {  	p0 =	slt.u32 s19, $0x4E;
	v1 =	vld [tilespmem:s18+$0x70];
	_ =	sdelay $0x4  }
0x10e: {  	v0 =	vadd.f32 v1, v0;
	_ =	sdelay $0x1  }
0x10f: {  	[tilespmem:s0+$0x70] =	vst v0  }
0x110: {  	v0 =	vld [tilespmem:s1+$0x80];
	s1 =	smov.u32 s7  }
0x111: {  	v1 =	vld [tilespmem:s18+$0x80];
	s18 =	smov.u32 s17;
	_ =	sdelay $0x4  }
0x112: {  	v0 =	vadd.f32 v1, v0;
	_ =	sdelay $0x1  }
0x113: {  	[tilespmem:s0+$0x80] =	vst v0;
	s0 =	smov.u32 s13  }
0x114: {  	v0 =	vld [tilespmem:s7+$0xFFFFFF70]  }
0x115: {  	v1 =	vld [tilespmem:s17+$0xFFFFFF70];
	_ =	sdelay $0x4  }
0x116: {  	v0 =	vadd.f32 v1, v0;
	_ =	sdelay $0x1  }
0x117: {  	[tilespmem:s13+$0xFFFFFF70] =	vst v0  }
0x118: {  	v0 =	vld [tilespmem:s17+$0xFFFFFF80]  }
0x119: {  	v1 =	vld [tilespmem:s7+$0xFFFFFF80];
	_ =	sdelay $0x4  }
0x11a: {  	v0 =	vadd.f32 v0, v1;
	_ =	sdelay $0x1  }
0x11b: {  	[tilespmem:s13+$0xFFFFFF80] =	vst v0  }
0x11c: {  	v0 =	vld [tilespmem:s7+$0xFFFFFF90]  }
0x11d: {  	v1 =	vld [tilespmem:s17+$0xFFFFFF90];
	_ =	sdelay $0x4  }
0x11e: {  	v0 =	vadd.f32 v1, v0;
	_ =	sdelay $0x1  }
0x11f: {  	[tilespmem:s13+$0xFFFFFF90] =	vst v0  }
0x120: {  	v0 =	vld [tilespmem:s7+$0xFFFFFFA0]  }
0x121: {  	v1 =	vld [tilespmem:s17+$0xFFFFFFA0];
	_ =	sdelay $0x4  }
0x122: {  	v0 =	vadd.f32 v1, v0;
	_ =	sdelay $0x1  }
0x123: {  	[tilespmem:s13+$0xFFFFFFA0] =	vst v0  }
0x124: {  	v0 =	vld [tilespmem:s7+$0xFFFFFFB0]  }
0x125: {  	v1 =	vld [tilespmem:s17+$0xFFFFFFB0];
	_ =	sdelay $0x4  }
0x126: {  	v0 =	vadd.f32 v1, v0;
	_ =	sdelay $0x1  }
0x127: {  	[tilespmem:s13+$0xFFFFFFB0] =	vst v0  }
0x128: {  	v0 =	vld [tilespmem:s7+$0xFFFFFFC0]  }
0x129: {  	v1 =	vld [tilespmem:s17+$0xFFFFFFC0];
	_ =	sdelay $0x4  }
0x12a: {  	v0 =	vadd.f32 v1, v0;
	_ =	sdelay $0x1  }
0x12b: {  	[tilespmem:s13+$0xFFFFFFC0] =	vst v0  }
0x12c: {  	v0 =	vld [tilespmem:s7+$0xFFFFFFD0]  }
0x12d: {  	v1 =	vld [tilespmem:s17+$0xFFFFFFD0];
	_ =	sdelay $0x4  }
0x12e: {  	v0 =	vadd.f32 v1, v0;
	_ =	sdelay $0x1  }
0x12f: {  	[tilespmem:s13+$0xFFFFFFD0] =	vst v0  }
0x130: {  	v0 =	vld [tilespmem:s7+$0xFFFFFFE0]  }
0x131: {  	v1 =	vld [tilespmem:s17+$0xFFFFFFE0];
	_ =	sdelay $0x4  }
0x132: {  	v0 =	vadd.f32 v1, v0;
	_ =	sdelay $0x1  }
0x133: {  	[tilespmem:s13+$0xFFFFFFE0] =	vst v0  }
0x134: {  	v0 =	vld [tilespmem:s7+$0xFFFFFFF0]  }
0x135: {  	v1 =	vld [tilespmem:s17+$0xFFFFFFF0];
	_ =	sdelay $0x4  }
0x136: {  	v0 =	vadd.f32 v1, v0;
	_ =	sdelay $0x1  }
0x137: {  	[tilespmem:s13+$0xFFFFFFF0] =	vst v0  }
0x138: {  	v0 =	vld [tilespmem:s7+$0x0]  }
0x139: {  	v1 =	vld [tilespmem:s17+$0x0];
	_ =	sdelay $0x4  }
0x13a: {  	v0 =	vadd.f32 v1, v0;
	_ =	sdelay $0x1  }
0x13b: {  	[tilespmem:s13+$0x0] =	vst v0  }
0x13c: {  	v0 =	vld [tilespmem:s7+$0x10]  }
0x13d: {  	v1 =	vld [tilespmem:s17+$0x10];
	_ =	sdelay $0x4  }
0x13e: {  	v0 =	vadd.f32 v1, v0;
	_ =	sdelay $0x1  }
0x13f: {  	[tilespmem:s13+$0x10] =	vst v0  }
0x140: {  	v0 =	vld [tilespmem:s7+$0x20]  }
0x141: {  	v1 =	vld [tilespmem:s17+$0x20];
	_ =	sdelay $0x4  }
0x142: {  	v0 =	vadd.f32 v1, v0;
	_ =	sdelay $0x1  }
0x143: {  	[tilespmem:s13+$0x20] =	vst v0  }
0x144: {  	v0 =	vld [tilespmem:s7+$0x30]  }
0x145: {  	v1 =	vld [tilespmem:s17+$0x30];
	_ =	sdelay $0x4  }
0x146: {  	v0 =	vadd.f32 v1, v0;
	_ =	sdelay $0x1  }
0x147: {  	[tilespmem:s13+$0x30] =	vst v0  }
0x148: {  	v0 =	vld [tilespmem:s7+$0x40]  }
0x149: {  	v1 =	vld [tilespmem:s17+$0x40];
	_ =	sdelay $0x4  }
0x14a: {  	v0 =	vadd.f32 v1, v0;
	_ =	sdelay $0x1  }
0x14b: {  	[tilespmem:s13+$0x40] =	vst v0  }
0x14c: {  	v0 =	vld [tilespmem:s7+$0x50]  }
0x14d: {  	v1 =	vld [tilespmem:s17+$0x50];
	_ =	sdelay $0x4  }
0x14e: {  	v0 =	vadd.f32 v1, v0;
	_ =	sdelay $0x1  }
0x14f: {  	[tilespmem:s13+$0x50] =	vst v0  }
0x150: {  	v0 =	vld [tilespmem:s7+$0x60]  }
0x151: {  	v1 =	vld [tilespmem:s17+$0x60];
	_ =	sdelay $0x2  }
.Ltmp1:
0x152: {  	(pc) =	sbr.rel @p0 .LBB2_5-.Ltmp1, $3  }
0x153: {  	_ = 	snop  }
0x154: {  	v0 =	vadd.f32 v1, v0;
	_ =	sdelay $0x1  }
0x155: {  	s13 =	sadd.s32 $0x120, s13;
	[tilespmem:s0+$0x60] =	vst v0  }
0x156: {  	v0 =	vld [tilespmem:s1+$0x70]  }
0x157: {  	v1 =	vld [tilespmem:s18+$0x70];
	_ =	sdelay $0x4  }
0x158: {  	v0 =	vadd.f32 v1, v0;
	_ =	sdelay $0x1  }
0x159: {  	[tilespmem:s0+$0x70] =	vst v0  }
0x15a: {  	v0 =	vld [tilespmem:s1+$0x80]  }
0x15b: {  	v63 =	vld [tilespmem:s18+$0x80];
	_ =	sdelay $0x4  }
0x15c: {  	v0 =	vadd.f32 v63, v0  }
0x15d: {  	p0 =	seq.s32 s30, $0x3D  }
0x15e: {  	s7 =	simm.s32 @!p0 $0x7B20;
	s1 =	simm.s32 @!p0 $0x50;
	[tilespmem:s0+$0x80] =	vst v0;
	s0 =	sadd.s32 @!p0 $0xF0, s31  }
0x15f: {  	[tilespmem:s7], [sflag:$0x2] =	stream.indirect.gather @!p0 [hbm4b:s4+s1], $0x90, s0, s1, $0xb8;
	[tilespmem:$0x15C20] =	vst v63  }
0x160: {  	s30 =	sadd.s32 $0x1, s30;
	s13 =	simm.s32 @!p0 $0xD520;
	s7 =	sadd.s32 @!p0 $0x2800, s31  }
0x161: {  	[tilespmem:s13], [sflag:$0x4] =	stream.indirect.gather @!p0 [hbm4b:s5+s1], $0x90, s7, s1, $0xb8;
	[tilespmem:$0x15C20] =	vst v63  }
0x162: {  	p0 =	sne.s32 s30, $0x3E  }
.Ltmp2:
0x163: {  	s19 =	sadd.s32 s31, s9;
	(pc) =	sbr.rel @p0 .LBB2_2-.Ltmp2, $3  }
0x164: {  	s0 =	smul.u32 $0x12, s19;
	_ =	sdelay $0x1  }
0x165: {  	s0 =	sadd.s32 s6, s0  }
0x166: {  	[hbm4b:s0+s2] =	stream.linear.scatter [tilespmem:s25], [sflag:$0x6], $0x2D00, $0x38;
	[tilespmem:$0x15C20] =	vst v63  }
0x167: {  	_ =	swait.ge [sflag:s20], $0x2D00  }
0x168: {  	[sflag:s20] =	ssyncset.done $0x0  }
0x169: {  	[sflag:s20] =	ssyncadd.s32 $0xFFFFD300  }
0x16a: {  	_ =	swait.ge [sflag:s21], $0x2D00  }
0x16b: {  	[sflag:s21] =	ssyncset.done $0x0  }
0x16c: {  	[sflag:s21] =	ssyncadd.s32 $0xFFFFD300  }
0x16d: {  	_ =	swait.ge [sflag:s26], $0x2D00  }
0x16e: {  	[sflag:s26] =	ssyncset.done $0x0  }
0x16f: {  	s1 =	simm.s32 $0x4EB0;
	[sflag:s26] =	ssyncadd.s32 $0xFFFFD300  }
0x170: {  	s17 =	simm.s32 $0xA8B0;
	v0 =	vld [tilespmem:s1+$0xFFFFFF70]  }
0x171: {  	v1 =	vld [tilespmem:s17+$0xFFFFFF70];
	_ =	sdelay $0x4  }
0x172: {  	v0 =	vadd.f32 v1, v0  }
0x173: {  	s0 =	simm.s32 $0x102B0  }
0x174: {  	[tilespmem:s0+$0xFFFFFF70] =	vst v0  }
0x175: {  	v0 =	vld [tilespmem:s17+$0xFFFFFF80]  }
0x176: {  	v49 =	vld [tilespmem:s1+$0xFFFFFF80];
	_ =	sdelay $0x4  }
0x177: {  	v0 =	vadd.f32 v0, v49;
	_ =	sdelay $0x1  }
0x178: {  	[tilespmem:s0+$0xFFFFFF80] =	vst v0  }
0x179: {  	v0 =	vld [tilespmem:s1+$0xFFFFFF90]  }
0x17a: {  	v50 =	vld [tilespmem:s17+$0xFFFFFF90];
	_ =	sdelay $0x4  }
0x17b: {  	v0 =	vadd.f32 v50, v0;
	_ =	sdelay $0x1  }
0x17c: {  	[tilespmem:s0+$0xFFFFFF90] =	vst v0  }
0x17d: {  	v0 =	vld [tilespmem:s1+$0xFFFFFFA0]  }
0x17e: {  	v51 =	vld [tilespmem:s17+$0xFFFFFFA0];
	_ =	sdelay $0x4  }
0x17f: {  	v0 =	vadd.f32 v51, v0;
	_ =	sdelay $0x1  }
0x180: {  	[tilespmem:s0+$0xFFFFFFA0] =	vst v0  }
0x181: {  	v0 =	vld [tilespmem:s1+$0xFFFFFFB0]  }
0x182: {  	v52 =	vld [tilespmem:s17+$0xFFFFFFB0];
	_ =	sdelay $0x4  }
0x183: {  	v0 =	vadd.f32 v52, v0;
	_ =	sdelay $0x1  }
0x184: {  	[tilespmem:s0+$0xFFFFFFB0] =	vst v0  }
0x185: {  	v0 =	vld [tilespmem:s1+$0xFFFFFFC0]  }
0x186: {  	v53 =	vld [tilespmem:s17+$0xFFFFFFC0];
	_ =	sdelay $0x4  }
0x187: {  	v0 =	vadd.f32 v53, v0;
	_ =	sdelay $0x1  }
0x188: {  	[tilespmem:s0+$0xFFFFFFC0] =	vst v0  }
0x189: {  	v0 =	vld [tilespmem:s1+$0xFFFFFFD0]  }
0x18a: {  	v54 =	vld [tilespmem:s17+$0xFFFFFFD0];
	_ =	sdelay $0x4  }
0x18b: {  	v0 =	vadd.f32 v54, v0;
	_ =	sdelay $0x1  }
0x18c: {  	[tilespmem:s0+$0xFFFFFFD0] =	vst v0  }
0x18d: {  	v0 =	vld [tilespmem:s1+$0xFFFFFFE0]  }
0x18e: {  	v55 =	vld [tilespmem:s17+$0xFFFFFFE0];
	_ =	sdelay $0x4  }
0x18f: {  	v0 =	vadd.f32 v55, v0;
	_ =	sdelay $0x1  }
0x190: {  	[tilespmem:s0+$0xFFFFFFE0] =	vst v0  }
0x191: {  	v0 =	vld [tilespmem:s1+$0xFFFFFFF0]  }
0x192: {  	v56 =	vld [tilespmem:s17+$0xFFFFFFF0];
	_ =	sdelay $0x4  }
0x193: {  	v0 =	vadd.f32 v56, v0;
	_ =	sdelay $0x1  }
0x194: {  	[tilespmem:s0+$0xFFFFFFF0] =	vst v0  }
0x195: {  	v0 =	vld [tilespmem:s1+$0x0]  }
0x196: {  	v57 =	vld [tilespmem:s17+$0x0];
	_ =	sdelay $0x4  }
0x197: {  	v0 =	vadd.f32 v57, v0;
	_ =	sdelay $0x1  }
0x198: {  	[tilespmem:s0+$0x0] =	vst v0  }
0x199: {  	v0 =	vld [tilespmem:s1+$0x10]  }
0x19a: {  	v58 =	vld [tilespmem:s17+$0x10];
	_ =	sdelay $0x4  }
0x19b: {  	v0 =	vadd.f32 v58, v0;
	_ =	sdelay $0x1  }
0x19c: {  	[tilespmem:s0+$0x10] =	vst v0  }
0x19d: {  	v0 =	vld [tilespmem:s1+$0x20]  }
0x19e: {  	v59 =	vld [tilespmem:s17+$0x20];
	_ =	sdelay $0x4  }
0x19f: {  	v0 =	vadd.f32 v59, v0;
	_ =	sdelay $0x1  }
0x1a0: {  	[tilespmem:s0+$0x20] =	vst v0  }
0x1a1: {  	v0 =	vld [tilespmem:s1+$0x30]  }
0x1a2: {  	v60 =	vld [tilespmem:s17+$0x30];
	_ =	sdelay $0x4  }
0x1a3: {  	v0 =	vadd.f32 v60, v0;
	_ =	sdelay $0x1  }
0x1a4: {  	[tilespmem:s0+$0x30] =	vst v0  }
0x1a5: {  	v0 =	vld [tilespmem:s1+$0x40]  }
0x1a6: {  	v61 =	vld [tilespmem:s17+$0x40];
	_ =	sdelay $0x4  }
0x1a7: {  	v0 =	vadd.f32 v61, v0;
	_ =	sdelay $0x1  }
0x1a8: {  	[tilespmem:s0+$0x40] =	vst v0  }
0x1a9: {  	v0 =	vld [tilespmem:s1+$0x50]  }
0x1aa: {  	v62 =	vld [tilespmem:s17+$0x50];
	_ =	sdelay $0x4  }
0x1ab: {  	v0 =	vadd.f32 v62, v0;
	_ =	sdelay $0x1  }
0x1ac: {  	[tilespmem:s0+$0x50] =	vst v0  }
0x1ad: {  	v0 =	vld [tilespmem:s1+$0x60]  }
0x1ae: {  	v63 =	vld [tilespmem:s17+$0x60];
	_ =	sdelay $0x4  }
0x1af: {  	v0 =	vadd.f32 v63, v0  }
0x1b0: {  	s19 =	simm.s32 $0x0  }
0x1b1: {  	s13 =	simm.s32 $0x103D0;
	s7 =	simm.s32 $0x4EB0;
	s18 =	simm.s32 $0xA8B0;
	[tilespmem:s0+$0x60] =	vst v0  }
.LBB2_8:
0x1b2: {  	s19 =	sadd.s32 $0x2, s19;
	v0 =	vld [tilespmem:s1+$0x70];
	s7 =	sadd.s32 $0x120, s7;
	s17 =	sadd.s32 $0x120, s17  }
0x1b3: {  	p0 =	slt.u32 s19, $0x4E;
	v1 =	vld [tilespmem:s18+$0x70];
	_ =	sdelay $0x4  }
0x1b4: {  	v0 =	vadd.f32 v1, v0;
	_ =	sdelay $0x1  }
0x1b5: {  	[tilespmem:s0+$0x70] =	vst v0  }
0x1b6: {  	v0 =	vld [tilespmem:s1+$0x80];
	s1 =	smov.u32 s7  }
0x1b7: {  	v1 =	vld [tilespmem:s18+$0x80];
	s18 =	smov.u32 s17;
	_ =	sdelay $0x4  }
0x1b8: {  	v0 =	vadd.f32 v1, v0;
	_ =	sdelay $0x1  }
0x1b9: {  	[tilespmem:s0+$0x80] =	vst v0;
	s0 =	smov.u32 s13  }
0x1ba: {  	v0 =	vld [tilespmem:s7+$0xFFFFFF70]  }
0x1bb: {  	v1 =	vld [tilespmem:s17+$0xFFFFFF70];
	_ =	sdelay $0x4  }
0x1bc: {  	v0 =	vadd.f32 v1, v0;
	_ =	sdelay $0x1  }
0x1bd: {  	[tilespmem:s13+$0xFFFFFF70] =	vst v0  }
0x1be: {  	v0 =	vld [tilespmem:s17+$0xFFFFFF80]  }
0x1bf: {  	v1 =	vld [tilespmem:s7+$0xFFFFFF80];
	_ =	sdelay $0x4  }
0x1c0: {  	v0 =	vadd.f32 v0, v1;
	_ =	sdelay $0x1  }
0x1c1: {  	[tilespmem:s13+$0xFFFFFF80] =	vst v0  }
0x1c2: {  	v0 =	vld [tilespmem:s7+$0xFFFFFF90]  }
0x1c3: {  	v1 =	vld [tilespmem:s17+$0xFFFFFF90];
	_ =	sdelay $0x4  }
0x1c4: {  	v0 =	vadd.f32 v1, v0;
	_ =	sdelay $0x1  }
0x1c5: {  	[tilespmem:s13+$0xFFFFFF90] =	vst v0  }
0x1c6: {  	v0 =	vld [tilespmem:s7+$0xFFFFFFA0]  }
0x1c7: {  	v1 =	vld [tilespmem:s17+$0xFFFFFFA0];
	_ =	sdelay $0x4  }
0x1c8: {  	v0 =	vadd.f32 v1, v0;
	_ =	sdelay $0x1  }
0x1c9: {  	[tilespmem:s13+$0xFFFFFFA0] =	vst v0  }
0x1ca: {  	v0 =	vld [tilespmem:s7+$0xFFFFFFB0]  }
0x1cb: {  	v1 =	vld [tilespmem:s17+$0xFFFFFFB0];
	_ =	sdelay $0x4  }
0x1cc: {  	v0 =	vadd.f32 v1, v0;
	_ =	sdelay $0x1  }
0x1cd: {  	[tilespmem:s13+$0xFFFFFFB0] =	vst v0  }
0x1ce: {  	v0 =	vld [tilespmem:s7+$0xFFFFFFC0]  }
0x1cf: {  	v1 =	vld [tilespmem:s17+$0xFFFFFFC0];
	_ =	sdelay $0x4  }
0x1d0: {  	v0 =	vadd.f32 v1, v0;
	_ =	sdelay $0x1  }
0x1d1: {  	[tilespmem:s13+$0xFFFFFFC0] =	vst v0  }
0x1d2: {  	v0 =	vld [tilespmem:s7+$0xFFFFFFD0]  }
0x1d3: {  	v1 =	vld [tilespmem:s17+$0xFFFFFFD0];
	_ =	sdelay $0x4  }
0x1d4: {  	v0 =	vadd.f32 v1, v0;
	_ =	sdelay $0x1  }
0x1d5: {  	[tilespmem:s13+$0xFFFFFFD0] =	vst v0  }
0x1d6: {  	v0 =	vld [tilespmem:s7+$0xFFFFFFE0]  }
0x1d7: {  	v1 =	vld [tilespmem:s17+$0xFFFFFFE0];
	_ =	sdelay $0x4  }
0x1d8: {  	v0 =	vadd.f32 v1, v0;
	_ =	sdelay $0x1  }
0x1d9: {  	[tilespmem:s13+$0xFFFFFFE0] =	vst v0  }
0x1da: {  	v0 =	vld [tilespmem:s7+$0xFFFFFFF0]  }
0x1db: {  	v1 =	vld [tilespmem:s17+$0xFFFFFFF0];
	_ =	sdelay $0x4  }
0x1dc: {  	v0 =	vadd.f32 v1, v0;
	_ =	sdelay $0x1  }
0x1dd: {  	[tilespmem:s13+$0xFFFFFFF0] =	vst v0  }
0x1de: {  	v0 =	vld [tilespmem:s7+$0x0]  }
0x1df: {  	v1 =	vld [tilespmem:s17+$0x0];
	_ =	sdelay $0x4  }
0x1e0: {  	v0 =	vadd.f32 v1, v0;
	_ =	sdelay $0x1  }
0x1e1: {  	[tilespmem:s13+$0x0] =	vst v0  }
0x1e2: {  	v0 =	vld [tilespmem:s7+$0x10]  }
0x1e3: {  	v1 =	vld [tilespmem:s17+$0x10];
	_ =	sdelay $0x4  }
0x1e4: {  	v0 =	vadd.f32 v1, v0;
	_ =	sdelay $0x1  }
0x1e5: {  	[tilespmem:s13+$0x10] =	vst v0  }
0x1e6: {  	v0 =	vld [tilespmem:s7+$0x20]  }
0x1e7: {  	v1 =	vld [tilespmem:s17+$0x20];
	_ =	sdelay $0x4  }
0x1e8: {  	v0 =	vadd.f32 v1, v0;
	_ =	sdelay $0x1  }
0x1e9: {  	[tilespmem:s13+$0x20] =	vst v0  }
0x1ea: {  	v0 =	vld [tilespmem:s7+$0x30]  }
0x1eb: {  	v1 =	vld [tilespmem:s17+$0x30];
	_ =	sdelay $0x4  }
0x1ec: {  	v0 =	vadd.f32 v1, v0;
	_ =	sdelay $0x1  }
0x1ed: {  	[tilespmem:s13+$0x30] =	vst v0  }
0x1ee: {  	v0 =	vld [tilespmem:s7+$0x40]  }
0x1ef: {  	v1 =	vld [tilespmem:s17+$0x40];
	_ =	sdelay $0x4  }
0x1f0: {  	v0 =	vadd.f32 v1, v0;
	_ =	sdelay $0x1  }
0x1f1: {  	[tilespmem:s13+$0x40] =	vst v0  }
0x1f2: {  	v0 =	vld [tilespmem:s7+$0x50]  }
0x1f3: {  	v1 =	vld [tilespmem:s17+$0x50];
	_ =	sdelay $0x4  }
0x1f4: {  	v0 =	vadd.f32 v1, v0;
	_ =	sdelay $0x1  }
0x1f5: {  	[tilespmem:s13+$0x50] =	vst v0  }
0x1f6: {  	v0 =	vld [tilespmem:s7+$0x60]  }
0x1f7: {  	v1 =	vld [tilespmem:s17+$0x60];
	_ =	sdelay $0x2  }
.Ltmp3:
0x1f8: {  	(pc) =	sbr.rel @p0 .LBB2_8-.Ltmp3, $3  }
0x1f9: {  	_ = 	snop  }
0x1fa: {  	v0 =	vadd.f32 v1, v0;
	_ =	sdelay $0x1  }
0x1fb: {  	s13 =	sadd.s32 $0x120, s13;
	[tilespmem:s0+$0x60] =	vst v0  }
0x1fc: {  	v0 =	vld [tilespmem:s1+$0x70]  }
0x1fd: {  	v1 =	vld [tilespmem:s18+$0x70];
	_ =	sdelay $0x4  }
0x1fe: {  	v0 =	vadd.f32 v1, v0;
	_ =	sdelay $0x1  }
0x1ff: {  	[tilespmem:s0+$0x70] =	vst v0  }
0x200: {  	v0 =	vld [tilespmem:s1+$0x80]  }
0x201: {  	v63 =	vld [tilespmem:s18+$0x80];
	_ =	sdelay $0x4  }
0x202: {  	v0 =	vadd.f32 v63, v0;
	_ =	sdelay $0x1  }
0x203: {  	s29 =	sadd.s32 $0x1, s29;
	[tilespmem:s0+$0x80] =	vst v0  }
0x204: {  	[hbm4b:s10+s2] =	stream.linear.scatter [tilespmem:s22], [sflag:$0x5], $0x2D00, $0x38;
	[tilespmem:$0x15C20] =	vst v63  }
0x205: {  	p0 =	sne.s32 s29, s11;
	_ =	swait.ge [sflag:s28], $0x2D00  }
.Ltmp4:
0x206: {  	[sflag:s28] =	ssyncset.done $0x0;
	(pc) =	sbr.rel @p0 .LBB2_1-.Ltmp4, $4  }
0x207: {  	[sflag:s28] =	ssyncadd.s32 $0xFFFFD300  }
0x208: {  	_ =	swait.ge [sflag:s26], $0x2D00  }
0x209: {  	[sflag:s26] =	ssyncset.done $0x0  }
0x20a: {  	[sflag:s26] =	ssyncadd.s32 $0xFFFFD300  }
0x20b: {  	_ =	sfence.sel $0x180000  }
0x20c: {  	[bflag:$0x0] =	sbarrier.arrive $0xFFFF  }
0x20d: {  	_ =	strace $0x90000047  }
0x20e: {  	s0 =	stileid.u32;
	[bflag:$0x2] =	sbarrier.arrive $0xFFFF  }
0x20f: {  	p0 =	sne.s32 s0, $0x0;
	s0 =	rddreg [dreg:$0x1]  }
0x210: {  	s0 =	sadd.s32 @!p0 $0x100000, s0  }
0x211: {  	[sflag:s0] =	ssyncadd.tile.s32 @!p0 $0x1;
	_ =	shalt  }
.Lfunc_end2:
_tile_overlayer_lowered:
.L_overlay_start_2:
0x212: {  	(tag) =	ssettag $0x2  }
0x213: {  	s0 =	rddreg [dreg:$0x0];
	s2 =	stileid.u32  }
0x214: {  	s1 =	rddreg [dreg:$0x1];
	p0 =	sne.s32 s2, $0x0  }
0x215: {  	s3 =	rddreg [dreg:$0x2];
	[bflag:$0x3] =	sbarrier.arrive $0xFFFF;
	s2 =	simm.s32 @!p0 $0x1C07  }
0x216: {  	[timem:s3], [sflag:s2] =	dma.local @!p0 [hbm:s0], s1  }
0x217: {  	s0 =	simm.s32 @!p0 $0x7  }
0x218: {  	_ =	swait.ge @!p0 [sflag:s0], s1  }
0x219: {  	s1 =	ssub.s32 @!p0 $0x0, s1;
	[sflag:s0] =	ssyncset.done @!p0 $0x0  }
0x21a: {  	[sflag:s0] =	ssyncadd.s32 @!p0 s1  }
0x21b: {  	[bflag:$0x3] =	sbarrier.arrive $0xFFFF  }
0x21c: {  	_ =	shalt  }

</sc_bundles>
